<compile_context>
chip_gen: v7x
topology: tpu7x:2x2x1
jax: 0.10.2.dev20260603
libtpu: 0.0.44.dev20260713+nightly
codegen_flags: <defaults>
</compile_context>

<pallas_src>
import functools

import jax
import jax.numpy as jnp
from jax import lax
from jax.experimental import pallas as pl
from jax.experimental.pallas import tpu as pltpu
from jax.experimental.pallas import tpu_sc as plsc

_B = 16384
_NUM = 13
_F = 26
_V = 100000
_D = 16
_H1 = 256
_H2 = 128
_C = 10

_NW = 32
_NTASK = _F * _D
_TPW = _NTASK // _NW
_CHB = 8192
_NCB = _B // _CHB


def _make_gather():
    mesh = plsc.VectorSubcoreMesh(core_axis_name="c", subcore_axis_name="s")

    @functools.partial(
        pl.kernel,
        mesh=mesh,
        out_type=jax.ShapeDtypeStruct((_F, _D, _B), jnp.float32),
        scratch_types=[
            pltpu.VMEM((_V,), jnp.float32),
            pltpu.VMEM((_B,), jnp.int32),
            pltpu.VMEM((_CHB,), jnp.float32),
        ],
        compiler_params=pltpu.CompilerParams(needs_layout_passes=False),
    )
    def gather_k(tabT_hbm, catT_hbm, out_hbm, row_v, idx_v, val_v):
        wid = lax.axis_index("s") * 2 + lax.axis_index("c")

        def do_block(cb):
            def body(i, carry):
                val_v[pl.ds(i * 16, 16)] = plsc.load_gather(
                    row_v, [idx_v[pl.ds(cb * _CHB + i * 16, 16)]])
                return carry
            lax.fori_loop(0, _CHB // 16, body, 0)

        f_prev = (wid * _TPW) // _D
        pltpu.sync_copy(catT_hbm.at[f_prev], idx_v)
        for t in range(_TPW):
            task = wid * _TPW + t
            f = task // _D
            d = task % _D

            @pl.when(f != f_prev)
            def _():
                pltpu.sync_copy(catT_hbm.at[f], idx_v)

            pltpu.sync_copy(tabT_hbm.at[f, d], row_v)
            for cb in range(_NCB):
                do_block(cb)
                pltpu.sync_copy(val_v, out_hbm.at[f, d, pl.ds(cb * _CHB, _CHB)])
            f_prev = f

    return gather_k


_gather = _make_gather()

_BN = 2048


def _mlp_body(numT_ref, embT_ref, w1nT_ref, w1eT_ref, b1_ref, w2T_ref,
              b2_ref, w3T_ref, b3_ref, outT_ref):
    h1 = jnp.dot(w1eT_ref[...].astype(jnp.bfloat16),
                 embT_ref[...].astype(jnp.bfloat16),
                 preferred_element_type=jnp.float32)
    h1 += jnp.dot(w1nT_ref[...], numT_ref[...], preferred_element_type=jnp.float32)
    h1 = jnp.maximum(h1 + b1_ref[...], 0.0)
    h2 = jnp.dot(w2T_ref[...], h1, preferred_element_type=jnp.float32)
    h2 = jnp.maximum(h2 + b2_ref[...], 0.0)
    outT_ref[...] = (
        jnp.dot(w3T_ref[...], h2, preferred_element_type=jnp.float32) + b3_ref[...]
    )


def _mlp(numT, embT, W1nT, W1eT, b1, W2T, b2, W3T, b3):
    full = lambda shape: pl.BlockSpec(shape, lambda i: (0, 0))
    return pl.pallas_call(
        _mlp_body,
        grid=(_B // _BN,),
        in_specs=[
            pl.BlockSpec((_NUM, _BN), lambda i: (0, i)),
            pl.BlockSpec((_F * _D, _BN), lambda i: (0, i)),
            full((_H1, _NUM)),
            full((_H1, _F * _D)),
            full((_H1, 1)),
            full((_H2, _H1)),
            full((_H2, 1)),
            full((_C, _H2)),
            full((_C, 1)),
        ],
        out_specs=pl.BlockSpec((_C, _BN), lambda i: (0, i)),
        out_shape=jax.ShapeDtypeStruct((_C, _B), jnp.float32),
    )(numT, embT, W1nT, W1eT, b1, W2T, b2, W3T, b3)


def kernel(num_x, cat_x, tables, W1, b1, W2, b2, W3, b3):
    tablesT = jnp.transpose(tables, (0, 2, 1))
    catT = cat_x.T
    numT = num_x.T
    embT3 = _gather(tablesT, catT)
    embT = embT3.reshape(_F * _D, _B)
    outT = _mlp(numT, embT,
                W1[:_NUM].T, W1[_NUM:].T, b1.reshape(_H1, 1),
                W2.T, b2.reshape(_H2, 1), W3.T, b3.reshape(_C, 1))
    return outT.T

# --- scband reference (transcript-rebuilt; emitter-appended) ---
"""Pipeline reference for scband-dwembedding-classifier-7241314861786 (READ-ONLY COPY).

The authoritative reference and input builder live on the scoring server;
editing this copy changes nothing except your own understanding.
"""

import jax, jax.numpy as jnp
import numpy as np

B = 16384
NUM = 13
F = 26
V = 100000
D = 16
H1 = 256
H2 = 128
C = 10
TOTAL = NUM + F * D


def setup_inputs(seed: int = 0) -> dict:
    key = jax.random.key(seed)
    ks = jax.random.split(key, 10)
    num_x = jax.random.normal(ks[0], (B, NUM), dtype=jnp.float32)
    cat_x = jax.random.randint(ks[1], (B, F), 0, V, dtype=jnp.int32)
    tables = jax.random.normal(ks[2], (F, V, D), dtype=jnp.float32) * 0.05
    W1 = jax.random.normal(ks[3], (TOTAL, H1), dtype=jnp.float32) * (1.0 / np.sqrt(TOTAL))
    b1 = jnp.zeros((H1,), dtype=jnp.float32)
    W2 = jax.random.normal(ks[4], (H1, H2), dtype=jnp.float32) * (1.0 / np.sqrt(H1))
    b2 = jnp.zeros((H2,), dtype=jnp.float32)
    W3 = jax.random.normal(ks[5], (H2, C), dtype=jnp.float32) * (1.0 / np.sqrt(H2))
    b3 = jnp.zeros((C,), dtype=jnp.float32)
    return {"num_x": num_x, "cat_x": cat_x, "tables": tables,
            "W1": W1, "b1": b1, "W2": W2, "b2": b2, "W3": W3, "b3": b3}


def reference(num_x, cat_x, tables, W1, b1, W2, b2, W3, b3):
    # per-field embedding lookup (gather), then concat
    embs = [jnp.take(tables[i], cat_x[:, i], axis=0) for i in range(F)]
    emb = jnp.concatenate(embs, axis=1)
    x = jnp.concatenate([num_x, emb], axis=1)
    h = jnp.maximum(x @ W1 + b1, 0.0)
    # dropout is identity in eval mode
    h = jnp.maximum(h @ W2 + b2, 0.0)
    out = h @ W3 + b3
    return out

if __name__ == "__main__":
    import jax
    _d = setup_inputs()
    print(jax.jit(kernel)(*tuple(_d.values())))

</pallas_src>

<mosaic_0001>
#map = affine_map<(d0, d1) -> (0, 0, 0)>
#map1 = affine_map<(d0, d1) -> (0, 0)>
module attributes {stable_mosaic.version = 14 : i64} {
  func.func @gather_k(%arg0: i32, %arg1: i32, %arg2: memref<26x16x100000xf32, #tpu.memory_space<hbm>>, %arg3: memref<26x16384xi32, #tpu.memory_space<hbm>>, %arg4: memref<26x16x16384xf32, #tpu.memory_space<hbm>>, %arg5: memref<100000xf32, #tpu.memory_space<vmem>>, %arg6: memref<16384xi32, #tpu.memory_space<vmem>>, %arg7: memref<8192xf32, #tpu.memory_space<vmem>>) attributes {dimension_semantics = [#tpu.dimension_semantics<core_parallel>, #tpu.dimension_semantics<subcore_parallel>], iteration_bounds = array<i64: 2, 16>, scalar_prefetch = 0 : i64, scratch_operands = 3 : i64, tpu.core_type = #tpu.core_type<sc_vector_subcore>, window_params = [{transform_indices = #map}, {transform_indices = #map1}, {transform_indices = #map}]} {
    %mul3A = arith.constant 2 : i32
    %mul3A_0 = arith.muli %arg1, %mul3A : i32
    %add3A = arith.addi %mul3A_0, %arg0 : i32
    %mul3A_1 = arith.constant 13 : i32
    %mul3A_2 = arith.muli %add3A, %mul3A_1 : i32
    %jit3A = arith.constant 16 : i32
    %div3A = arith.divsi %mul3A_2, %jit3A : i32
    %sign3A = arith.constant 0 : i32
    %sign3A_3 = arith.cmpi sgt, %mul3A_2, %sign3A : i32
    %sign3A_4 = arith.extui %sign3A_3 : i1 to i32
    %sign3A_5 = arith.constant 0 : i32
    %sign3A_6 = arith.cmpi slt, %mul3A_2, %sign3A_5 : i32
    %sign3A_7 = arith.extui %sign3A_6 : i1 to i32
    %sign3A_8 = arith.subi %sign3A_4, %sign3A_7 : i32
    %sign3A_9 = arith.constant 0 : i32
    %sign3A_10 = arith.cmpi sgt, %jit3A, %sign3A_9 : i32
    %sign3A_11 = arith.extui %sign3A_10 : i1 to i32
    %sign3A_12 = arith.constant 0 : i32
    %sign3A_13 = arith.cmpi slt, %jit3A, %sign3A_12 : i32
    %sign3A_14 = arith.extui %sign3A_13 : i1 to i32
    %sign3A_15 = arith.subi %sign3A_11, %sign3A_14 : i32
    %ne3A = arith.cmpi ne, %sign3A_8, %sign3A_15 : i32
    %rem3A = arith.remsi %mul3A_2, %jit3A : i32
    %ne3A_16 = arith.constant 0 : i32
    %ne3A_17 = arith.cmpi ne, %rem3A, %ne3A_16 : i32
    %and3A = arith.andi %ne3A, %ne3A_17 : i1
    %sub3A = arith.constant 1 : i32
    %sub3A_18 = arith.subi %div3A, %sub3A : i32
    %select_n3A = arith.select %and3A, %sub3A_18, %div3A : i32
    "tpu.region"() ({
      %run_scoped3A = tpu.sem_alloc : memref<!tpu.dma_semaphore, #tpu.memory_space<semaphore_mem>>
      %dma_start3A = arith.constant 0 : i32
      %dma_start3A_794 = tpu.memref_slice %arg3[%select_n3A, %dma_start3A] : memref<26x16384xi32, #tpu.memory_space<hbm>> -> memref<1x16384xi32, #tpu.memory_space<hbm>>
      %dma_start3A_795 = tpu.memref_squeeze %dma_start3A_794 : memref<1x16384xi32, #tpu.memory_space<hbm>> -> memref<16384xi32, #tpu.memory_space<hbm>>
      %dma_start3A_796 = arith.constant 0 : i32
      %dma_start3A_797 = tpu.memref_slice %arg3[%select_n3A, %dma_start3A_796] : memref<26x16384xi32, #tpu.memory_space<hbm>> -> memref<1x16384xi32, #tpu.memory_space<hbm>>
      %dma_start3A_798 = tpu.memref_squeeze %dma_start3A_797 : memref<1x16384xi32, #tpu.memory_space<hbm>> -> memref<16384xi32, #tpu.memory_space<hbm>>
      tpu.enqueue_dma source(%dma_start3A_798 : memref<16384xi32, #tpu.memory_space<hbm>>) target(%arg6 : memref<16384xi32, #tpu.memory_space<vmem>>) target_semaphore(%run_scoped3A : memref<!tpu.dma_semaphore, #tpu.memory_space<semaphore_mem>>)
      %dma_wait3A = arith.constant 0 : i32
      %dma_wait3A_799 = tpu.memref_slice %arg3[%select_n3A, %dma_wait3A] : memref<26x16384xi32, #tpu.memory_space<hbm>> -> memref<1x16384xi32, #tpu.memory_space<hbm>>
      %dma_wait3A_800 = tpu.memref_squeeze %dma_wait3A_799 : memref<1x16384xi32, #tpu.memory_space<hbm>> -> memref<16384xi32, #tpu.memory_space<hbm>>
      %dma_wait3A_801 = arith.constant 0 : i32
      %dma_wait3A_802 = tpu.memref_slice %arg3[%select_n3A, %dma_wait3A_801] : memref<26x16384xi32, #tpu.memory_space<hbm>> -> memref<1x16384xi32, #tpu.memory_space<hbm>>
      %dma_wait3A_803 = tpu.memref_squeeze %dma_wait3A_802 : memref<1x16384xi32, #tpu.memory_space<hbm>> -> memref<16384xi32, #tpu.memory_space<hbm>>
      tpu.wait_dma2 semaphore(%run_scoped3A : memref<!tpu.dma_semaphore, #tpu.memory_space<semaphore_mem>>) src(%dma_wait3A_803 : memref<16384xi32, #tpu.memory_space<hbm>>) dst(%arg6 : memref<16384xi32, #tpu.memory_space<vmem>>)
      tpu.yield
    }) : () -> ()
    %mul3A_19 = arith.constant 13 : i32
    %mul3A_20 = arith.muli %add3A, %mul3A_19 : i32
    %add3A_21 = arith.constant 0 : i32
    %add3A_22 = arith.addi %mul3A_20, %add3A_21 : i32
    %jit3A_23 = arith.constant 16 : i32
    %div3A_24 = arith.divsi %add3A_22, %jit3A_23 : i32
    %sign3A_25 = arith.constant 0 : i32
    %sign3A_26 = arith.cmpi sgt, %add3A_22, %sign3A_25 : i32
    %sign3A_27 = arith.extui %sign3A_26 : i1 to i32
    %sign3A_28 = arith.constant 0 : i32
    %sign3A_29 = arith.cmpi slt, %add3A_22, %sign3A_28 : i32
    %sign3A_30 = arith.extui %sign3A_29 : i1 to i32
    %sign3A_31 = arith.subi %sign3A_27, %sign3A_30 : i32
    %sign3A_32 = arith.constant 0 : i32
    %sign3A_33 = arith.cmpi sgt, %jit3A_23, %sign3A_32 : i32
    %sign3A_34 = arith.extui %sign3A_33 : i1 to i32
    %sign3A_35 = arith.constant 0 : i32
    %sign3A_36 = arith.cmpi slt, %jit3A_23, %sign3A_35 : i32
    %sign3A_37 = arith.extui %sign3A_36 : i1 to i32
    %sign3A_38 = arith.subi %sign3A_34, %sign3A_37 : i32
    %ne3A_39 = arith.cmpi ne, %sign3A_31, %sign3A_38 : i32
    %rem3A_40 = arith.remsi %add3A_22, %jit3A_23 : i32
    %ne3A_41 = arith.constant 0 : i32
    %ne3A_42 = arith.cmpi ne, %rem3A_40, %ne3A_41 : i32
    %and3A_43 = arith.andi %ne3A_39, %ne3A_42 : i1
    %sub3A_44 = arith.constant 1 : i32
    %sub3A_45 = arith.subi %div3A_24, %sub3A_44 : i32
    %select_n3A_46 = arith.select %and3A_43, %sub3A_45, %div3A_24 : i32
    %jit3A_47 = arith.constant 16 : i32
    %eq3A = arith.constant 0 : i32
    %eq3A_48 = arith.cmpi eq, %jit3A_47, %eq3A : i32
    %jit3A_49 = arith.constant 1 : i32
    %select_n3A_50 = arith.select %eq3A_48, %jit3A_49, %jit3A_47 : i32
    %rem3A_51 = arith.remsi %add3A_22, %select_n3A_50 : i32
    %ne3A_52 = arith.constant 0 : i32
    %ne3A_53 = arith.cmpi ne, %rem3A_51, %ne3A_52 : i32
    %lt3A = arith.constant 0 : i32
    %lt3A_54 = arith.cmpi slt, %rem3A_51, %lt3A : i32
    %lt3A_55 = arith.constant 0 : i32
    %lt3A_56 = arith.cmpi slt, %select_n3A_50, %lt3A_55 : i32
    %ne3A_57 = arith.xori %lt3A_54, %lt3A_56 : i1
    %and3A_58 = arith.andi %ne3A_57, %ne3A_53 : i1
    %add3A_59 = arith.addi %rem3A_51, %select_n3A_50 : i32
    %select_n3A_60 = arith.select %and3A_58, %add3A_59, %rem3A_51 : i32
    %ne3A_61 = arith.cmpi ne, %select_n3A_46, %select_n3A : i32
    %convert_element_type3A = arith.extui %ne3A_61 : i1 to i32
    %cond3A = arith.constant 0 : i32
    %cond3A_62 = arith.cmpi ne, %convert_element_type3A, %cond3A : i32
    scf.if %cond3A_62 {
      "tpu.region"() ({
        %run_scoped3A = tpu.sem_alloc : memref<!tpu.dma_semaphore, #tpu.memory_space<semaphore_mem>>
        %dma_start3A = arith.constant 0 : i32
        %dma_start3A_794 = tpu.memref_slice %arg3[%select_n3A_46, %dma_start3A] : memref<26x16384xi32, #tpu.memory_space<hbm>> -> memref<1x16384xi32, #tpu.memory_space<hbm>>
        %dma_start3A_795 = tpu.memref_squeeze %dma_start3A_794 : memref<1x16384xi32, #tpu.memory_space<hbm>> -> memref<16384xi32, #tpu.memory_space<hbm>>
        %dma_start3A_796 = arith.constant 0 : i32
        %dma_start3A_797 = tpu.memref_slice %arg3[%select_n3A_46, %dma_start3A_796] : memref<26x16384xi32, #tpu.memory_space<hbm>> -> memref<1x16384xi32, #tpu.memory_space<hbm>>
        %dma_start3A_798 = tpu.memref_squeeze %dma_start3A_797 : memref<1x16384xi32, #tpu.memory_space<hbm>> -> memref<16384xi32, #tpu.memory_space<hbm>>
        tpu.enqueue_dma source(%dma_start3A_798 : memref<16384xi32, #tpu.memory_space<hbm>>) target(%arg6 : memref<16384xi32, #tpu.memory_space<vmem>>) target_semaphore(%run_scoped3A : memref<!tpu.dma_semaphore, #tpu.memory_space<semaphore_mem>>)
        %dma_wait3A = arith.constant 0 : i32
        %dma_wait3A_799 = tpu.memref_slice %arg3[%select_n3A_46, %dma_wait3A] : memref<26x16384xi32, #tpu.memory_space<hbm>> -> memref<1x16384xi32, #tpu.memory_space<hbm>>
        %dma_wait3A_800 = tpu.memref_squeeze %dma_wait3A_799 : memref<1x16384xi32, #tpu.memory_space<hbm>> -> memref<16384xi32, #tpu.memory_space<hbm>>
        %dma_wait3A_801 = arith.constant 0 : i32
        %dma_wait3A_802 = tpu.memref_slice %arg3[%select_n3A_46, %dma_wait3A_801] : memref<26x16384xi32, #tpu.memory_space<hbm>> -> memref<1x16384xi32, #tpu.memory_space<hbm>>
        %dma_wait3A_803 = tpu.memref_squeeze %dma_wait3A_802 : memref<1x16384xi32, #tpu.memory_space<hbm>> -> memref<16384xi32, #tpu.memory_space<hbm>>
        tpu.wait_dma2 semaphore(%run_scoped3A : memref<!tpu.dma_semaphore, #tpu.memory_space<semaphore_mem>>) src(%dma_wait3A_803 : memref<16384xi32, #tpu.memory_space<hbm>>) dst(%arg6 : memref<16384xi32, #tpu.memory_space<vmem>>)
        tpu.yield
      }) : () -> ()
    } else {
    }
    "tpu.region"() ({
      %run_scoped3A = tpu.sem_alloc : memref<!tpu.dma_semaphore, #tpu.memory_space<semaphore_mem>>
      %dma_start3A = arith.constant 0 : i32
      %dma_start3A_794 = tpu.memref_slice %arg2[%select_n3A_46, %select_n3A_60, %dma_start3A] : memref<26x16x100000xf32, #tpu.memory_space<hbm>> -> memref<1x1x100000xf32, #tpu.memory_space<hbm>>
      %dma_start3A_795 = tpu.memref_squeeze %dma_start3A_794 : memref<1x1x100000xf32, #tpu.memory_space<hbm>> -> memref<100000xf32, #tpu.memory_space<hbm>>
      %dma_start3A_796 = arith.constant 0 : i32
      %dma_start3A_797 = tpu.memref_slice %arg2[%select_n3A_46, %select_n3A_60, %dma_start3A_796] : memref<26x16x100000xf32, #tpu.memory_space<hbm>> -> memref<1x1x100000xf32, #tpu.memory_space<hbm>>
      %dma_start3A_798 = tpu.memref_squeeze %dma_start3A_797 : memref<1x1x100000xf32, #tpu.memory_space<hbm>> -> memref<100000xf32, #tpu.memory_space<hbm>>
      tpu.enqueue_dma source(%dma_start3A_798 : memref<100000xf32, #tpu.memory_space<hbm>>) target(%arg5 : memref<100000xf32, #tpu.memory_space<vmem>>) target_semaphore(%run_scoped3A : memref<!tpu.dma_semaphore, #tpu.memory_space<semaphore_mem>>)
      %dma_wait3A = arith.constant 0 : i32
      %dma_wait3A_799 = tpu.memref_slice %arg2[%select_n3A_46, %select_n3A_60, %dma_wait3A] : memref<26x16x100000xf32, #tpu.memory_space<hbm>> -> memref<1x1x100000xf32, #tpu.memory_space<hbm>>
      %dma_wait3A_800 = tpu.memref_squeeze %dma_wait3A_799 : memref<1x1x100000xf32, #tpu.memory_space<hbm>> -> memref<100000xf32, #tpu.memory_space<hbm>>
      %dma_wait3A_801 = arith.constant 0 : i32
      %dma_wait3A_802 = tpu.memref_slice %arg2[%select_n3A_46, %select_n3A_60, %dma_wait3A_801] : memref<26x16x100000xf32, #tpu.memory_space<hbm>> -> memref<1x1x100000xf32, #tpu.memory_space<hbm>>
      %dma_wait3A_803 = tpu.memref_squeeze %dma_wait3A_802 : memref<1x1x100000xf32, #tpu.memory_space<hbm>> -> memref<100000xf32, #tpu.memory_space<hbm>>
      tpu.wait_dma2 semaphore(%run_scoped3A : memref<!tpu.dma_semaphore, #tpu.memory_space<semaphore_mem>>) src(%dma_wait3A_803 : memref<100000xf32, #tpu.memory_space<hbm>>) dst(%arg5 : memref<100000xf32, #tpu.memory_space<vmem>>)
      tpu.yield
    }) : () -> ()
    %scan3A = arith.constant 0 : i32
    %scan3A_63 = arith.constant 0 : i32
    %scan3A_64 = arith.constant 512 : i32
    %scan3A_65 = arith.addi %scan3A_63, %scan3A_64 : i32
    %scan3A_66 = arith.constant 1 : i32
    scf.for %scan3A_794 = %scan3A_63 to %scan3A_65 step %scan3A_66  : i32 {
      %mul3A_795 = arith.constant 16 : i32
      %mul3A_796 = arith.muli %scan3A_794, %mul3A_795 : i32
      %add3A_797 = arith.constant 0 : i32
      %add3A_798 = arith.addi %add3A_797, %mul3A_796 : i32
      %get3A = arith.index_cast %add3A_798 : i32 to index
      %get3A_799 = tpu.vector_load %arg6[%get3A] {strides = array<i32>} : memref<16384xi32, #tpu.memory_space<vmem>>, vector<16xi32>,
      %gather3A = tpu.vector_load_idx %arg5[%get3A_799] : memref<100000xf32, #tpu.memory_space<vmem>>[vector<16xi32>], vector<16xf32>,
      %mul3A_800 = arith.constant 16 : i32
      %mul3A_801 = arith.muli %scan3A_794, %mul3A_800 : i32
      %swap3A = arith.index_cast %mul3A_801 : i32 to index
      %swap3A_802 = tpu.vector_load %arg7[%swap3A] {strides = array<i32>} : memref<8192xf32, #tpu.memory_space<vmem>>, vector<16xf32>,
      tpu.vector_store %arg7[%swap3A], %gather3A {strides = array<i32>} : memref<8192xf32, #tpu.memory_space<vmem>>, vector<16xf32>,
    }
    %scan3A_67 = arith.constant 512 : i32
    "tpu.region"() ({
      %run_scoped3A = tpu.sem_alloc : memref<!tpu.dma_semaphore, #tpu.memory_space<semaphore_mem>>
      %dma_start3A = arith.constant 0 : i32
      %dma_start3A_794 = tpu.memref_slice %arg4[%select_n3A_46, %select_n3A_60, %dma_start3A] : memref<26x16x16384xf32, #tpu.memory_space<hbm>> -> memref<1x1x8192xf32, #tpu.memory_space<hbm>>
      %dma_start3A_795 = tpu.memref_squeeze %dma_start3A_794 : memref<1x1x8192xf32, #tpu.memory_space<hbm>> -> memref<8192xf32, #tpu.memory_space<hbm>>
      %dma_start3A_796 = arith.constant 0 : i32
      %dma_start3A_797 = tpu.memref_slice %arg4[%select_n3A_46, %select_n3A_60, %dma_start3A_796] : memref<26x16x16384xf32, #tpu.memory_space<hbm>> -> memref<1x1x8192xf32, #tpu.memory_space<hbm>>
      %dma_start3A_798 = tpu.memref_squeeze %dma_start3A_797 : memref<1x1x8192xf32, #tpu.memory_space<hbm>> -> memref<8192xf32, #tpu.memory_space<hbm>>
      tpu.enqueue_dma source(%arg7 : memref<8192xf32, #tpu.memory_space<vmem>>) target(%dma_start3A_798 : memref<8192xf32, #tpu.memory_space<hbm>>) target_semaphore(%run_scoped3A : memref<!tpu.dma_semaphore, #tpu.memory_space<semaphore_mem>>)
      %dma_wait3A = arith.constant 0 : i32
      %dma_wait3A_799 = tpu.memref_slice %arg4[%select_n3A_46, %select_n3A_60, %dma_wait3A] : memref<26x16x16384xf32, #tpu.memory_space<hbm>> -> memref<1x1x8192xf32, #tpu.memory_space<hbm>>
      %dma_wait3A_800 = tpu.memref_squeeze %dma_wait3A_799 : memref<1x1x8192xf32, #tpu.memory_space<hbm>> -> memref<8192xf32, #tpu.memory_space<hbm>>
      %dma_wait3A_801 = arith.constant 0 : i32
      %dma_wait3A_802 = tpu.memref_slice %arg4[%select_n3A_46, %select_n3A_60, %dma_wait3A_801] : memref<26x16x16384xf32, #tpu.memory_space<hbm>> -> memref<1x1x8192xf32, #tpu.memory_space<hbm>>
      %dma_wait3A_803 = tpu.memref_squeeze %dma_wait3A_802 : memref<1x1x8192xf32, #tpu.memory_space<hbm>> -> memref<8192xf32, #tpu.memory_space<hbm>>
      tpu.wait_dma2 semaphore(%run_scoped3A : memref<!tpu.dma_semaphore, #tpu.memory_space<semaphore_mem>>) src(%arg7 : memref<8192xf32, #tpu.memory_space<vmem>>) dst(%dma_wait3A_803 : memref<8192xf32, #tpu.memory_space<hbm>>)
      tpu.yield
    }) : () -> ()
    %scan3A_68 = arith.constant 0 : i32
    %scan3A_69 = arith.constant 0 : i32
    %scan3A_70 = arith.constant 512 : i32
    %scan3A_71 = arith.addi %scan3A_69, %scan3A_70 : i32
    %scan3A_72 = arith.constant 1 : i32
    scf.for %scan3A_794 = %scan3A_69 to %scan3A_71 step %scan3A_72  : i32 {
      %mul3A_795 = arith.constant 16 : i32
      %mul3A_796 = arith.muli %scan3A_794, %mul3A_795 : i32
      %add3A_797 = arith.constant 8192 : i32
      %add3A_798 = arith.addi %add3A_797, %mul3A_796 : i32
      %get3A = arith.index_cast %add3A_798 : i32 to index
      %get3A_799 = tpu.vector_load %arg6[%get3A] {strides = array<i32>} : memref<16384xi32, #tpu.memory_space<vmem>>, vector<16xi32>,
      %gather3A = tpu.vector_load_idx %arg5[%get3A_799] : memref<100000xf32, #tpu.memory_space<vmem>>[vector<16xi32>], vector<16xf32>,
      %mul3A_800 = arith.constant 16 : i32
      %mul3A_801 = arith.muli %scan3A_794, %mul3A_800 : i32
      %swap3A = arith.index_cast %mul3A_801 : i32 to index
      %swap3A_802 = tpu.vector_load %arg7[%swap3A] {strides = array<i32>} : memref<8192xf32, #tpu.memory_space<vmem>>, vector<16xf32>,
      tpu.vector_store %arg7[%swap3A], %gather3A {strides = array<i32>} : memref<8192xf32, #tpu.memory_space<vmem>>, vector<16xf32>,
    }
    %scan3A_73 = arith.constant 512 : i32
    "tpu.region"() ({
      %run_scoped3A = tpu.sem_alloc : memref<!tpu.dma_semaphore, #tpu.memory_space<semaphore_mem>>
      %dma_start3A = arith.constant 8192 : i32
      %dma_start3A_794 = tpu.memref_slice %arg4[%select_n3A_46, %select_n3A_60, %dma_start3A] : memref<26x16x16384xf32, #tpu.memory_space<hbm>> -> memref<1x1x8192xf32, #tpu.memory_space<hbm>>
      %dma_start3A_795 = tpu.memref_squeeze %dma_start3A_794 : memref<1x1x8192xf32, #tpu.memory_space<hbm>> -> memref<8192xf32, #tpu.memory_space<hbm>>
      %dma_start3A_796 = arith.constant 8192 : i32
      %dma_start3A_797 = tpu.memref_slice %arg4[%select_n3A_46, %select_n3A_60, %dma_start3A_796] : memref<26x16x16384xf32, #tpu.memory_space<hbm>> -> memref<1x1x8192xf32, #tpu.memory_space<hbm>>
      %dma_start3A_798 = tpu.memref_squeeze %dma_start3A_797 : memref<1x1x8192xf32, #tpu.memory_space<hbm>> -> memref<8192xf32, #tpu.memory_space<hbm>>
      tpu.enqueue_dma source(%arg7 : memref<8192xf32, #tpu.memory_space<vmem>>) target(%dma_start3A_798 : memref<8192xf32, #tpu.memory_space<hbm>>) target_semaphore(%run_scoped3A : memref<!tpu.dma_semaphore, #tpu.memory_space<semaphore_mem>>)
      %dma_wait3A = arith.constant 8192 : i32
      %dma_wait3A_799 = tpu.memref_slice %arg4[%select_n3A_46, %select_n3A_60, %dma_wait3A] : memref<26x16x16384xf32, #tpu.memory_space<hbm>> -> memref<1x1x8192xf32, #tpu.memory_space<hbm>>
      %dma_wait3A_800 = tpu.memref_squeeze %dma_wait3A_799 : memref<1x1x8192xf32, #tpu.memory_space<hbm>> -> memref<8192xf32, #tpu.memory_space<hbm>>
      %dma_wait3A_801 = arith.constant 8192 : i32
      %dma_wait3A_802 = tpu.memref_slice %arg4[%select_n3A_46, %select_n3A_60, %dma_wait3A_801] : memref<26x16x16384xf32, #tpu.memory_space<hbm>> -> memref<1x1x8192xf32, #tpu.memory_space<hbm>>
      %dma_wait3A_803 = tpu.memref_squeeze %dma_wait3A_802 : memref<1x1x8192xf32, #tpu.memory_space<hbm>> -> memref<8192xf32, #tpu.memory_space<hbm>>
      tpu.wait_dma2 semaphore(%run_scoped3A : memref<!tpu.dma_semaphore, #tpu.memory_space<semaphore_mem>>) src(%arg7 : memref<8192xf32, #tpu.memory_space<vmem>>) dst(%dma_wait3A_803 : memref<8192xf32, #tpu.memory_space<hbm>>)
      tpu.yield
    }) : () -> ()
    %mul3A_74 = arith.constant 13 : i32
    %mul3A_75 = arith.muli %add3A, %mul3A_74 : i32
    %add3A_76 = arith.constant 1 : i32
    %add3A_77 = arith.addi %mul3A_75, %add3A_76 : i32
    %jit3A_78 = arith.constant 16 : i32
    %div3A_79 = arith.divsi %add3A_77, %jit3A_78 : i32
    %sign3A_80 = arith.constant 0 : i32
    %sign3A_81 = arith.cmpi sgt, %add3A_77, %sign3A_80 : i32
    %sign3A_82 = arith.extui %sign3A_81 : i1 to i32
    %sign3A_83 = arith.constant 0 : i32
    %sign3A_84 = arith.cmpi slt, %add3A_77, %sign3A_83 : i32
    %sign3A_85 = arith.extui %sign3A_84 : i1 to i32
    %sign3A_86 = arith.subi %sign3A_82, %sign3A_85 : i32
    %sign3A_87 = arith.constant 0 : i32
    %sign3A_88 = arith.cmpi sgt, %jit3A_78, %sign3A_87 : i32
    %sign3A_89 = arith.extui %sign3A_88 : i1 to i32
    %sign3A_90 = arith.constant 0 : i32
    %sign3A_91 = arith.cmpi slt, %jit3A_78, %sign3A_90 : i32
    %sign3A_92 = arith.extui %sign3A_91 : i1 to i32
    %sign3A_93 = arith.subi %sign3A_89, %sign3A_92 : i32
    %ne3A_94 = arith.cmpi ne, %sign3A_86, %sign3A_93 : i32
    %rem3A_95 = arith.remsi %add3A_77, %jit3A_78 : i32
    %ne3A_96 = arith.constant 0 : i32
    %ne3A_97 = arith.cmpi ne, %rem3A_95, %ne3A_96 : i32
    %and3A_98 = arith.andi %ne3A_94, %ne3A_97 : i1
    %sub3A_99 = arith.constant 1 : i32
    %sub3A_100 = arith.subi %div3A_79, %sub3A_99 : i32
    %select_n3A_101 = arith.select %and3A_98, %sub3A_100, %div3A_79 : i32
    %jit3A_102 = arith.constant 16 : i32
    %eq3A_103 = arith.constant 0 : i32
    %eq3A_104 = arith.cmpi eq, %jit3A_102, %eq3A_103 : i32
    %jit3A_105 = arith.constant 1 : i32
    %select_n3A_106 = arith.select %eq3A_104, %jit3A_105, %jit3A_102 : i32
    %rem3A_107 = arith.remsi %add3A_77, %select_n3A_106 : i32
    %ne3A_108 = arith.constant 0 : i32
    %ne3A_109 = arith.cmpi ne, %rem3A_107, %ne3A_108 : i32
    %lt3A_110 = arith.constant 0 : i32
    %lt3A_111 = arith.cmpi slt, %rem3A_107, %lt3A_110 : i32
    %lt3A_112 = arith.constant 0 : i32
    %lt3A_113 = arith.cmpi slt, %select_n3A_106, %lt3A_112 : i32
    %ne3A_114 = arith.xori %lt3A_111, %lt3A_113 : i1
    %and3A_115 = arith.andi %ne3A_114, %ne3A_109 : i1
    %add3A_116 = arith.addi %rem3A_107, %select_n3A_106 : i32
    %select_n3A_117 = arith.select %and3A_115, %add3A_116, %rem3A_107 : i32
    %ne3A_118 = arith.cmpi ne, %select_n3A_101, %select_n3A_46 : i32
    %convert_element_type3A_119 = arith.extui %ne3A_118 : i1 to i32
    %cond3A_120 = arith.constant 0 : i32
    %cond3A_121 = arith.cmpi ne, %convert_element_type3A_119, %cond3A_120 : i32
    scf.if %cond3A_121 {
      "tpu.region"() ({
        %run_scoped3A = tpu.sem_alloc : memref<!tpu.dma_semaphore, #tpu.memory_space<semaphore_mem>>
        %dma_start3A = arith.constant 0 : i32
        %dma_start3A_794 = tpu.memref_slice %arg3[%select_n3A_101, %dma_start3A] : memref<26x16384xi32, #tpu.memory_space<hbm>> -> memref<1x16384xi32, #tpu.memory_space<hbm>>
        %dma_start3A_795 = tpu.memref_squeeze %dma_start3A_794 : memref<1x16384xi32, #tpu.memory_space<hbm>> -> memref<16384xi32, #tpu.memory_space<hbm>>
        %dma_start3A_796 = arith.constant 0 : i32
        %dma_start3A_797 = tpu.memref_slice %arg3[%select_n3A_101, %dma_start3A_796] : memref<26x16384xi32, #tpu.memory_space<hbm>> -> memref<1x16384xi32, #tpu.memory_space<hbm>>
        %dma_start3A_798 = tpu.memref_squeeze %dma_start3A_797 : memref<1x16384xi32, #tpu.memory_space<hbm>> -> memref<16384xi32, #tpu.memory_space<hbm>>
        tpu.enqueue_dma source(%dma_start3A_798 : memref<16384xi32, #tpu.memory_space<hbm>>) target(%arg6 : memref<16384xi32, #tpu.memory_space<vmem>>) target_semaphore(%run_scoped3A : memref<!tpu.dma_semaphore, #tpu.memory_space<semaphore_mem>>)
        %dma_wait3A = arith.constant 0 : i32
        %dma_wait3A_799 = tpu.memref_slice %arg3[%select_n3A_101, %dma_wait3A] : memref<26x16384xi32, #tpu.memory_space<hbm>> -> memref<1x16384xi32, #tpu.memory_space<hbm>>
        %dma_wait3A_800 = tpu.memref_squeeze %dma_wait3A_799 : memref<1x16384xi32, #tpu.memory_space<hbm>> -> memref<16384xi32, #tpu.memory_space<hbm>>
        %dma_wait3A_801 = arith.constant 0 : i32
        %dma_wait3A_802 = tpu.memref_slice %arg3[%select_n3A_101, %dma_wait3A_801] : memref<26x16384xi32, #tpu.memory_space<hbm>> -> memref<1x16384xi32, #tpu.memory_space<hbm>>
        %dma_wait3A_803 = tpu.memref_squeeze %dma_wait3A_802 : memref<1x16384xi32, #tpu.memory_space<hbm>> -> memref<16384xi32, #tpu.memory_space<hbm>>
        tpu.wait_dma2 semaphore(%run_scoped3A : memref<!tpu.dma_semaphore, #tpu.memory_space<semaphore_mem>>) src(%dma_wait3A_803 : memref<16384xi32, #tpu.memory_space<hbm>>) dst(%arg6 : memref<16384xi32, #tpu.memory_space<vmem>>)
        tpu.yield
      }) : () -> ()
    } else {
    }
    "tpu.region"() ({
      %run_scoped3A = tpu.sem_alloc : memref<!tpu.dma_semaphore, #tpu.memory_space<semaphore_mem>>
      %dma_start3A = arith.constant 0 : i32
      %dma_start3A_794 = tpu.memref_slice %arg2[%select_n3A_101, %select_n3A_117, %dma_start3A] : memref<26x16x100000xf32, #tpu.memory_space<hbm>> -> memref<1x1x100000xf32, #tpu.memory_space<hbm>>
      %dma_start3A_795 = tpu.memref_squeeze %dma_start3A_794 : memref<1x1x100000xf32, #tpu.memory_space<hbm>> -> memref<100000xf32, #tpu.memory_space<hbm>>
      %dma_start3A_796 = arith.constant 0 : i32
      %dma_start3A_797 = tpu.memref_slice %arg2[%select_n3A_101, %select_n3A_117, %dma_start3A_796] : memref<26x16x100000xf32, #tpu.memory_space<hbm>> -> memref<1x1x100000xf32, #tpu.memory_space<hbm>>
      %dma_start3A_798 = tpu.memref_squeeze %dma_start3A_797 : memref<1x1x100000xf32, #tpu.memory_space<hbm>> -> memref<100000xf32, #tpu.memory_space<hbm>>
      tpu.enqueue_dma source(%dma_start3A_798 : memref<100000xf32, #tpu.memory_space<hbm>>) target(%arg5 : memref<100000xf32, #tpu.memory_space<vmem>>) target_semaphore(%run_scoped3A : memref<!tpu.dma_semaphore, #tpu.memory_space<semaphore_mem>>)
      %dma_wait3A = arith.constant 0 : i32
      %dma_wait3A_799 = tpu.memref_slice %arg2[%select_n3A_101, %select_n3A_117, %dma_wait3A] : memref<26x16x100000xf32, #tpu.memory_space<hbm>> -> memref<1x1x100000xf32, #tpu.memory_space<hbm>>
      %dma_wait3A_800 = tpu.memref_squeeze %dma_wait3A_799 : memref<1x1x100000xf32, #tpu.memory_space<hbm>> -> memref<100000xf32, #tpu.memory_space<hbm>>
      %dma_wait3A_801 = arith.constant 0 : i32
      %dma_wait3A_802 = tpu.memref_slice %arg2[%select_n3A_101, %select_n3A_117, %dma_wait3A_801] : memref<26x16x100000xf32, #tpu.memory_space<hbm>> -> memref<1x1x100000xf32, #tpu.memory_space<hbm>>
      %dma_wait3A_803 = tpu.memref_squeeze %dma_wait3A_802 : memref<1x1x100000xf32, #tpu.memory_space<hbm>> -> memref<100000xf32, #tpu.memory_space<hbm>>
      tpu.wait_dma2 semaphore(%run_scoped3A : memref<!tpu.dma_semaphore, #tpu.memory_space<semaphore_mem>>) src(%dma_wait3A_803 : memref<100000xf32, #tpu.memory_space<hbm>>) dst(%arg5 : memref<100000xf32, #tpu.memory_space<vmem>>)
      tpu.yield
    }) : () -> ()
    %scan3A_122 = arith.constant 0 : i32
    %scan3A_123 = arith.constant 0 : i32
    %scan3A_124 = arith.constant 512 : i32
    %scan3A_125 = arith.addi %scan3A_123, %scan3A_124 : i32
    %scan3A_126 = arith.constant 1 : i32
    scf.for %scan3A_794 = %scan3A_123 to %scan3A_125 step %scan3A_126  : i32 {
      %mul3A_795 = arith.constant 16 : i32
      %mul3A_796 = arith.muli %scan3A_794, %mul3A_795 : i32
      %add3A_797 = arith.constant 0 : i32
      %add3A_798 = arith.addi %add3A_797, %mul3A_796 : i32
      %get3A = arith.index_cast %add3A_798 : i32 to index
      %get3A_799 = tpu.vector_load %arg6[%get3A] {strides = array<i32>} : memref<16384xi32, #tpu.memory_space<vmem>>, vector<16xi32>,
      %gather3A = tpu.vector_load_idx %arg5[%get3A_799] : memref<100000xf32, #tpu.memory_space<vmem>>[vector<16xi32>], vector<16xf32>,
      %mul3A_800 = arith.constant 16 : i32
      %mul3A_801 = arith.muli %scan3A_794, %mul3A_800 : i32
      %swap3A = arith.index_cast %mul3A_801 : i32 to index
      %swap3A_802 = tpu.vector_load %arg7[%swap3A] {strides = array<i32>} : memref<8192xf32, #tpu.memory_space<vmem>>, vector<16xf32>,
      tpu.vector_store %arg7[%swap3A], %gather3A {strides = array<i32>} : memref<8192xf32, #tpu.memory_space<vmem>>, vector<16xf32>,
    }
    %scan3A_127 = arith.constant 512 : i32
    "tpu.region"() ({
      %run_scoped3A = tpu.sem_alloc : memref<!tpu.dma_semaphore, #tpu.memory_space<semaphore_mem>>
      %dma_start3A = arith.constant 0 : i32
      %dma_start3A_794 = tpu.memref_slice %arg4[%select_n3A_101, %select_n3A_117, %dma_start3A] : memref<26x16x16384xf32, #tpu.memory_space<hbm>> -> memref<1x1x8192xf32, #tpu.memory_space<hbm>>
      %dma_start3A_795 = tpu.memref_squeeze %dma_start3A_794 : memref<1x1x8192xf32, #tpu.memory_space<hbm>> -> memref<8192xf32, #tpu.memory_space<hbm>>
      %dma_start3A_796 = arith.constant 0 : i32
      %dma_start3A_797 = tpu.memref_slice %arg4[%select_n3A_101, %select_n3A_117, %dma_start3A_796] : memref<26x16x16384xf32, #tpu.memory_space<hbm>> -> memref<1x1x8192xf32, #tpu.memory_space<hbm>>
      %dma_start3A_798 = tpu.memref_squeeze %dma_start3A_797 : memref<1x1x8192xf32, #tpu.memory_space<hbm>> -> memref<8192xf32, #tpu.memory_space<hbm>>
      tpu.enqueue_dma source(%arg7 : memref<8192xf32, #tpu.memory_space<vmem>>) target(%dma_start3A_798 : memref<8192xf32, #tpu.memory_space<hbm>>) target_semaphore(%run_scoped3A : memref<!tpu.dma_semaphore, #tpu.memory_space<semaphore_mem>>)
      %dma_wait3A = arith.constant 0 : i32
      %dma_wait3A_799 = tpu.memref_slice %arg4[%select_n3A_101, %select_n3A_117, %dma_wait3A] : memref<26x16x16384xf32, #tpu.memory_space<hbm>> -> memref<1x1x8192xf32, #tpu.memory_space<hbm>>
      %dma_wait3A_800 = tpu.memref_squeeze %dma_wait3A_799 : memref<1x1x8192xf32, #tpu.memory_space<hbm>> -> memref<8192xf32, #tpu.memory_space<hbm>>
      %dma_wait3A_801 = arith.constant 0 : i32
      %dma_wait3A_802 = tpu.memref_slice %arg4[%select_n3A_101, %select_n3A_117, %dma_wait3A_801] : memref<26x16x16384xf32, #tpu.memory_space<hbm>> -> memref<1x1x8192xf32, #tpu.memory_space<hbm>>
      %dma_wait3A_803 = tpu.memref_squeeze %dma_wait3A_802 : memref<1x1x8192xf32, #tpu.memory_space<hbm>> -> memref<8192xf32, #tpu.memory_space<hbm>>
      tpu.wait_dma2 semaphore(%run_scoped3A : memref<!tpu.dma_semaphore, #tpu.memory_space<semaphore_mem>>) src(%arg7 : memref<8192xf32, #tpu.memory_space<vmem>>) dst(%dma_wait3A_803 : memref<8192xf32, #tpu.memory_space<hbm>>)
      tpu.yield
    }) : () -> ()
    %scan3A_128 = arith.constant 0 : i32
    %scan3A_129 = arith.constant 0 : i32
    %scan3A_130 = arith.constant 512 : i32
    %scan3A_131 = arith.addi %scan3A_129, %scan3A_130 : i32
    %scan3A_132 = arith.constant 1 : i32
    scf.for %scan3A_794 = %scan3A_129 to %scan3A_131 step %scan3A_132  : i32 {
      %mul3A_795 = arith.constant 16 : i32
      %mul3A_796 = arith.muli %scan3A_794, %mul3A_795 : i32
      %add3A_797 = arith.constant 8192 : i32
      %add3A_798 = arith.addi %add3A_797, %mul3A_796 : i32
      %get3A = arith.index_cast %add3A_798 : i32 to index
      %get3A_799 = tpu.vector_load %arg6[%get3A] {strides = array<i32>} : memref<16384xi32, #tpu.memory_space<vmem>>, vector<16xi32>,
      %gather3A = tpu.vector_load_idx %arg5[%get3A_799] : memref<100000xf32, #tpu.memory_space<vmem>>[vector<16xi32>], vector<16xf32>,
      %mul3A_800 = arith.constant 16 : i32
      %mul3A_801 = arith.muli %scan3A_794, %mul3A_800 : i32
      %swap3A = arith.index_cast %mul3A_801 : i32 to index
      %swap3A_802 = tpu.vector_load %arg7[%swap3A] {strides = array<i32>} : memref<8192xf32, #tpu.memory_space<vmem>>, vector<16xf32>,
      tpu.vector_store %arg7[%swap3A], %gather3A {strides = array<i32>} : memref<8192xf32, #tpu.memory_space<vmem>>, vector<16xf32>,
    }
    %scan3A_133 = arith.constant 512 : i32
    "tpu.region"() ({
      %run_scoped3A = tpu.sem_alloc : memref<!tpu.dma_semaphore, #tpu.memory_space<semaphore_mem>>
      %dma_start3A = arith.constant 8192 : i32
      %dma_start3A_794 = tpu.memref_slice %arg4[%select_n3A_101, %select_n3A_117, %dma_start3A] : memref<26x16x16384xf32, #tpu.memory_space<hbm>> -> memref<1x1x8192xf32, #tpu.memory_space<hbm>>
      %dma_start3A_795 = tpu.memref_squeeze %dma_start3A_794 : memref<1x1x8192xf32, #tpu.memory_space<hbm>> -> memref<8192xf32, #tpu.memory_space<hbm>>
      %dma_start3A_796 = arith.constant 8192 : i32
      %dma_start3A_797 = tpu.memref_slice %arg4[%select_n3A_101, %select_n3A_117, %dma_start3A_796] : memref<26x16x16384xf32, #tpu.memory_space<hbm>> -> memref<1x1x8192xf32, #tpu.memory_space<hbm>>
      %dma_start3A_798 = tpu.memref_squeeze %dma_start3A_797 : memref<1x1x8192xf32, #tpu.memory_space<hbm>> -> memref<8192xf32, #tpu.memory_space<hbm>>
      tpu.enqueue_dma source(%arg7 : memref<8192xf32, #tpu.memory_space<vmem>>) target(%dma_start3A_798 : memref<8192xf32, #tpu.memory_space<hbm>>) target_semaphore(%run_scoped3A : memref<!tpu.dma_semaphore, #tpu.memory_space<semaphore_mem>>)
      %dma_wait3A = arith.constant 8192 : i32
      %dma_wait3A_799 = tpu.memref_slice %arg4[%select_n3A_101, %select_n3A_117, %dma_wait3A] : memref<26x16x16384xf32, #tpu.memory_space<hbm>> -> memref<1x1x8192xf32, #tpu.memory_space<hbm>>
      %dma_wait3A_800 = tpu.memref_squeeze %dma_wait3A_799 : memref<1x1x8192xf32, #tpu.memory_space<hbm>> -> memref<8192xf32, #tpu.memory_space<hbm>>
      %dma_wait3A_801 = arith.constant 8192 : i32
      %dma_wait3A_802 = tpu.memref_slice %arg4[%select_n3A_101, %select_n3A_117, %dma_wait3A_801] : memref<26x16x16384xf32, #tpu.memory_space<hbm>> -> memref<1x1x8192xf32, #tpu.memory_space<hbm>>
      %dma_wait3A_803 = tpu.memref_squeeze %dma_wait3A_802 : memref<1x1x8192xf32, #tpu.memory_space<hbm>> -> memref<8192xf32, #tpu.memory_space<hbm>>
      tpu.wait_dma2 semaphore(%run_scoped3A : memref<!tpu.dma_semaphore, #tpu.memory_space<semaphore_mem>>) src(%arg7 : memref<8192xf32, #tpu.memory_space<vmem>>) dst(%dma_wait3A_803 : memref<8192xf32, #tpu.memory_space<hbm>>)
      tpu.yield
    }) : () -> ()
    %mul3A_134 = arith.constant 13 : i32
    %mul3A_135 = arith.muli %add3A, %mul3A_134 : i32
    %add3A_136 = arith.constant 2 : i32
    %add3A_137 = arith.addi %mul3A_135, %add3A_136 : i32
    %jit3A_138 = arith.constant 16 : i32
    %div3A_139 = arith.divsi %add3A_137, %jit3A_138 : i32
    %sign3A_140 = arith.constant 0 : i32
    %sign3A_141 = arith.cmpi sgt, %add3A_137, %sign3A_140 : i32
    %sign3A_142 = arith.extui %sign3A_141 : i1 to i32
    %sign3A_143 = arith.constant 0 : i32
    %sign3A_144 = arith.cmpi slt, %add3A_137, %sign3A_143 : i32
    %sign3A_145 = arith.extui %sign3A_144 : i1 to i32
    %sign3A_146 = arith.subi %sign3A_142, %sign3A_145 : i32
    %sign3A_147 = arith.constant 0 : i32
    %sign3A_148 = arith.cmpi sgt, %jit3A_138, %sign3A_147 : i32
    %sign3A_149 = arith.extui %sign3A_148 : i1 to i32
    %sign3A_150 = arith.constant 0 : i32
    %sign3A_151 = arith.cmpi slt, %jit3A_138, %sign3A_150 : i32
    %sign3A_152 = arith.extui %sign3A_151 : i1 to i32
    %sign3A_153 = arith.subi %sign3A_149, %sign3A_152 : i32
    %ne3A_154 = arith.cmpi ne, %sign3A_146, %sign3A_153 : i32
    %rem3A_155 = arith.remsi %add3A_137, %jit3A_138 : i32
    %ne3A_156 = arith.constant 0 : i32
    %ne3A_157 = arith.cmpi ne, %rem3A_155, %ne3A_156 : i32
    %and3A_158 = arith.andi %ne3A_154, %ne3A_157 : i1
    %sub3A_159 = arith.constant 1 : i32
    %sub3A_160 = arith.subi %div3A_139, %sub3A_159 : i32
    %select_n3A_161 = arith.select %and3A_158, %sub3A_160, %div3A_139 : i32
    %jit3A_162 = arith.constant 16 : i32
    %eq3A_163 = arith.constant 0 : i32
    %eq3A_164 = arith.cmpi eq, %jit3A_162, %eq3A_163 : i32
    %jit3A_165 = arith.constant 1 : i32
    %select_n3A_166 = arith.select %eq3A_164, %jit3A_165, %jit3A_162 : i32
    %rem3A_167 = arith.remsi %add3A_137, %select_n3A_166 : i32
    %ne3A_168 = arith.constant 0 : i32
    %ne3A_169 = arith.cmpi ne, %rem3A_167, %ne3A_168 : i32
    %lt3A_170 = arith.constant 0 : i32
    %lt3A_171 = arith.cmpi slt, %rem3A_167, %lt3A_170 : i32
    %lt3A_172 = arith.constant 0 : i32
    %lt3A_173 = arith.cmpi slt, %select_n3A_166, %lt3A_172 : i32
    %ne3A_174 = arith.xori %lt3A_171, %lt3A_173 : i1
    %and3A_175 = arith.andi %ne3A_174, %ne3A_169 : i1
    %add3A_176 = arith.addi %rem3A_167, %select_n3A_166 : i32
    %select_n3A_177 = arith.select %and3A_175, %add3A_176, %rem3A_167 : i32
    %ne3A_178 = arith.cmpi ne, %select_n3A_161, %select_n3A_101 : i32
    %convert_element_type3A_179 = arith.extui %ne3A_178 : i1 to i32
    %cond3A_180 = arith.constant 0 : i32
    %cond3A_181 = arith.cmpi ne, %convert_element_type3A_179, %cond3A_180 : i32
    scf.if %cond3A_181 {
      "tpu.region"() ({
        %run_scoped3A = tpu.sem_alloc : memref<!tpu.dma_semaphore, #tpu.memory_space<semaphore_mem>>
        %dma_start3A = arith.constant 0 : i32
        %dma_start3A_794 = tpu.memref_slice %arg3[%select_n3A_161, %dma_start3A] : memref<26x16384xi32, #tpu.memory_space<hbm>> -> memref<1x16384xi32, #tpu.memory_space<hbm>>
        %dma_start3A_795 = tpu.memref_squeeze %dma_start3A_794 : memref<1x16384xi32, #tpu.memory_space<hbm>> -> memref<16384xi32, #tpu.memory_space<hbm>>
        %dma_start3A_796 = arith.constant 0 : i32
        %dma_start3A_797 = tpu.memref_slice %arg3[%select_n3A_161, %dma_start3A_796] : memref<26x16384xi32, #tpu.memory_space<hbm>> -> memref<1x16384xi32, #tpu.memory_space<hbm>>
        %dma_start3A_798 = tpu.memref_squeeze %dma_start3A_797 : memref<1x16384xi32, #tpu.memory_space<hbm>> -> memref<16384xi32, #tpu.memory_space<hbm>>
        tpu.enqueue_dma source(%dma_start3A_798 : memref<16384xi32, #tpu.memory_space<hbm>>) target(%arg6 : memref<16384xi32, #tpu.memory_space<vmem>>) target_semaphore(%run_scoped3A : memref<!tpu.dma_semaphore, #tpu.memory_space<semaphore_mem>>)
        %dma_wait3A = arith.constant 0 : i32
        %dma_wait3A_799 = tpu.memref_slice %arg3[%select_n3A_161, %dma_wait3A] : memref<26x16384xi32, #tpu.memory_space<hbm>> -> memref<1x16384xi32, #tpu.memory_space<hbm>>
        %dma_wait3A_800 = tpu.memref_squeeze %dma_wait3A_799 : memref<1x16384xi32, #tpu.memory_space<hbm>> -> memref<16384xi32, #tpu.memory_space<hbm>>
        %dma_wait3A_801 = arith.constant 0 : i32
        %dma_wait3A_802 = tpu.memref_slice %arg3[%select_n3A_161, %dma_wait3A_801] : memref<26x16384xi32, #tpu.memory_space<hbm>> -> memref<1x16384xi32, #tpu.memory_space<hbm>>
        %dma_wait3A_803 = tpu.memref_squeeze %dma_wait3A_802 : memref<1x16384xi32, #tpu.memory_space<hbm>> -> memref<16384xi32, #tpu.memory_space<hbm>>
        tpu.wait_dma2 semaphore(%run_scoped3A : memref<!tpu.dma_semaphore, #tpu.memory_space<semaphore_mem>>) src(%dma_wait3A_803 : memref<16384xi32, #tpu.memory_space<hbm>>) dst(%arg6 : memref<16384xi32, #tpu.memory_space<vmem>>)
        tpu.yield
      }) : () -> ()
    } else {
    }
    "tpu.region"() ({
      %run_scoped3A = tpu.sem_alloc : memref<!tpu.dma_semaphore, #tpu.memory_space<semaphore_mem>>
      %dma_start3A = arith.constant 0 : i32
      %dma_start3A_794 = tpu.memref_slice %arg2[%select_n3A_161, %select_n3A_177, %dma_start3A] : memref<26x16x100000xf32, #tpu.memory_space<hbm>> -> memref<1x1x100000xf32, #tpu.memory_space<hbm>>
      %dma_start3A_795 = tpu.memref_squeeze %dma_start3A_794 : memref<1x1x100000xf32, #tpu.memory_space<hbm>> -> memref<100000xf32, #tpu.memory_space<hbm>>
      %dma_start3A_796 = arith.constant 0 : i32
      %dma_start3A_797 = tpu.memref_slice %arg2[%select_n3A_161, %select_n3A_177, %dma_start3A_796] : memref<26x16x100000xf32, #tpu.memory_space<hbm>> -> memref<1x1x100000xf32, #tpu.memory_space<hbm>>
      %dma_start3A_798 = tpu.memref_squeeze %dma_start3A_797 : memref<1x1x100000xf32, #tpu.memory_space<hbm>> -> memref<100000xf32, #tpu.memory_space<hbm>>
      tpu.enqueue_dma source(%dma_start3A_798 : memref<100000xf32, #tpu.memory_space<hbm>>) target(%arg5 : memref<100000xf32, #tpu.memory_space<vmem>>) target_semaphore(%run_scoped3A : memref<!tpu.dma_semaphore, #tpu.memory_space<semaphore_mem>>)
      %dma_wait3A = arith.constant 0 : i32
      %dma_wait3A_799 = tpu.memref_slice %arg2[%select_n3A_161, %select_n3A_177, %dma_wait3A] : memref<26x16x100000xf32, #tpu.memory_space<hbm>> -> memref<1x1x100000xf32, #tpu.memory_space<hbm>>
      %dma_wait3A_800 = tpu.memref_squeeze %dma_wait3A_799 : memref<1x1x100000xf32, #tpu.memory_space<hbm>> -> memref<100000xf32, #tpu.memory_space<hbm>>
      %dma_wait3A_801 = arith.constant 0 : i32
      %dma_wait3A_802 = tpu.memref_slice %arg2[%select_n3A_161, %select_n3A_177, %dma_wait3A_801] : memref<26x16x100000xf32, #tpu.memory_space<hbm>> -> memref<1x1x100000xf32, #tpu.memory_space<hbm>>
      %dma_wait3A_803 = tpu.memref_squeeze %dma_wait3A_802 : memref<1x1x100000xf32, #tpu.memory_space<hbm>> -> memref<100000xf32, #tpu.memory_space<hbm>>
      tpu.wait_dma2 semaphore(%run_scoped3A : memref<!tpu.dma_semaphore, #tpu.memory_space<semaphore_mem>>) src(%dma_wait3A_803 : memref<100000xf32, #tpu.memory_space<hbm>>) dst(%arg5 : memref<100000xf32, #tpu.memory_space<vmem>>)
      tpu.yield
    }) : () -> ()
    %scan3A_182 = arith.constant 0 : i32
    %scan3A_183 = arith.constant 0 : i32
    %scan3A_184 = arith.constant 512 : i32
    %scan3A_185 = arith.addi %scan3A_183, %scan3A_184 : i32
    %scan3A_186 = arith.constant 1 : i32
    scf.for %scan3A_794 = %scan3A_183 to %scan3A_185 step %scan3A_186  : i32 {
      %mul3A_795 = arith.constant 16 : i32
      %mul3A_796 = arith.muli %scan3A_794, %mul3A_795 : i32
      %add3A_797 = arith.constant 0 : i32
      %add3A_798 = arith.addi %add3A_797, %mul3A_796 : i32
      %get3A = arith.index_cast %add3A_798 : i32 to index
      %get3A_799 = tpu.vector_load %arg6[%get3A] {strides = array<i32>} : memref<16384xi32, #tpu.memory_space<vmem>>, vector<16xi32>,
      %gather3A = tpu.vector_load_idx %arg5[%get3A_799] : memref<100000xf32, #tpu.memory_space<vmem>>[vector<16xi32>], vector<16xf32>,
      %mul3A_800 = arith.constant 16 : i32
      %mul3A_801 = arith.muli %scan3A_794, %mul3A_800 : i32
      %swap3A = arith.index_cast %mul3A_801 : i32 to index
      %swap3A_802 = tpu.vector_load %arg7[%swap3A] {strides = array<i32>} : memref<8192xf32, #tpu.memory_space<vmem>>, vector<16xf32>,
      tpu.vector_store %arg7[%swap3A], %gather3A {strides = array<i32>} : memref<8192xf32, #tpu.memory_space<vmem>>, vector<16xf32>,
    }
    %scan3A_187 = arith.constant 512 : i32
    "tpu.region"() ({
      %run_scoped3A = tpu.sem_alloc : memref<!tpu.dma_semaphore, #tpu.memory_space<semaphore_mem>>
      %dma_start3A = arith.constant 0 : i32
      %dma_start3A_794 = tpu.memref_slice %arg4[%select_n3A_161, %select_n3A_177, %dma_start3A] : memref<26x16x16384xf32, #tpu.memory_space<hbm>> -> memref<1x1x8192xf32, #tpu.memory_space<hbm>>
      %dma_start3A_795 = tpu.memref_squeeze %dma_start3A_794 : memref<1x1x8192xf32, #tpu.memory_space<hbm>> -> memref<8192xf32, #tpu.memory_space<hbm>>
      %dma_start3A_796 = arith.constant 0 : i32
      %dma_start3A_797 = tpu.memref_slice %arg4[%select_n3A_161, %select_n3A_177, %dma_start3A_796] : memref<26x16x16384xf32, #tpu.memory_space<hbm>> -> memref<1x1x8192xf32, #tpu.memory_space<hbm>>
      %dma_start3A_798 = tpu.memref_squeeze %dma_start3A_797 : memref<1x1x8192xf32, #tpu.memory_space<hbm>> -> memref<8192xf32, #tpu.memory_space<hbm>>
      tpu.enqueue_dma source(%arg7 : memref<8192xf32, #tpu.memory_space<vmem>>) target(%dma_start3A_798 : memref<8192xf32, #tpu.memory_space<hbm>>) target_semaphore(%run_scoped3A : memref<!tpu.dma_semaphore, #tpu.memory_space<semaphore_mem>>)
      %dma_wait3A = arith.constant 0 : i32
      %dma_wait3A_799 = tpu.memref_slice %arg4[%select_n3A_161, %select_n3A_177, %dma_wait3A] : memref<26x16x16384xf32, #tpu.memory_space<hbm>> -> memref<1x1x8192xf32, #tpu.memory_space<hbm>>
      %dma_wait3A_800 = tpu.memref_squeeze %dma_wait3A_799 : memref<1x1x8192xf32, #tpu.memory_space<hbm>> -> memref<8192xf32, #tpu.memory_space<hbm>>
      %dma_wait3A_801 = arith.constant 0 : i32
      %dma_wait3A_802 = tpu.memref_slice %arg4[%select_n3A_161, %select_n3A_177, %dma_wait3A_801] : memref<26x16x16384xf32, #tpu.memory_space<hbm>> -> memref<1x1x8192xf32, #tpu.memory_space<hbm>>
      %dma_wait3A_803 = tpu.memref_squeeze %dma_wait3A_802 : memref<1x1x8192xf32, #tpu.memory_space<hbm>> -> memref<8192xf32, #tpu.memory_space<hbm>>
      tpu.wait_dma2 semaphore(%run_scoped3A : memref<!tpu.dma_semaphore, #tpu.memory_space<semaphore_mem>>) src(%arg7 : memref<8192xf32, #tpu.memory_space<vmem>>) dst(%dma_wait3A_803 : memref<8192xf32, #tpu.memory_space<hbm>>)
      tpu.yield
    }) : () -> ()
    %scan3A_188 = arith.constant 0 : i32
    %scan3A_189 = arith.constant 0 : i32
    %scan3A_190 = arith.constant 512 : i32
    %scan3A_191 = arith.addi %scan3A_189, %scan3A_190 : i32
    %scan3A_192 = arith.constant 1 : i32
    scf.for %scan3A_794 = %scan3A_189 to %scan3A_191 step %scan3A_192  : i32 {
      %mul3A_795 = arith.constant 16 : i32
      %mul3A_796 = arith.muli %scan3A_794, %mul3A_795 : i32
      %add3A_797 = arith.constant 8192 : i32
      %add3A_798 = arith.addi %add3A_797, %mul3A_796 : i32
      %get3A = arith.index_cast %add3A_798 : i32 to index
      %get3A_799 = tpu.vector_load %arg6[%get3A] {strides = array<i32>} : memref<16384xi32, #tpu.memory_space<vmem>>, vector<16xi32>,
      %gather3A = tpu.vector_load_idx %arg5[%get3A_799] : memref<100000xf32, #tpu.memory_space<vmem>>[vector<16xi32>], vector<16xf32>,
      %mul3A_800 = arith.constant 16 : i32
      %mul3A_801 = arith.muli %scan3A_794, %mul3A_800 : i32
      %swap3A = arith.index_cast %mul3A_801 : i32 to index
      %swap3A_802 = tpu.vector_load %arg7[%swap3A] {strides = array<i32>} : memref<8192xf32, #tpu.memory_space<vmem>>, vector<16xf32>,
      tpu.vector_store %arg7[%swap3A], %gather3A {strides = array<i32>} : memref<8192xf32, #tpu.memory_space<vmem>>, vector<16xf32>,
    }
    %scan3A_193 = arith.constant 512 : i32
    "tpu.region"() ({
      %run_scoped3A = tpu.sem_alloc : memref<!tpu.dma_semaphore, #tpu.memory_space<semaphore_mem>>
      %dma_start3A = arith.constant 8192 : i32
      %dma_start3A_794 = tpu.memref_slice %arg4[%select_n3A_161, %select_n3A_177, %dma_start3A] : memref<26x16x16384xf32, #tpu.memory_space<hbm>> -> memref<1x1x8192xf32, #tpu.memory_space<hbm>>
      %dma_start3A_795 = tpu.memref_squeeze %dma_start3A_794 : memref<1x1x8192xf32, #tpu.memory_space<hbm>> -> memref<8192xf32, #tpu.memory_space<hbm>>
      %dma_start3A_796 = arith.constant 8192 : i32
      %dma_start3A_797 = tpu.memref_slice %arg4[%select_n3A_161, %select_n3A_177, %dma_start3A_796] : memref<26x16x16384xf32, #tpu.memory_space<hbm>> -> memref<1x1x8192xf32, #tpu.memory_space<hbm>>
      %dma_start3A_798 = tpu.memref_squeeze %dma_start3A_797 : memref<1x1x8192xf32, #tpu.memory_space<hbm>> -> memref<8192xf32, #tpu.memory_space<hbm>>
      tpu.enqueue_dma source(%arg7 : memref<8192xf32, #tpu.memory_space<vmem>>) target(%dma_start3A_798 : memref<8192xf32, #tpu.memory_space<hbm>>) target_semaphore(%run_scoped3A : memref<!tpu.dma_semaphore, #tpu.memory_space<semaphore_mem>>)
      %dma_wait3A = arith.constant 8192 : i32
      %dma_wait3A_799 = tpu.memref_slice %arg4[%select_n3A_161, %select_n3A_177, %dma_wait3A] : memref<26x16x16384xf32, #tpu.memory_space<hbm>> -> memref<1x1x8192xf32, #tpu.memory_space<hbm>>
      %dma_wait3A_800 = tpu.memref_squeeze %dma_wait3A_799 : memref<1x1x8192xf32, #tpu.memory_space<hbm>> -> memref<8192xf32, #tpu.memory_space<hbm>>
      %dma_wait3A_801 = arith.constant 8192 : i32
      %dma_wait3A_802 = tpu.memref_slice %arg4[%select_n3A_161, %select_n3A_177, %dma_wait3A_801] : memref<26x16x16384xf32, #tpu.memory_space<hbm>> -> memref<1x1x8192xf32, #tpu.memory_space<hbm>>
      %dma_wait3A_803 = tpu.memref_squeeze %dma_wait3A_802 : memref<1x1x8192xf32, #tpu.memory_space<hbm>> -> memref<8192xf32, #tpu.memory_space<hbm>>
      tpu.wait_dma2 semaphore(%run_scoped3A : memref<!tpu.dma_semaphore, #tpu.memory_space<semaphore_mem>>) src(%arg7 : memref<8192xf32, #tpu.memory_space<vmem>>) dst(%dma_wait3A_803 : memref<8192xf32, #tpu.memory_space<hbm>>)
      tpu.yield
    }) : () -> ()
    %mul3A_194 = arith.constant 13 : i32
    %mul3A_195 = arith.muli %add3A, %mul3A_194 : i32
    %add3A_196 = arith.constant 3 : i32
    %add3A_197 = arith.addi %mul3A_195, %add3A_196 : i32
    %jit3A_198 = arith.constant 16 : i32
    %div3A_199 = arith.divsi %add3A_197, %jit3A_198 : i32
    %sign3A_200 = arith.constant 0 : i32
    %sign3A_201 = arith.cmpi sgt, %add3A_197, %sign3A_200 : i32
    %sign3A_202 = arith.extui %sign3A_201 : i1 to i32
    %sign3A_203 = arith.constant 0 : i32
    %sign3A_204 = arith.cmpi slt, %add3A_197, %sign3A_203 : i32
    %sign3A_205 = arith.extui %sign3A_204 : i1 to i32
    %sign3A_206 = arith.subi %sign3A_202, %sign3A_205 : i32
    %sign3A_207 = arith.constant 0 : i32
    %sign3A_208 = arith.cmpi sgt, %jit3A_198, %sign3A_207 : i32
    %sign3A_209 = arith.extui %sign3A_208 : i1 to i32
    %sign3A_210 = arith.constant 0 : i32
    %sign3A_211 = arith.cmpi slt, %jit3A_198, %sign3A_210 : i32
    %sign3A_212 = arith.extui %sign3A_211 : i1 to i32
    %sign3A_213 = arith.subi %sign3A_209, %sign3A_212 : i32
    %ne3A_214 = arith.cmpi ne, %sign3A_206, %sign3A_213 : i32
    %rem3A_215 = arith.remsi %add3A_197, %jit3A_198 : i32
    %ne3A_216 = arith.constant 0 : i32
    %ne3A_217 = arith.cmpi ne, %rem3A_215, %ne3A_216 : i32
    %and3A_218 = arith.andi %ne3A_214, %ne3A_217 : i1
    %sub3A_219 = arith.constant 1 : i32
    %sub3A_220 = arith.subi %div3A_199, %sub3A_219 : i32
    %select_n3A_221 = arith.select %and3A_218, %sub3A_220, %div3A_199 : i32
    %jit3A_222 = arith.constant 16 : i32
    %eq3A_223 = arith.constant 0 : i32
    %eq3A_224 = arith.cmpi eq, %jit3A_222, %eq3A_223 : i32
    %jit3A_225 = arith.constant 1 : i32
    %select_n3A_226 = arith.select %eq3A_224, %jit3A_225, %jit3A_222 : i32
    %rem3A_227 = arith.remsi %add3A_197, %select_n3A_226 : i32
    %ne3A_228 = arith.constant 0 : i32
    %ne3A_229 = arith.cmpi ne, %rem3A_227, %ne3A_228 : i32
    %lt3A_230 = arith.constant 0 : i32
    %lt3A_231 = arith.cmpi slt, %rem3A_227, %lt3A_230 : i32
    %lt3A_232 = arith.constant 0 : i32
    %lt3A_233 = arith.cmpi slt, %select_n3A_226, %lt3A_232 : i32
    %ne3A_234 = arith.xori %lt3A_231, %lt3A_233 : i1
    %and3A_235 = arith.andi %ne3A_234, %ne3A_229 : i1
    %add3A_236 = arith.addi %rem3A_227, %select_n3A_226 : i32
    %select_n3A_237 = arith.select %and3A_235, %add3A_236, %rem3A_227 : i32
    %ne3A_238 = arith.cmpi ne, %select_n3A_221, %select_n3A_161 : i32
    %convert_element_type3A_239 = arith.extui %ne3A_238 : i1 to i32
    %cond3A_240 = arith.constant 0 : i32
    %cond3A_241 = arith.cmpi ne, %convert_element_type3A_239, %cond3A_240 : i32
    scf.if %cond3A_241 {
      "tpu.region"() ({
        %run_scoped3A = tpu.sem_alloc : memref<!tpu.dma_semaphore, #tpu.memory_space<semaphore_mem>>
        %dma_start3A = arith.constant 0 : i32
        %dma_start3A_794 = tpu.memref_slice %arg3[%select_n3A_221, %dma_start3A] : memref<26x16384xi32, #tpu.memory_space<hbm>> -> memref<1x16384xi32, #tpu.memory_space<hbm>>
        %dma_start3A_795 = tpu.memref_squeeze %dma_start3A_794 : memref<1x16384xi32, #tpu.memory_space<hbm>> -> memref<16384xi32, #tpu.memory_space<hbm>>
        %dma_start3A_796 = arith.constant 0 : i32
        %dma_start3A_797 = tpu.memref_slice %arg3[%select_n3A_221, %dma_start3A_796] : memref<26x16384xi32, #tpu.memory_space<hbm>> -> memref<1x16384xi32, #tpu.memory_space<hbm>>
        %dma_start3A_798 = tpu.memref_squeeze %dma_start3A_797 : memref<1x16384xi32, #tpu.memory_space<hbm>> -> memref<16384xi32, #tpu.memory_space<hbm>>
        tpu.enqueue_dma source(%dma_start3A_798 : memref<16384xi32, #tpu.memory_space<hbm>>) target(%arg6 : memref<16384xi32, #tpu.memory_space<vmem>>) target_semaphore(%run_scoped3A : memref<!tpu.dma_semaphore, #tpu.memory_space<semaphore_mem>>)
        %dma_wait3A = arith.constant 0 : i32
        %dma_wait3A_799 = tpu.memref_slice %arg3[%select_n3A_221, %dma_wait3A] : memref<26x16384xi32, #tpu.memory_space<hbm>> -> memref<1x16384xi32, #tpu.memory_space<hbm>>
        %dma_wait3A_800 = tpu.memref_squeeze %dma_wait3A_799 : memref<1x16384xi32, #tpu.memory_space<hbm>> -> memref<16384xi32, #tpu.memory_space<hbm>>
        %dma_wait3A_801 = arith.constant 0 : i32
        %dma_wait3A_802 = tpu.memref_slice %arg3[%select_n3A_221, %dma_wait3A_801] : memref<26x16384xi32, #tpu.memory_space<hbm>> -> memref<1x16384xi32, #tpu.memory_space<hbm>>
        %dma_wait3A_803 = tpu.memref_squeeze %dma_wait3A_802 : memref<1x16384xi32, #tpu.memory_space<hbm>> -> memref<16384xi32, #tpu.memory_space<hbm>>
        tpu.wait_dma2 semaphore(%run_scoped3A : memref<!tpu.dma_semaphore, #tpu.memory_space<semaphore_mem>>) src(%dma_wait3A_803 : memref<16384xi32, #tpu.memory_space<hbm>>) dst(%arg6 : memref<16384xi32, #tpu.memory_space<vmem>>)
        tpu.yield
      }) : () -> ()
    } else {
    }
    "tpu.region"() ({
      %run_scoped3A = tpu.sem_alloc : memref<!tpu.dma_semaphore, #tpu.memory_space<semaphore_mem>>
      %dma_start3A = arith.constant 0 : i32
      %dma_start3A_794 = tpu.memref_slice %arg2[%select_n3A_221, %select_n3A_237, %dma_start3A] : memref<26x16x100000xf32, #tpu.memory_space<hbm>> -> memref<1x1x100000xf32, #tpu.memory_space<hbm>>
      %dma_start3A_795 = tpu.memref_squeeze %dma_start3A_794 : memref<1x1x100000xf32, #tpu.memory_space<hbm>> -> memref<100000xf32, #tpu.memory_space<hbm>>
      %dma_start3A_796 = arith.constant 0 : i32
      %dma_start3A_797 = tpu.memref_slice %arg2[%select_n3A_221, %select_n3A_237, %dma_start3A_796] : memref<26x16x100000xf32, #tpu.memory_space<hbm>> -> memref<1x1x100000xf32, #tpu.memory_space<hbm>>
      %dma_start3A_798 = tpu.memref_squeeze %dma_start3A_797 : memref<1x1x100000xf32, #tpu.memory_space<hbm>> -> memref<100000xf32, #tpu.memory_space<hbm>>
      tpu.enqueue_dma source(%dma_start3A_798 : memref<100000xf32, #tpu.memory_space<hbm>>) target(%arg5 : memref<100000xf32, #tpu.memory_space<vmem>>) target_semaphore(%run_scoped3A : memref<!tpu.dma_semaphore, #tpu.memory_space<semaphore_mem>>)
      %dma_wait3A = arith.constant 0 : i32
      %dma_wait3A_799 = tpu.memref_slice %arg2[%select_n3A_221, %select_n3A_237, %dma_wait3A] : memref<26x16x100000xf32, #tpu.memory_space<hbm>> -> memref<1x1x100000xf32, #tpu.memory_space<hbm>>
      %dma_wait3A_800 = tpu.memref_squeeze %dma_wait3A_799 : memref<1x1x100000xf32, #tpu.memory_space<hbm>> -> memref<100000xf32, #tpu.memory_space<hbm>>
      %dma_wait3A_801 = arith.constant 0 : i32
      %dma_wait3A_802 = tpu.memref_slice %arg2[%select_n3A_221, %select_n3A_237, %dma_wait3A_801] : memref<26x16x100000xf32, #tpu.memory_space<hbm>> -> memref<1x1x100000xf32, #tpu.memory_space<hbm>>
      %dma_wait3A_803 = tpu.memref_squeeze %dma_wait3A_802 : memref<1x1x100000xf32, #tpu.memory_space<hbm>> -> memref<100000xf32, #tpu.memory_space<hbm>>
      tpu.wait_dma2 semaphore(%run_scoped3A : memref<!tpu.dma_semaphore, #tpu.memory_space<semaphore_mem>>) src(%dma_wait3A_803 : memref<100000xf32, #tpu.memory_space<hbm>>) dst(%arg5 : memref<100000xf32, #tpu.memory_space<vmem>>)
      tpu.yield
    }) : () -> ()
    %scan3A_242 = arith.constant 0 : i32
    %scan3A_243 = arith.constant 0 : i32
    %scan3A_244 = arith.constant 512 : i32
    %scan3A_245 = arith.addi %scan3A_243, %scan3A_244 : i32
    %scan3A_246 = arith.constant 1 : i32
    scf.for %scan3A_794 = %scan3A_243 to %scan3A_245 step %scan3A_246  : i32 {
      %mul3A_795 = arith.constant 16 : i32
      %mul3A_796 = arith.muli %scan3A_794, %mul3A_795 : i32
      %add3A_797 = arith.constant 0 : i32
      %add3A_798 = arith.addi %add3A_797, %mul3A_796 : i32
      %get3A = arith.index_cast %add3A_798 : i32 to index
      %get3A_799 = tpu.vector_load %arg6[%get3A] {strides = array<i32>} : memref<16384xi32, #tpu.memory_space<vmem>>, vector<16xi32>,
      %gather3A = tpu.vector_load_idx %arg5[%get3A_799] : memref<100000xf32, #tpu.memory_space<vmem>>[vector<16xi32>], vector<16xf32>,
      %mul3A_800 = arith.constant 16 : i32
      %mul3A_801 = arith.muli %scan3A_794, %mul3A_800 : i32
      %swap3A = arith.index_cast %mul3A_801 : i32 to index
      %swap3A_802 = tpu.vector_load %arg7[%swap3A] {strides = array<i32>} : memref<8192xf32, #tpu.memory_space<vmem>>, vector<16xf32>,
      tpu.vector_store %arg7[%swap3A], %gather3A {strides = array<i32>} : memref<8192xf32, #tpu.memory_space<vmem>>, vector<16xf32>,
    }
    %scan3A_247 = arith.constant 512 : i32
    "tpu.region"() ({
      %run_scoped3A = tpu.sem_alloc : memref<!tpu.dma_semaphore, #tpu.memory_space<semaphore_mem>>
      %dma_start3A = arith.constant 0 : i32
      %dma_start3A_794 = tpu.memref_slice %arg4[%select_n3A_221, %select_n3A_237, %dma_start3A] : memref<26x16x16384xf32, #tpu.memory_space<hbm>> -> memref<1x1x8192xf32, #tpu.memory_space<hbm>>
      %dma_start3A_795 = tpu.memref_squeeze %dma_start3A_794 : memref<1x1x8192xf32, #tpu.memory_space<hbm>> -> memref<8192xf32, #tpu.memory_space<hbm>>
      %dma_start3A_796 = arith.constant 0 : i32
      %dma_start3A_797 = tpu.memref_slice %arg4[%select_n3A_221, %select_n3A_237, %dma_start3A_796] : memref<26x16x16384xf32, #tpu.memory_space<hbm>> -> memref<1x1x8192xf32, #tpu.memory_space<hbm>>
      %dma_start3A_798 = tpu.memref_squeeze %dma_start3A_797 : memref<1x1x8192xf32, #tpu.memory_space<hbm>> -> memref<8192xf32, #tpu.memory_space<hbm>>
      tpu.enqueue_dma source(%arg7 : memref<8192xf32, #tpu.memory_space<vmem>>) target(%dma_start3A_798 : memref<8192xf32, #tpu.memory_space<hbm>>) target_semaphore(%run_scoped3A : memref<!tpu.dma_semaphore, #tpu.memory_space<semaphore_mem>>)
      %dma_wait3A = arith.constant 0 : i32
      %dma_wait3A_799 = tpu.memref_slice %arg4[%select_n3A_221, %select_n3A_237, %dma_wait3A] : memref<26x16x16384xf32, #tpu.memory_space<hbm>> -> memref<1x1x8192xf32, #tpu.memory_space<hbm>>
      %dma_wait3A_800 = tpu.memref_squeeze %dma_wait3A_799 : memref<1x1x8192xf32, #tpu.memory_space<hbm>> -> memref<8192xf32, #tpu.memory_space<hbm>>
      %dma_wait3A_801 = arith.constant 0 : i32
      %dma_wait3A_802 = tpu.memref_slice %arg4[%select_n3A_221, %select_n3A_237, %dma_wait3A_801] : memref<26x16x16384xf32, #tpu.memory_space<hbm>> -> memref<1x1x8192xf32, #tpu.memory_space<hbm>>
      %dma_wait3A_803 = tpu.memref_squeeze %dma_wait3A_802 : memref<1x1x8192xf32, #tpu.memory_space<hbm>> -> memref<8192xf32, #tpu.memory_space<hbm>>
      tpu.wait_dma2 semaphore(%run_scoped3A : memref<!tpu.dma_semaphore, #tpu.memory_space<semaphore_mem>>) src(%arg7 : memref<8192xf32, #tpu.memory_space<vmem>>) dst(%dma_wait3A_803 : memref<8192xf32, #tpu.memory_space<hbm>>)
      tpu.yield
    }) : () -> ()
    %scan3A_248 = arith.constant 0 : i32
    %scan3A_249 = arith.constant 0 : i32
    %scan3A_250 = arith.constant 512 : i32
    %scan3A_251 = arith.addi %scan3A_249, %scan3A_250 : i32
    %scan3A_252 = arith.constant 1 : i32
    scf.for %scan3A_794 = %scan3A_249 to %scan3A_251 step %scan3A_252  : i32 {
      %mul3A_795 = arith.constant 16 : i32
      %mul3A_796 = arith.muli %scan3A_794, %mul3A_795 : i32
      %add3A_797 = arith.constant 8192 : i32
      %add3A_798 = arith.addi %add3A_797, %mul3A_796 : i32
      %get3A = arith.index_cast %add3A_798 : i32 to index
      %get3A_799 = tpu.vector_load %arg6[%get3A] {strides = array<i32>} : memref<16384xi32, #tpu.memory_space<vmem>>, vector<16xi32>,
      %gather3A = tpu.vector_load_idx %arg5[%get3A_799] : memref<100000xf32, #tpu.memory_space<vmem>>[vector<16xi32>], vector<16xf32>,
      %mul3A_800 = arith.constant 16 : i32
      %mul3A_801 = arith.muli %scan3A_794, %mul3A_800 : i32
      %swap3A = arith.index_cast %mul3A_801 : i32 to index
      %swap3A_802 = tpu.vector_load %arg7[%swap3A] {strides = array<i32>} : memref<8192xf32, #tpu.memory_space<vmem>>, vector<16xf32>,
      tpu.vector_store %arg7[%swap3A], %gather3A {strides = array<i32>} : memref<8192xf32, #tpu.memory_space<vmem>>, vector<16xf32>,
    }
    %scan3A_253 = arith.constant 512 : i32
    "tpu.region"() ({
      %run_scoped3A = tpu.sem_alloc : memref<!tpu.dma_semaphore, #tpu.memory_space<semaphore_mem>>
      %dma_start3A = arith.constant 8192 : i32
      %dma_start3A_794 = tpu.memref_slice %arg4[%select_n3A_221, %select_n3A_237, %dma_start3A] : memref<26x16x16384xf32, #tpu.memory_space<hbm>> -> memref<1x1x8192xf32, #tpu.memory_space<hbm>>
      %dma_start3A_795 = tpu.memref_squeeze %dma_start3A_794 : memref<1x1x8192xf32, #tpu.memory_space<hbm>> -> memref<8192xf32, #tpu.memory_space<hbm>>
      %dma_start3A_796 = arith.constant 8192 : i32
      %dma_start3A_797 = tpu.memref_slice %arg4[%select_n3A_221, %select_n3A_237, %dma_start3A_796] : memref<26x16x16384xf32, #tpu.memory_space<hbm>> -> memref<1x1x8192xf32, #tpu.memory_space<hbm>>
      %dma_start3A_798 = tpu.memref_squeeze %dma_start3A_797 : memref<1x1x8192xf32, #tpu.memory_space<hbm>> -> memref<8192xf32, #tpu.memory_space<hbm>>
      tpu.enqueue_dma source(%arg7 : memref<8192xf32, #tpu.memory_space<vmem>>) target(%dma_start3A_798 : memref<8192xf32, #tpu.memory_space<hbm>>) target_semaphore(%run_scoped3A : memref<!tpu.dma_semaphore, #tpu.memory_space<semaphore_mem>>)
      %dma_wait3A = arith.constant 8192 : i32
      %dma_wait3A_799 = tpu.memref_slice %arg4[%select_n3A_221, %select_n3A_237, %dma_wait3A] : memref<26x16x16384xf32, #tpu.memory_space<hbm>> -> memref<1x1x8192xf32, #tpu.memory_space<hbm>>
      %dma_wait3A_800 = tpu.memref_squeeze %dma_wait3A_799 : memref<1x1x8192xf32, #tpu.memory_space<hbm>> -> memref<8192xf32, #tpu.memory_space<hbm>>
      %dma_wait3A_801 = arith.constant 8192 : i32
      %dma_wait3A_802 = tpu.memref_slice %arg4[%select_n3A_221, %select_n3A_237, %dma_wait3A_801] : memref<26x16x16384xf32, #tpu.memory_space<hbm>> -> memref<1x1x8192xf32, #tpu.memory_space<hbm>>
      %dma_wait3A_803 = tpu.memref_squeeze %dma_wait3A_802 : memref<1x1x8192xf32, #tpu.memory_space<hbm>> -> memref<8192xf32, #tpu.memory_space<hbm>>
      tpu.wait_dma2 semaphore(%run_scoped3A : memref<!tpu.dma_semaphore, #tpu.memory_space<semaphore_mem>>) src(%arg7 : memref<8192xf32, #tpu.memory_space<vmem>>) dst(%dma_wait3A_803 : memref<8192xf32, #tpu.memory_space<hbm>>)
      tpu.yield
    }) : () -> ()
    %mul3A_254 = arith.constant 13 : i32
    %mul3A_255 = arith.muli %add3A, %mul3A_254 : i32
    %add3A_256 = arith.constant 4 : i32
    %add3A_257 = arith.addi %mul3A_255, %add3A_256 : i32
    %jit3A_258 = arith.constant 16 : i32
    %div3A_259 = arith.divsi %add3A_257, %jit3A_258 : i32
    %sign3A_260 = arith.constant 0 : i32
    %sign3A_261 = arith.cmpi sgt, %add3A_257, %sign3A_260 : i32
    %sign3A_262 = arith.extui %sign3A_261 : i1 to i32
    %sign3A_263 = arith.constant 0 : i32
    %sign3A_264 = arith.cmpi slt, %add3A_257, %sign3A_263 : i32
    %sign3A_265 = arith.extui %sign3A_264 : i1 to i32
    %sign3A_266 = arith.subi %sign3A_262, %sign3A_265 : i32
    %sign3A_267 = arith.constant 0 : i32
    %sign3A_268 = arith.cmpi sgt, %jit3A_258, %sign3A_267 : i32
    %sign3A_269 = arith.extui %sign3A_268 : i1 to i32
    %sign3A_270 = arith.constant 0 : i32
    %sign3A_271 = arith.cmpi slt, %jit3A_258, %sign3A_270 : i32
    %sign3A_272 = arith.extui %sign3A_271 : i1 to i32
    %sign3A_273 = arith.subi %sign3A_269, %sign3A_272 : i32
    %ne3A_274 = arith.cmpi ne, %sign3A_266, %sign3A_273 : i32
    %rem3A_275 = arith.remsi %add3A_257, %jit3A_258 : i32
    %ne3A_276 = arith.constant 0 : i32
    %ne3A_277 = arith.cmpi ne, %rem3A_275, %ne3A_276 : i32
    %and3A_278 = arith.andi %ne3A_274, %ne3A_277 : i1
    %sub3A_279 = arith.constant 1 : i32
    %sub3A_280 = arith.subi %div3A_259, %sub3A_279 : i32
    %select_n3A_281 = arith.select %and3A_278, %sub3A_280, %div3A_259 : i32
    %jit3A_282 = arith.constant 16 : i32
    %eq3A_283 = arith.constant 0 : i32
    %eq3A_284 = arith.cmpi eq, %jit3A_282, %eq3A_283 : i32
    %jit3A_285 = arith.constant 1 : i32
    %select_n3A_286 = arith.select %eq3A_284, %jit3A_285, %jit3A_282 : i32
    %rem3A_287 = arith.remsi %add3A_257, %select_n3A_286 : i32
    %ne3A_288 = arith.constant 0 : i32
    %ne3A_289 = arith.cmpi ne, %rem3A_287, %ne3A_288 : i32
    %lt3A_290 = arith.constant 0 : i32
    %lt3A_291 = arith.cmpi slt, %rem3A_287, %lt3A_290 : i32
    %lt3A_292 = arith.constant 0 : i32
    %lt3A_293 = arith.cmpi slt, %select_n3A_286, %lt3A_292 : i32
    %ne3A_294 = arith.xori %lt3A_291, %lt3A_293 : i1
    %and3A_295 = arith.andi %ne3A_294, %ne3A_289 : i1
    %add3A_296 = arith.addi %rem3A_287, %select_n3A_286 : i32
    %select_n3A_297 = arith.select %and3A_295, %add3A_296, %rem3A_287 : i32
    %ne3A_298 = arith.cmpi ne, %select_n3A_281, %select_n3A_221 : i32
    %convert_element_type3A_299 = arith.extui %ne3A_298 : i1 to i32
    %cond3A_300 = arith.constant 0 : i32
    %cond3A_301 = arith.cmpi ne, %convert_element_type3A_299, %cond3A_300 : i32
    scf.if %cond3A_301 {
      "tpu.region"() ({
        %run_scoped3A = tpu.sem_alloc : memref<!tpu.dma_semaphore, #tpu.memory_space<semaphore_mem>>
        %dma_start3A = arith.constant 0 : i32
        %dma_start3A_794 = tpu.memref_slice %arg3[%select_n3A_281, %dma_start3A] : memref<26x16384xi32, #tpu.memory_space<hbm>> -> memref<1x16384xi32, #tpu.memory_space<hbm>>
        %dma_start3A_795 = tpu.memref_squeeze %dma_start3A_794 : memref<1x16384xi32, #tpu.memory_space<hbm>> -> memref<16384xi32, #tpu.memory_space<hbm>>
        %dma_start3A_796 = arith.constant 0 : i32
        %dma_start3A_797 = tpu.memref_slice %arg3[%select_n3A_281, %dma_start3A_796] : memref<26x16384xi32, #tpu.memory_space<hbm>> -> memref<1x16384xi32, #tpu.memory_space<hbm>>
        %dma_start3A_798 = tpu.memref_squeeze %dma_start3A_797 : memref<1x16384xi32, #tpu.memory_space<hbm>> -> memref<16384xi32, #tpu.memory_space<hbm>>
        tpu.enqueue_dma source(%dma_start3A_798 : memref<16384xi32, #tpu.memory_space<hbm>>) target(%arg6 : memref<16384xi32, #tpu.memory_space<vmem>>) target_semaphore(%run_scoped3A : memref<!tpu.dma_semaphore, #tpu.memory_space<semaphore_mem>>)
        %dma_wait3A = arith.constant 0 : i32
        %dma_wait3A_799 = tpu.memref_slice %arg3[%select_n3A_281, %dma_wait3A] : memref<26x16384xi32, #tpu.memory_space<hbm>> -> memref<1x16384xi32, #tpu.memory_space<hbm>>
        %dma_wait3A_800 = tpu.memref_squeeze %dma_wait3A_799 : memref<1x16384xi32, #tpu.memory_space<hbm>> -> memref<16384xi32, #tpu.memory_space<hbm>>
        %dma_wait3A_801 = arith.constant 0 : i32
        %dma_wait3A_802 = tpu.memref_slice %arg3[%select_n3A_281, %dma_wait3A_801] : memref<26x16384xi32, #tpu.memory_space<hbm>> -> memref<1x16384xi32, #tpu.memory_space<hbm>>
        %dma_wait3A_803 = tpu.memref_squeeze %dma_wait3A_802 : memref<1x16384xi32, #tpu.memory_space<hbm>> -> memref<16384xi32, #tpu.memory_space<hbm>>
        tpu.wait_dma2 semaphore(%run_scoped3A : memref<!tpu.dma_semaphore, #tpu.memory_space<semaphore_mem>>) src(%dma_wait3A_803 : memref<16384xi32, #tpu.memory_space<hbm>>) dst(%arg6 : memref<16384xi32, #tpu.memory_space<vmem>>)
        tpu.yield
      }) : () -> ()
    } else {
    }
    "tpu.region"() ({
      %run_scoped3A = tpu.sem_alloc : memref<!tpu.dma_semaphore, #tpu.memory_space<semaphore_mem>>
      %dma_start3A = arith.constant 0 : i32
      %dma_start3A_794 = tpu.memref_slice %arg2[%select_n3A_281, %select_n3A_297, %dma_start3A] : memref<26x16x100000xf32, #tpu.memory_space<hbm>> -> memref<1x1x100000xf32, #tpu.memory_space<hbm>>
      %dma_start3A_795 = tpu.memref_squeeze %dma_start3A_794 : memref<1x1x100000xf32, #tpu.memory_space<hbm>> -> memref<100000xf32, #tpu.memory_space<hbm>>
      %dma_start3A_796 = arith.constant 0 : i32
      %dma_start3A_797 = tpu.memref_slice %arg2[%select_n3A_281, %select_n3A_297, %dma_start3A_796] : memref<26x16x100000xf32, #tpu.memory_space<hbm>> -> memref<1x1x100000xf32, #tpu.memory_space<hbm>>
      %dma_start3A_798 = tpu.memref_squeeze %dma_start3A_797 : memref<1x1x100000xf32, #tpu.memory_space<hbm>> -> memref<100000xf32, #tpu.memory_space<hbm>>
      tpu.enqueue_dma source(%dma_start3A_798 : memref<100000xf32, #tpu.memory_space<hbm>>) target(%arg5 : memref<100000xf32, #tpu.memory_space<vmem>>) target_semaphore(%run_scoped3A : memref<!tpu.dma_semaphore, #tpu.memory_space<semaphore_mem>>)
      %dma_wait3A = arith.constant 0 : i32
      %dma_wait3A_799 = tpu.memref_slice %arg2[%select_n3A_281, %select_n3A_297, %dma_wait3A] : memref<26x16x100000xf32, #tpu.memory_space<hbm>> -> memref<1x1x100000xf32, #tpu.memory_space<hbm>>
      %dma_wait3A_800 = tpu.memref_squeeze %dma_wait3A_799 : memref<1x1x100000xf32, #tpu.memory_space<hbm>> -> memref<100000xf32, #tpu.memory_space<hbm>>
      %dma_wait3A_801 = arith.constant 0 : i32
      %dma_wait3A_802 = tpu.memref_slice %arg2[%select_n3A_281, %select_n3A_297, %dma_wait3A_801] : memref<26x16x100000xf32, #tpu.memory_space<hbm>> -> memref<1x1x100000xf32, #tpu.memory_space<hbm>>
      %dma_wait3A_803 = tpu.memref_squeeze %dma_wait3A_802 : memref<1x1x100000xf32, #tpu.memory_space<hbm>> -> memref<100000xf32, #tpu.memory_space<hbm>>
      tpu.wait_dma2 semaphore(%run_scoped3A : memref<!tpu.dma_semaphore, #tpu.memory_space<semaphore_mem>>) src(%dma_wait3A_803 : memref<100000xf32, #tpu.memory_space<hbm>>) dst(%arg5 : memref<100000xf32, #tpu.memory_space<vmem>>)
      tpu.yield
    }) : () -> ()
    %scan3A_302 = arith.constant 0 : i32
    %scan3A_303 = arith.constant 0 : i32
    %scan3A_304 = arith.constant 512 : i32
    %scan3A_305 = arith.addi %scan3A_303, %scan3A_304 : i32
    %scan3A_306 = arith.constant 1 : i32
    scf.for %scan3A_794 = %scan3A_303 to %scan3A_305 step %scan3A_306  : i32 {
      %mul3A_795 = arith.constant 16 : i32
      %mul3A_796 = arith.muli %scan3A_794, %mul3A_795 : i32
      %add3A_797 = arith.constant 0 : i32
      %add3A_798 = arith.addi %add3A_797, %mul3A_796 : i32
      %get3A = arith.index_cast %add3A_798 : i32 to index
      %get3A_799 = tpu.vector_load %arg6[%get3A] {strides = array<i32>} : memref<16384xi32, #tpu.memory_space<vmem>>, vector<16xi32>,
      %gather3A = tpu.vector_load_idx %arg5[%get3A_799] : memref<100000xf32, #tpu.memory_space<vmem>>[vector<16xi32>], vector<16xf32>,
      %mul3A_800 = arith.constant 16 : i32
      %mul3A_801 = arith.muli %scan3A_794, %mul3A_800 : i32
      %swap3A = arith.index_cast %mul3A_801 : i32 to index
      %swap3A_802 = tpu.vector_load %arg7[%swap3A] {strides = array<i32>} : memref<8192xf32, #tpu.memory_space<vmem>>, vector<16xf32>,
      tpu.vector_store %arg7[%swap3A], %gather3A {strides = array<i32>} : memref<8192xf32, #tpu.memory_space<vmem>>, vector<16xf32>,
    }
    %scan3A_307 = arith.constant 512 : i32
    "tpu.region"() ({
      %run_scoped3A = tpu.sem_alloc : memref<!tpu.dma_semaphore, #tpu.memory_space<semaphore_mem>>
      %dma_start3A = arith.constant 0 : i32
      %dma_start3A_794 = tpu.memref_slice %arg4[%select_n3A_281, %select_n3A_297, %dma_start3A] : memref<26x16x16384xf32, #tpu.memory_space<hbm>> -> memref<1x1x8192xf32, #tpu.memory_space<hbm>>
      %dma_start3A_795 = tpu.memref_squeeze %dma_start3A_794 : memref<1x1x8192xf32, #tpu.memory_space<hbm>> -> memref<8192xf32, #tpu.memory_space<hbm>>
      %dma_start3A_796 = arith.constant 0 : i32
      %dma_start3A_797 = tpu.memref_slice %arg4[%select_n3A_281, %select_n3A_297, %dma_start3A_796] : memref<26x16x16384xf32, #tpu.memory_space<hbm>> -> memref<1x1x8192xf32, #tpu.memory_space<hbm>>
      %dma_start3A_798 = tpu.memref_squeeze %dma_start3A_797 : memref<1x1x8192xf32, #tpu.memory_space<hbm>> -> memref<8192xf32, #tpu.memory_space<hbm>>
      tpu.enqueue_dma source(%arg7 : memref<8192xf32, #tpu.memory_space<vmem>>) target(%dma_start3A_798 : memref<8192xf32, #tpu.memory_space<hbm>>) target_semaphore(%run_scoped3A : memref<!tpu.dma_semaphore, #tpu.memory_space<semaphore_mem>>)
      %dma_wait3A = arith.constant 0 : i32
      %dma_wait3A_799 = tpu.memref_slice %arg4[%select_n3A_281, %select_n3A_297, %dma_wait3A] : memref<26x16x16384xf32, #tpu.memory_space<hbm>> -> memref<1x1x8192xf32, #tpu.memory_space<hbm>>
      %dma_wait3A_800 = tpu.memref_squeeze %dma_wait3A_799 : memref<1x1x8192xf32, #tpu.memory_space<hbm>> -> memref<8192xf32, #tpu.memory_space<hbm>>
      %dma_wait3A_801 = arith.constant 0 : i32
      %dma_wait3A_802 = tpu.memref_slice %arg4[%select_n3A_281, %select_n3A_297, %dma_wait3A_801] : memref<26x16x16384xf32, #tpu.memory_space<hbm>> -> memref<1x1x8192xf32, #tpu.memory_space<hbm>>
      %dma_wait3A_803 = tpu.memref_squeeze %dma_wait3A_802 : memref<1x1x8192xf32, #tpu.memory_space<hbm>> -> memref<8192xf32, #tpu.memory_space<hbm>>
      tpu.wait_dma2 semaphore(%run_scoped3A : memref<!tpu.dma_semaphore, #tpu.memory_space<semaphore_mem>>) src(%arg7 : memref<8192xf32, #tpu.memory_space<vmem>>) dst(%dma_wait3A_803 : memref<8192xf32, #tpu.memory_space<hbm>>)
      tpu.yield
    }) : () -> ()
    %scan3A_308 = arith.constant 0 : i32
    %scan3A_309 = arith.constant 0 : i32
    %scan3A_310 = arith.constant 512 : i32
    %scan3A_311 = arith.addi %scan3A_309, %scan3A_310 : i32
    %scan3A_312 = arith.constant 1 : i32
    scf.for %scan3A_794 = %scan3A_309 to %scan3A_311 step %scan3A_312  : i32 {
      %mul3A_795 = arith.constant 16 : i32
      %mul3A_796 = arith.muli %scan3A_794, %mul3A_795 : i32
      %add3A_797 = arith.constant 8192 : i32
      %add3A_798 = arith.addi %add3A_797, %mul3A_796 : i32
      %get3A = arith.index_cast %add3A_798 : i32 to index
      %get3A_799 = tpu.vector_load %arg6[%get3A] {strides = array<i32>} : memref<16384xi32, #tpu.memory_space<vmem>>, vector<16xi32>,
      %gather3A = tpu.vector_load_idx %arg5[%get3A_799] : memref<100000xf32, #tpu.memory_space<vmem>>[vector<16xi32>], vector<16xf32>,
      %mul3A_800 = arith.constant 16 : i32
      %mul3A_801 = arith.muli %scan3A_794, %mul3A_800 : i32
      %swap3A = arith.index_cast %mul3A_801 : i32 to index
      %swap3A_802 = tpu.vector_load %arg7[%swap3A] {strides = array<i32>} : memref<8192xf32, #tpu.memory_space<vmem>>, vector<16xf32>,
      tpu.vector_store %arg7[%swap3A], %gather3A {strides = array<i32>} : memref<8192xf32, #tpu.memory_space<vmem>>, vector<16xf32>,
    }
    %scan3A_313 = arith.constant 512 : i32
    "tpu.region"() ({
      %run_scoped3A = tpu.sem_alloc : memref<!tpu.dma_semaphore, #tpu.memory_space<semaphore_mem>>
      %dma_start3A = arith.constant 8192 : i32
      %dma_start3A_794 = tpu.memref_slice %arg4[%select_n3A_281, %select_n3A_297, %dma_start3A] : memref<26x16x16384xf32, #tpu.memory_space<hbm>> -> memref<1x1x8192xf32, #tpu.memory_space<hbm>>
      %dma_start3A_795 = tpu.memref_squeeze %dma_start3A_794 : memref<1x1x8192xf32, #tpu.memory_space<hbm>> -> memref<8192xf32, #tpu.memory_space<hbm>>
      %dma_start3A_796 = arith.constant 8192 : i32
      %dma_start3A_797 = tpu.memref_slice %arg4[%select_n3A_281, %select_n3A_297, %dma_start3A_796] : memref<26x16x16384xf32, #tpu.memory_space<hbm>> -> memref<1x1x8192xf32, #tpu.memory_space<hbm>>
      %dma_start3A_798 = tpu.memref_squeeze %dma_start3A_797 : memref<1x1x8192xf32, #tpu.memory_space<hbm>> -> memref<8192xf32, #tpu.memory_space<hbm>>
      tpu.enqueue_dma source(%arg7 : memref<8192xf32, #tpu.memory_space<vmem>>) target(%dma_start3A_798 : memref<8192xf32, #tpu.memory_space<hbm>>) target_semaphore(%run_scoped3A : memref<!tpu.dma_semaphore, #tpu.memory_space<semaphore_mem>>)
      %dma_wait3A = arith.constant 8192 : i32
      %dma_wait3A_799 = tpu.memref_slice %arg4[%select_n3A_281, %select_n3A_297, %dma_wait3A] : memref<26x16x16384xf32, #tpu.memory_space<hbm>> -> memref<1x1x8192xf32, #tpu.memory_space<hbm>>
      %dma_wait3A_800 = tpu.memref_squeeze %dma_wait3A_799 : memref<1x1x8192xf32, #tpu.memory_space<hbm>> -> memref<8192xf32, #tpu.memory_space<hbm>>
      %dma_wait3A_801 = arith.constant 8192 : i32
      %dma_wait3A_802 = tpu.memref_slice %arg4[%select_n3A_281, %select_n3A_297, %dma_wait3A_801] : memref<26x16x16384xf32, #tpu.memory_space<hbm>> -> memref<1x1x8192xf32, #tpu.memory_space<hbm>>
      %dma_wait3A_803 = tpu.memref_squeeze %dma_wait3A_802 : memref<1x1x8192xf32, #tpu.memory_space<hbm>> -> memref<8192xf32, #tpu.memory_space<hbm>>
      tpu.wait_dma2 semaphore(%run_scoped3A : memref<!tpu.dma_semaphore, #tpu.memory_space<semaphore_mem>>) src(%arg7 : memref<8192xf32, #tpu.memory_space<vmem>>) dst(%dma_wait3A_803 : memref<8192xf32, #tpu.memory_space<hbm>>)
      tpu.yield
    }) : () -> ()
    %mul3A_314 = arith.constant 13 : i32
    %mul3A_315 = arith.muli %add3A, %mul3A_314 : i32
    %add3A_316 = arith.constant 5 : i32
    %add3A_317 = arith.addi %mul3A_315, %add3A_316 : i32
    %jit3A_318 = arith.constant 16 : i32
    %div3A_319 = arith.divsi %add3A_317, %jit3A_318 : i32
    %sign3A_320 = arith.constant 0 : i32
    %sign3A_321 = arith.cmpi sgt, %add3A_317, %sign3A_320 : i32
    %sign3A_322 = arith.extui %sign3A_321 : i1 to i32
    %sign3A_323 = arith.constant 0 : i32
    %sign3A_324 = arith.cmpi slt, %add3A_317, %sign3A_323 : i32
    %sign3A_325 = arith.extui %sign3A_324 : i1 to i32
    %sign3A_326 = arith.subi %sign3A_322, %sign3A_325 : i32
    %sign3A_327 = arith.constant 0 : i32
    %sign3A_328 = arith.cmpi sgt, %jit3A_318, %sign3A_327 : i32
    %sign3A_329 = arith.extui %sign3A_328 : i1 to i32
    %sign3A_330 = arith.constant 0 : i32
    %sign3A_331 = arith.cmpi slt, %jit3A_318, %sign3A_330 : i32
    %sign3A_332 = arith.extui %sign3A_331 : i1 to i32
    %sign3A_333 = arith.subi %sign3A_329, %sign3A_332 : i32
    %ne3A_334 = arith.cmpi ne, %sign3A_326, %sign3A_333 : i32
    %rem3A_335 = arith.remsi %add3A_317, %jit3A_318 : i32
    %ne3A_336 = arith.constant 0 : i32
    %ne3A_337 = arith.cmpi ne, %rem3A_335, %ne3A_336 : i32
    %and3A_338 = arith.andi %ne3A_334, %ne3A_337 : i1
    %sub3A_339 = arith.constant 1 : i32
    %sub3A_340 = arith.subi %div3A_319, %sub3A_339 : i32
    %select_n3A_341 = arith.select %and3A_338, %sub3A_340, %div3A_319 : i32
    %jit3A_342 = arith.constant 16 : i32
    %eq3A_343 = arith.constant 0 : i32
    %eq3A_344 = arith.cmpi eq, %jit3A_342, %eq3A_343 : i32
    %jit3A_345 = arith.constant 1 : i32
    %select_n3A_346 = arith.select %eq3A_344, %jit3A_345, %jit3A_342 : i32
    %rem3A_347 = arith.remsi %add3A_317, %select_n3A_346 : i32
    %ne3A_348 = arith.constant 0 : i32
    %ne3A_349 = arith.cmpi ne, %rem3A_347, %ne3A_348 : i32
    %lt3A_350 = arith.constant 0 : i32
    %lt3A_351 = arith.cmpi slt, %rem3A_347, %lt3A_350 : i32
    %lt3A_352 = arith.constant 0 : i32
    %lt3A_353 = arith.cmpi slt, %select_n3A_346, %lt3A_352 : i32
    %ne3A_354 = arith.xori %lt3A_351, %lt3A_353 : i1
    %and3A_355 = arith.andi %ne3A_354, %ne3A_349 : i1
    %add3A_356 = arith.addi %rem3A_347, %select_n3A_346 : i32
    %select_n3A_357 = arith.select %and3A_355, %add3A_356, %rem3A_347 : i32
    %ne3A_358 = arith.cmpi ne, %select_n3A_341, %select_n3A_281 : i32
    %convert_element_type3A_359 = arith.extui %ne3A_358 : i1 to i32
    %cond3A_360 = arith.constant 0 : i32
    %cond3A_361 = arith.cmpi ne, %convert_element_type3A_359, %cond3A_360 : i32
    scf.if %cond3A_361 {
      "tpu.region"() ({
        %run_scoped3A = tpu.sem_alloc : memref<!tpu.dma_semaphore, #tpu.memory_space<semaphore_mem>>
        %dma_start3A = arith.constant 0 : i32
        %dma_start3A_794 = tpu.memref_slice %arg3[%select_n3A_341, %dma_start3A] : memref<26x16384xi32, #tpu.memory_space<hbm>> -> memref<1x16384xi32, #tpu.memory_space<hbm>>
        %dma_start3A_795 = tpu.memref_squeeze %dma_start3A_794 : memref<1x16384xi32, #tpu.memory_space<hbm>> -> memref<16384xi32, #tpu.memory_space<hbm>>
        %dma_start3A_796 = arith.constant 0 : i32
        %dma_start3A_797 = tpu.memref_slice %arg3[%select_n3A_341, %dma_start3A_796] : memref<26x16384xi32, #tpu.memory_space<hbm>> -> memref<1x16384xi32, #tpu.memory_space<hbm>>
        %dma_start3A_798 = tpu.memref_squeeze %dma_start3A_797 : memref<1x16384xi32, #tpu.memory_space<hbm>> -> memref<16384xi32, #tpu.memory_space<hbm>>
        tpu.enqueue_dma source(%dma_start3A_798 : memref<16384xi32, #tpu.memory_space<hbm>>) target(%arg6 : memref<16384xi32, #tpu.memory_space<vmem>>) target_semaphore(%run_scoped3A : memref<!tpu.dma_semaphore, #tpu.memory_space<semaphore_mem>>)
        %dma_wait3A = arith.constant 0 : i32
        %dma_wait3A_799 = tpu.memref_slice %arg3[%select_n3A_341, %dma_wait3A] : memref<26x16384xi32, #tpu.memory_space<hbm>> -> memref<1x16384xi32, #tpu.memory_space<hbm>>
        %dma_wait3A_800 = tpu.memref_squeeze %dma_wait3A_799 : memref<1x16384xi32, #tpu.memory_space<hbm>> -> memref<16384xi32, #tpu.memory_space<hbm>>
        %dma_wait3A_801 = arith.constant 0 : i32
        %dma_wait3A_802 = tpu.memref_slice %arg3[%select_n3A_341, %dma_wait3A_801] : memref<26x16384xi32, #tpu.memory_space<hbm>> -> memref<1x16384xi32, #tpu.memory_space<hbm>>
        %dma_wait3A_803 = tpu.memref_squeeze %dma_wait3A_802 : memref<1x16384xi32, #tpu.memory_space<hbm>> -> memref<16384xi32, #tpu.memory_space<hbm>>
        tpu.wait_dma2 semaphore(%run_scoped3A : memref<!tpu.dma_semaphore, #tpu.memory_space<semaphore_mem>>) src(%dma_wait3A_803 : memref<16384xi32, #tpu.memory_space<hbm>>) dst(%arg6 : memref<16384xi32, #tpu.memory_space<vmem>>)
        tpu.yield
      }) : () -> ()
    } else {
    }
    "tpu.region"() ({
      %run_scoped3A = tpu.sem_alloc : memref<!tpu.dma_semaphore, #tpu.memory_space<semaphore_mem>>
      %dma_start3A = arith.constant 0 : i32
      %dma_start3A_794 = tpu.memref_slice %arg2[%select_n3A_341, %select_n3A_357, %dma_start3A] : memref<26x16x100000xf32, #tpu.memory_space<hbm>> -> memref<1x1x100000xf32, #tpu.memory_space<hbm>>
      %dma_start3A_795 = tpu.memref_squeeze %dma_start3A_794 : memref<1x1x100000xf32, #tpu.memory_space<hbm>> -> memref<100000xf32, #tpu.memory_space<hbm>>
      %dma_start3A_796 = arith.constant 0 : i32
      %dma_start3A_797 = tpu.memref_slice %arg2[%select_n3A_341, %select_n3A_357, %dma_start3A_796] : memref<26x16x100000xf32, #tpu.memory_space<hbm>> -> memref<1x1x100000xf32, #tpu.memory_space<hbm>>
      %dma_start3A_798 = tpu.memref_squeeze %dma_start3A_797 : memref<1x1x100000xf32, #tpu.memory_space<hbm>> -> memref<100000xf32, #tpu.memory_space<hbm>>
      tpu.enqueue_dma source(%dma_start3A_798 : memref<100000xf32, #tpu.memory_space<hbm>>) target(%arg5 : memref<100000xf32, #tpu.memory_space<vmem>>) target_semaphore(%run_scoped3A : memref<!tpu.dma_semaphore, #tpu.memory_space<semaphore_mem>>)
      %dma_wait3A = arith.constant 0 : i32
      %dma_wait3A_799 = tpu.memref_slice %arg2[%select_n3A_341, %select_n3A_357, %dma_wait3A] : memref<26x16x100000xf32, #tpu.memory_space<hbm>> -> memref<1x1x100000xf32, #tpu.memory_space<hbm>>
      %dma_wait3A_800 = tpu.memref_squeeze %dma_wait3A_799 : memref<1x1x100000xf32, #tpu.memory_space<hbm>> -> memref<100000xf32, #tpu.memory_space<hbm>>
      %dma_wait3A_801 = arith.constant 0 : i32
      %dma_wait3A_802 = tpu.memref_slice %arg2[%select_n3A_341, %select_n3A_357, %dma_wait3A_801] : memref<26x16x100000xf32, #tpu.memory_space<hbm>> -> memref<1x1x100000xf32, #tpu.memory_space<hbm>>
      %dma_wait3A_803 = tpu.memref_squeeze %dma_wait3A_802 : memref<1x1x100000xf32, #tpu.memory_space<hbm>> -> memref<100000xf32, #tpu.memory_space<hbm>>
      tpu.wait_dma2 semaphore(%run_scoped3A : memref<!tpu.dma_semaphore, #tpu.memory_space<semaphore_mem>>) src(%dma_wait3A_803 : memref<100000xf32, #tpu.memory_space<hbm>>) dst(%arg5 : memref<100000xf32, #tpu.memory_space<vmem>>)
      tpu.yield
    }) : () -> ()
    %scan3A_362 = arith.constant 0 : i32
    %scan3A_363 = arith.constant 0 : i32
    %scan3A_364 = arith.constant 512 : i32
    %scan3A_365 = arith.addi %scan3A_363, %scan3A_364 : i32
    %scan3A_366 = arith.constant 1 : i32
    scf.for %scan3A_794 = %scan3A_363 to %scan3A_365 step %scan3A_366  : i32 {
      %mul3A_795 = arith.constant 16 : i32
      %mul3A_796 = arith.muli %scan3A_794, %mul3A_795 : i32
      %add3A_797 = arith.constant 0 : i32
      %add3A_798 = arith.addi %add3A_797, %mul3A_796 : i32
      %get3A = arith.index_cast %add3A_798 : i32 to index
      %get3A_799 = tpu.vector_load %arg6[%get3A] {strides = array<i32>} : memref<16384xi32, #tpu.memory_space<vmem>>, vector<16xi32>,
      %gather3A = tpu.vector_load_idx %arg5[%get3A_799] : memref<100000xf32, #tpu.memory_space<vmem>>[vector<16xi32>], vector<16xf32>,
      %mul3A_800 = arith.constant 16 : i32
      %mul3A_801 = arith.muli %scan3A_794, %mul3A_800 : i32
      %swap3A = arith.index_cast %mul3A_801 : i32 to index
      %swap3A_802 = tpu.vector_load %arg7[%swap3A] {strides = array<i32>} : memref<8192xf32, #tpu.memory_space<vmem>>, vector<16xf32>,
      tpu.vector_store %arg7[%swap3A], %gather3A {strides = array<i32>} : memref<8192xf32, #tpu.memory_space<vmem>>, vector<16xf32>,
    }
    %scan3A_367 = arith.constant 512 : i32
    "tpu.region"() ({
      %run_scoped3A = tpu.sem_alloc : memref<!tpu.dma_semaphore, #tpu.memory_space<semaphore_mem>>
      %dma_start3A = arith.constant 0 : i32
      %dma_start3A_794 = tpu.memref_slice %arg4[%select_n3A_341, %select_n3A_357, %dma_start3A] : memref<26x16x16384xf32, #tpu.memory_space<hbm>> -> memref<1x1x8192xf32, #tpu.memory_space<hbm>>
      %dma_start3A_795 = tpu.memref_squeeze %dma_start3A_794 : memref<1x1x8192xf32, #tpu.memory_space<hbm>> -> memref<8192xf32, #tpu.memory_space<hbm>>
      %dma_start3A_796 = arith.constant 0 : i32
      %dma_start3A_797 = tpu.memref_slice %arg4[%select_n3A_341, %select_n3A_357, %dma_start3A_796] : memref<26x16x16384xf32, #tpu.memory_space<hbm>> -> memref<1x1x8192xf32, #tpu.memory_space<hbm>>
      %dma_start3A_798 = tpu.memref_squeeze %dma_start3A_797 : memref<1x1x8192xf32, #tpu.memory_space<hbm>> -> memref<8192xf32, #tpu.memory_space<hbm>>
      tpu.enqueue_dma source(%arg7 : memref<8192xf32, #tpu.memory_space<vmem>>) target(%dma_start3A_798 : memref<8192xf32, #tpu.memory_space<hbm>>) target_semaphore(%run_scoped3A : memref<!tpu.dma_semaphore, #tpu.memory_space<semaphore_mem>>)
      %dma_wait3A = arith.constant 0 : i32
      %dma_wait3A_799 = tpu.memref_slice %arg4[%select_n3A_341, %select_n3A_357, %dma_wait3A] : memref<26x16x16384xf32, #tpu.memory_space<hbm>> -> memref<1x1x8192xf32, #tpu.memory_space<hbm>>
      %dma_wait3A_800 = tpu.memref_squeeze %dma_wait3A_799 : memref<1x1x8192xf32, #tpu.memory_space<hbm>> -> memref<8192xf32, #tpu.memory_space<hbm>>
      %dma_wait3A_801 = arith.constant 0 : i32
      %dma_wait3A_802 = tpu.memref_slice %arg4[%select_n3A_341, %select_n3A_357, %dma_wait3A_801] : memref<26x16x16384xf32, #tpu.memory_space<hbm>> -> memref<1x1x8192xf32, #tpu.memory_space<hbm>>
      %dma_wait3A_803 = tpu.memref_squeeze %dma_wait3A_802 : memref<1x1x8192xf32, #tpu.memory_space<hbm>> -> memref<8192xf32, #tpu.memory_space<hbm>>
      tpu.wait_dma2 semaphore(%run_scoped3A : memref<!tpu.dma_semaphore, #tpu.memory_space<semaphore_mem>>) src(%arg7 : memref<8192xf32, #tpu.memory_space<vmem>>) dst(%dma_wait3A_803 : memref<8192xf32, #tpu.memory_space<hbm>>)
      tpu.yield
    }) : () -> ()
    %scan3A_368 = arith.constant 0 : i32
    %scan3A_369 = arith.constant 0 : i32
    %scan3A_370 = arith.constant 512 : i32
    %scan3A_371 = arith.addi %scan3A_369, %scan3A_370 : i32
    %scan3A_372 = arith.constant 1 : i32
    scf.for %scan3A_794 = %scan3A_369 to %scan3A_371 step %scan3A_372  : i32 {
      %mul3A_795 = arith.constant 16 : i32
      %mul3A_796 = arith.muli %scan3A_794, %mul3A_795 : i32
      %add3A_797 = arith.constant 8192 : i32
      %add3A_798 = arith.addi %add3A_797, %mul3A_796 : i32
      %get3A = arith.index_cast %add3A_798 : i32 to index
      %get3A_799 = tpu.vector_load %arg6[%get3A] {strides = array<i32>} : memref<16384xi32, #tpu.memory_space<vmem>>, vector<16xi32>,
      %gather3A = tpu.vector_load_idx %arg5[%get3A_799] : memref<100000xf32, #tpu.memory_space<vmem>>[vector<16xi32>], vector<16xf32>,
      %mul3A_800 = arith.constant 16 : i32
      %mul3A_801 = arith.muli %scan3A_794, %mul3A_800 : i32
      %swap3A = arith.index_cast %mul3A_801 : i32 to index
      %swap3A_802 = tpu.vector_load %arg7[%swap3A] {strides = array<i32>} : memref<8192xf32, #tpu.memory_space<vmem>>, vector<16xf32>,
      tpu.vector_store %arg7[%swap3A], %gather3A {strides = array<i32>} : memref<8192xf32, #tpu.memory_space<vmem>>, vector<16xf32>,
    }
    %scan3A_373 = arith.constant 512 : i32
    "tpu.region"() ({
      %run_scoped3A = tpu.sem_alloc : memref<!tpu.dma_semaphore, #tpu.memory_space<semaphore_mem>>
      %dma_start3A = arith.constant 8192 : i32
      %dma_start3A_794 = tpu.memref_slice %arg4[%select_n3A_341, %select_n3A_357, %dma_start3A] : memref<26x16x16384xf32, #tpu.memory_space<hbm>> -> memref<1x1x8192xf32, #tpu.memory_space<hbm>>
      %dma_start3A_795 = tpu.memref_squeeze %dma_start3A_794 : memref<1x1x8192xf32, #tpu.memory_space<hbm>> -> memref<8192xf32, #tpu.memory_space<hbm>>
      %dma_start3A_796 = arith.constant 8192 : i32
      %dma_start3A_797 = tpu.memref_slice %arg4[%select_n3A_341, %select_n3A_357, %dma_start3A_796] : memref<26x16x16384xf32, #tpu.memory_space<hbm>> -> memref<1x1x8192xf32, #tpu.memory_space<hbm>>
      %dma_start3A_798 = tpu.memref_squeeze %dma_start3A_797 : memref<1x1x8192xf32, #tpu.memory_space<hbm>> -> memref<8192xf32, #tpu.memory_space<hbm>>
      tpu.enqueue_dma source(%arg7 : memref<8192xf32, #tpu.memory_space<vmem>>) target(%dma_start3A_798 : memref<8192xf32, #tpu.memory_space<hbm>>) target_semaphore(%run_scoped3A : memref<!tpu.dma_semaphore, #tpu.memory_space<semaphore_mem>>)
      %dma_wait3A = arith.constant 8192 : i32
      %dma_wait3A_799 = tpu.memref_slice %arg4[%select_n3A_341, %select_n3A_357, %dma_wait3A] : memref<26x16x16384xf32, #tpu.memory_space<hbm>> -> memref<1x1x8192xf32, #tpu.memory_space<hbm>>
      %dma_wait3A_800 = tpu.memref_squeeze %dma_wait3A_799 : memref<1x1x8192xf32, #tpu.memory_space<hbm>> -> memref<8192xf32, #tpu.memory_space<hbm>>
      %dma_wait3A_801 = arith.constant 8192 : i32
      %dma_wait3A_802 = tpu.memref_slice %arg4[%select_n3A_341, %select_n3A_357, %dma_wait3A_801] : memref<26x16x16384xf32, #tpu.memory_space<hbm>> -> memref<1x1x8192xf32, #tpu.memory_space<hbm>>
      %dma_wait3A_803 = tpu.memref_squeeze %dma_wait3A_802 : memref<1x1x8192xf32, #tpu.memory_space<hbm>> -> memref<8192xf32, #tpu.memory_space<hbm>>
      tpu.wait_dma2 semaphore(%run_scoped3A : memref<!tpu.dma_semaphore, #tpu.memory_space<semaphore_mem>>) src(%arg7 : memref<8192xf32, #tpu.memory_space<vmem>>) dst(%dma_wait3A_803 : memref<8192xf32, #tpu.memory_space<hbm>>)
      tpu.yield
    }) : () -> ()
    %mul3A_374 = arith.constant 13 : i32
    %mul3A_375 = arith.muli %add3A, %mul3A_374 : i32
    %add3A_376 = arith.constant 6 : i32
    %add3A_377 = arith.addi %mul3A_375, %add3A_376 : i32
    %jit3A_378 = arith.constant 16 : i32
    %div3A_379 = arith.divsi %add3A_377, %jit3A_378 : i32
    %sign3A_380 = arith.constant 0 : i32
    %sign3A_381 = arith.cmpi sgt, %add3A_377, %sign3A_380 : i32
    %sign3A_382 = arith.extui %sign3A_381 : i1 to i32
    %sign3A_383 = arith.constant 0 : i32
    %sign3A_384 = arith.cmpi slt, %add3A_377, %sign3A_383 : i32
    %sign3A_385 = arith.extui %sign3A_384 : i1 to i32
    %sign3A_386 = arith.subi %sign3A_382, %sign3A_385 : i32
    %sign3A_387 = arith.constant 0 : i32
    %sign3A_388 = arith.cmpi sgt, %jit3A_378, %sign3A_387 : i32
    %sign3A_389 = arith.extui %sign3A_388 : i1 to i32
    %sign3A_390 = arith.constant 0 : i32
    %sign3A_391 = arith.cmpi slt, %jit3A_378, %sign3A_390 : i32
    %sign3A_392 = arith.extui %sign3A_391 : i1 to i32
    %sign3A_393 = arith.subi %sign3A_389, %sign3A_392 : i32
    %ne3A_394 = arith.cmpi ne, %sign3A_386, %sign3A_393 : i32
    %rem3A_395 = arith.remsi %add3A_377, %jit3A_378 : i32
    %ne3A_396 = arith.constant 0 : i32
    %ne3A_397 = arith.cmpi ne, %rem3A_395, %ne3A_396 : i32
    %and3A_398 = arith.andi %ne3A_394, %ne3A_397 : i1
    %sub3A_399 = arith.constant 1 : i32
    %sub3A_400 = arith.subi %div3A_379, %sub3A_399 : i32
    %select_n3A_401 = arith.select %and3A_398, %sub3A_400, %div3A_379 : i32
    %jit3A_402 = arith.constant 16 : i32
    %eq3A_403 = arith.constant 0 : i32
    %eq3A_404 = arith.cmpi eq, %jit3A_402, %eq3A_403 : i32
    %jit3A_405 = arith.constant 1 : i32
    %select_n3A_406 = arith.select %eq3A_404, %jit3A_405, %jit3A_402 : i32
    %rem3A_407 = arith.remsi %add3A_377, %select_n3A_406 : i32
    %ne3A_408 = arith.constant 0 : i32
    %ne3A_409 = arith.cmpi ne, %rem3A_407, %ne3A_408 : i32
    %lt3A_410 = arith.constant 0 : i32
    %lt3A_411 = arith.cmpi slt, %rem3A_407, %lt3A_410 : i32
    %lt3A_412 = arith.constant 0 : i32
    %lt3A_413 = arith.cmpi slt, %select_n3A_406, %lt3A_412 : i32
    %ne3A_414 = arith.xori %lt3A_411, %lt3A_413 : i1
    %and3A_415 = arith.andi %ne3A_414, %ne3A_409 : i1
    %add3A_416 = arith.addi %rem3A_407, %select_n3A_406 : i32
    %select_n3A_417 = arith.select %and3A_415, %add3A_416, %rem3A_407 : i32
    %ne3A_418 = arith.cmpi ne, %select_n3A_401, %select_n3A_341 : i32
    %convert_element_type3A_419 = arith.extui %ne3A_418 : i1 to i32
    %cond3A_420 = arith.constant 0 : i32
    %cond3A_421 = arith.cmpi ne, %convert_element_type3A_419, %cond3A_420 : i32
    scf.if %cond3A_421 {
      "tpu.region"() ({
        %run_scoped3A = tpu.sem_alloc : memref<!tpu.dma_semaphore, #tpu.memory_space<semaphore_mem>>
        %dma_start3A = arith.constant 0 : i32
        %dma_start3A_794 = tpu.memref_slice %arg3[%select_n3A_401, %dma_start3A] : memref<26x16384xi32, #tpu.memory_space<hbm>> -> memref<1x16384xi32, #tpu.memory_space<hbm>>
        %dma_start3A_795 = tpu.memref_squeeze %dma_start3A_794 : memref<1x16384xi32, #tpu.memory_space<hbm>> -> memref<16384xi32, #tpu.memory_space<hbm>>
        %dma_start3A_796 = arith.constant 0 : i32
        %dma_start3A_797 = tpu.memref_slice %arg3[%select_n3A_401, %dma_start3A_796] : memref<26x16384xi32, #tpu.memory_space<hbm>> -> memref<1x16384xi32, #tpu.memory_space<hbm>>
        %dma_start3A_798 = tpu.memref_squeeze %dma_start3A_797 : memref<1x16384xi32, #tpu.memory_space<hbm>> -> memref<16384xi32, #tpu.memory_space<hbm>>
        tpu.enqueue_dma source(%dma_start3A_798 : memref<16384xi32, #tpu.memory_space<hbm>>) target(%arg6 : memref<16384xi32, #tpu.memory_space<vmem>>) target_semaphore(%run_scoped3A : memref<!tpu.dma_semaphore, #tpu.memory_space<semaphore_mem>>)
        %dma_wait3A = arith.constant 0 : i32
        %dma_wait3A_799 = tpu.memref_slice %arg3[%select_n3A_401, %dma_wait3A] : memref<26x16384xi32, #tpu.memory_space<hbm>> -> memref<1x16384xi32, #tpu.memory_space<hbm>>
        %dma_wait3A_800 = tpu.memref_squeeze %dma_wait3A_799 : memref<1x16384xi32, #tpu.memory_space<hbm>> -> memref<16384xi32, #tpu.memory_space<hbm>>
        %dma_wait3A_801 = arith.constant 0 : i32
        %dma_wait3A_802 = tpu.memref_slice %arg3[%select_n3A_401, %dma_wait3A_801] : memref<26x16384xi32, #tpu.memory_space<hbm>> -> memref<1x16384xi32, #tpu.memory_space<hbm>>
        %dma_wait3A_803 = tpu.memref_squeeze %dma_wait3A_802 : memref<1x16384xi32, #tpu.memory_space<hbm>> -> memref<16384xi32, #tpu.memory_space<hbm>>
        tpu.wait_dma2 semaphore(%run_scoped3A : memref<!tpu.dma_semaphore, #tpu.memory_space<semaphore_mem>>) src(%dma_wait3A_803 : memref<16384xi32, #tpu.memory_space<hbm>>) dst(%arg6 : memref<16384xi32, #tpu.memory_space<vmem>>)
        tpu.yield
      }) : () -> ()
    } else {
    }
    "tpu.region"() ({
      %run_scoped3A = tpu.sem_alloc : memref<!tpu.dma_semaphore, #tpu.memory_space<semaphore_mem>>
      %dma_start3A = arith.constant 0 : i32
      %dma_start3A_794 = tpu.memref_slice %arg2[%select_n3A_401, %select_n3A_417, %dma_start3A] : memref<26x16x100000xf32, #tpu.memory_space<hbm>> -> memref<1x1x100000xf32, #tpu.memory_space<hbm>>
      %dma_start3A_795 = tpu.memref_squeeze %dma_start3A_794 : memref<1x1x100000xf32, #tpu.memory_space<hbm>> -> memref<100000xf32, #tpu.memory_space<hbm>>
      %dma_start3A_796 = arith.constant 0 : i32
      %dma_start3A_797 = tpu.memref_slice %arg2[%select_n3A_401, %select_n3A_417, %dma_start3A_796] : memref<26x16x100000xf32, #tpu.memory_space<hbm>> -> memref<1x1x100000xf32, #tpu.memory_space<hbm>>
      %dma_start3A_798 = tpu.memref_squeeze %dma_start3A_797 : memref<1x1x100000xf32, #tpu.memory_space<hbm>> -> memref<100000xf32, #tpu.memory_space<hbm>>
      tpu.enqueue_dma source(%dma_start3A_798 : memref<100000xf32, #tpu.memory_space<hbm>>) target(%arg5 : memref<100000xf32, #tpu.memory_space<vmem>>) target_semaphore(%run_scoped3A : memref<!tpu.dma_semaphore, #tpu.memory_space<semaphore_mem>>)
      %dma_wait3A = arith.constant 0 : i32
      %dma_wait3A_799 = tpu.memref_slice %arg2[%select_n3A_401, %select_n3A_417, %dma_wait3A] : memref<26x16x100000xf32, #tpu.memory_space<hbm>> -> memref<1x1x100000xf32, #tpu.memory_space<hbm>>
      %dma_wait3A_800 = tpu.memref_squeeze %dma_wait3A_799 : memref<1x1x100000xf32, #tpu.memory_space<hbm>> -> memref<100000xf32, #tpu.memory_space<hbm>>
      %dma_wait3A_801 = arith.constant 0 : i32
      %dma_wait3A_802 = tpu.memref_slice %arg2[%select_n3A_401, %select_n3A_417, %dma_wait3A_801] : memref<26x16x100000xf32, #tpu.memory_space<hbm>> -> memref<1x1x100000xf32, #tpu.memory_space<hbm>>
      %dma_wait3A_803 = tpu.memref_squeeze %dma_wait3A_802 : memref<1x1x100000xf32, #tpu.memory_space<hbm>> -> memref<100000xf32, #tpu.memory_space<hbm>>
      tpu.wait_dma2 semaphore(%run_scoped3A : memref<!tpu.dma_semaphore, #tpu.memory_space<semaphore_mem>>) src(%dma_wait3A_803 : memref<100000xf32, #tpu.memory_space<hbm>>) dst(%arg5 : memref<100000xf32, #tpu.memory_space<vmem>>)
      tpu.yield
    }) : () -> ()
    %scan3A_422 = arith.constant 0 : i32
    %scan3A_423 = arith.constant 0 : i32
    %scan3A_424 = arith.constant 512 : i32
    %scan3A_425 = arith.addi %scan3A_423, %scan3A_424 : i32
    %scan3A_426 = arith.constant 1 : i32
    scf.for %scan3A_794 = %scan3A_423 to %scan3A_425 step %scan3A_426  : i32 {
      %mul3A_795 = arith.constant 16 : i32
      %mul3A_796 = arith.muli %scan3A_794, %mul3A_795 : i32
      %add3A_797 = arith.constant 0 : i32
      %add3A_798 = arith.addi %add3A_797, %mul3A_796 : i32
      %get3A = arith.index_cast %add3A_798 : i32 to index
      %get3A_799 = tpu.vector_load %arg6[%get3A] {strides = array<i32>} : memref<16384xi32, #tpu.memory_space<vmem>>, vector<16xi32>,
      %gather3A = tpu.vector_load_idx %arg5[%get3A_799] : memref<100000xf32, #tpu.memory_space<vmem>>[vector<16xi32>], vector<16xf32>,
      %mul3A_800 = arith.constant 16 : i32
      %mul3A_801 = arith.muli %scan3A_794, %mul3A_800 : i32
      %swap3A = arith.index_cast %mul3A_801 : i32 to index
      %swap3A_802 = tpu.vector_load %arg7[%swap3A] {strides = array<i32>} : memref<8192xf32, #tpu.memory_space<vmem>>, vector<16xf32>,
      tpu.vector_store %arg7[%swap3A], %gather3A {strides = array<i32>} : memref<8192xf32, #tpu.memory_space<vmem>>, vector<16xf32>,
    }
    %scan3A_427 = arith.constant 512 : i32
    "tpu.region"() ({
      %run_scoped3A = tpu.sem_alloc : memref<!tpu.dma_semaphore, #tpu.memory_space<semaphore_mem>>
      %dma_start3A = arith.constant 0 : i32
      %dma_start3A_794 = tpu.memref_slice %arg4[%select_n3A_401, %select_n3A_417, %dma_start3A] : memref<26x16x16384xf32, #tpu.memory_space<hbm>> -> memref<1x1x8192xf32, #tpu.memory_space<hbm>>
      %dma_start3A_795 = tpu.memref_squeeze %dma_start3A_794 : memref<1x1x8192xf32, #tpu.memory_space<hbm>> -> memref<8192xf32, #tpu.memory_space<hbm>>
      %dma_start3A_796 = arith.constant 0 : i32
      %dma_start3A_797 = tpu.memref_slice %arg4[%select_n3A_401, %select_n3A_417, %dma_start3A_796] : memref<26x16x16384xf32, #tpu.memory_space<hbm>> -> memref<1x1x8192xf32, #tpu.memory_space<hbm>>
      %dma_start3A_798 = tpu.memref_squeeze %dma_start3A_797 : memref<1x1x8192xf32, #tpu.memory_space<hbm>> -> memref<8192xf32, #tpu.memory_space<hbm>>
      tpu.enqueue_dma source(%arg7 : memref<8192xf32, #tpu.memory_space<vmem>>) target(%dma_start3A_798 : memref<8192xf32, #tpu.memory_space<hbm>>) target_semaphore(%run_scoped3A : memref<!tpu.dma_semaphore, #tpu.memory_space<semaphore_mem>>)
      %dma_wait3A = arith.constant 0 : i32
      %dma_wait3A_799 = tpu.memref_slice %arg4[%select_n3A_401, %select_n3A_417, %dma_wait3A] : memref<26x16x16384xf32, #tpu.memory_space<hbm>> -> memref<1x1x8192xf32, #tpu.memory_space<hbm>>
      %dma_wait3A_800 = tpu.memref_squeeze %dma_wait3A_799 : memref<1x1x8192xf32, #tpu.memory_space<hbm>> -> memref<8192xf32, #tpu.memory_space<hbm>>
      %dma_wait3A_801 = arith.constant 0 : i32
      %dma_wait3A_802 = tpu.memref_slice %arg4[%select_n3A_401, %select_n3A_417, %dma_wait3A_801] : memref<26x16x16384xf32, #tpu.memory_space<hbm>> -> memref<1x1x8192xf32, #tpu.memory_space<hbm>>
      %dma_wait3A_803 = tpu.memref_squeeze %dma_wait3A_802 : memref<1x1x8192xf32, #tpu.memory_space<hbm>> -> memref<8192xf32, #tpu.memory_space<hbm>>
      tpu.wait_dma2 semaphore(%run_scoped3A : memref<!tpu.dma_semaphore, #tpu.memory_space<semaphore_mem>>) src(%arg7 : memref<8192xf32, #tpu.memory_space<vmem>>) dst(%dma_wait3A_803 : memref<8192xf32, #tpu.memory_space<hbm>>)
      tpu.yield
    }) : () -> ()
    %scan3A_428 = arith.constant 0 : i32
    %scan3A_429 = arith.constant 0 : i32
    %scan3A_430 = arith.constant 512 : i32
    %scan3A_431 = arith.addi %scan3A_429, %scan3A_430 : i32
    %scan3A_432 = arith.constant 1 : i32
    scf.for %scan3A_794 = %scan3A_429 to %scan3A_431 step %scan3A_432  : i32 {
      %mul3A_795 = arith.constant 16 : i32
      %mul3A_796 = arith.muli %scan3A_794, %mul3A_795 : i32
      %add3A_797 = arith.constant 8192 : i32
      %add3A_798 = arith.addi %add3A_797, %mul3A_796 : i32
      %get3A = arith.index_cast %add3A_798 : i32 to index
      %get3A_799 = tpu.vector_load %arg6[%get3A] {strides = array<i32>} : memref<16384xi32, #tpu.memory_space<vmem>>, vector<16xi32>,
      %gather3A = tpu.vector_load_idx %arg5[%get3A_799] : memref<100000xf32, #tpu.memory_space<vmem>>[vector<16xi32>], vector<16xf32>,
      %mul3A_800 = arith.constant 16 : i32
      %mul3A_801 = arith.muli %scan3A_794, %mul3A_800 : i32
      %swap3A = arith.index_cast %mul3A_801 : i32 to index
      %swap3A_802 = tpu.vector_load %arg7[%swap3A] {strides = array<i32>} : memref<8192xf32, #tpu.memory_space<vmem>>, vector<16xf32>,
      tpu.vector_store %arg7[%swap3A], %gather3A {strides = array<i32>} : memref<8192xf32, #tpu.memory_space<vmem>>, vector<16xf32>,
    }
    %scan3A_433 = arith.constant 512 : i32
    "tpu.region"() ({
      %run_scoped3A = tpu.sem_alloc : memref<!tpu.dma_semaphore, #tpu.memory_space<semaphore_mem>>
      %dma_start3A = arith.constant 8192 : i32
      %dma_start3A_794 = tpu.memref_slice %arg4[%select_n3A_401, %select_n3A_417, %dma_start3A] : memref<26x16x16384xf32, #tpu.memory_space<hbm>> -> memref<1x1x8192xf32, #tpu.memory_space<hbm>>
      %dma_start3A_795 = tpu.memref_squeeze %dma_start3A_794 : memref<1x1x8192xf32, #tpu.memory_space<hbm>> -> memref<8192xf32, #tpu.memory_space<hbm>>
      %dma_start3A_796 = arith.constant 8192 : i32
      %dma_start3A_797 = tpu.memref_slice %arg4[%select_n3A_401, %select_n3A_417, %dma_start3A_796] : memref<26x16x16384xf32, #tpu.memory_space<hbm>> -> memref<1x1x8192xf32, #tpu.memory_space<hbm>>
      %dma_start3A_798 = tpu.memref_squeeze %dma_start3A_797 : memref<1x1x8192xf32, #tpu.memory_space<hbm>> -> memref<8192xf32, #tpu.memory_space<hbm>>
      tpu.enqueue_dma source(%arg7 : memref<8192xf32, #tpu.memory_space<vmem>>) target(%dma_start3A_798 : memref<8192xf32, #tpu.memory_space<hbm>>) target_semaphore(%run_scoped3A : memref<!tpu.dma_semaphore, #tpu.memory_space<semaphore_mem>>)
      %dma_wait3A = arith.constant 8192 : i32
      %dma_wait3A_799 = tpu.memref_slice %arg4[%select_n3A_401, %select_n3A_417, %dma_wait3A] : memref<26x16x16384xf32, #tpu.memory_space<hbm>> -> memref<1x1x8192xf32, #tpu.memory_space<hbm>>
      %dma_wait3A_800 = tpu.memref_squeeze %dma_wait3A_799 : memref<1x1x8192xf32, #tpu.memory_space<hbm>> -> memref<8192xf32, #tpu.memory_space<hbm>>
      %dma_wait3A_801 = arith.constant 8192 : i32
      %dma_wait3A_802 = tpu.memref_slice %arg4[%select_n3A_401, %select_n3A_417, %dma_wait3A_801] : memref<26x16x16384xf32, #tpu.memory_space<hbm>> -> memref<1x1x8192xf32, #tpu.memory_space<hbm>>
      %dma_wait3A_803 = tpu.memref_squeeze %dma_wait3A_802 : memref<1x1x8192xf32, #tpu.memory_space<hbm>> -> memref<8192xf32, #tpu.memory_space<hbm>>
      tpu.wait_dma2 semaphore(%run_scoped3A : memref<!tpu.dma_semaphore, #tpu.memory_space<semaphore_mem>>) src(%arg7 : memref<8192xf32, #tpu.memory_space<vmem>>) dst(%dma_wait3A_803 : memref<8192xf32, #tpu.memory_space<hbm>>)
      tpu.yield
    }) : () -> ()
    %mul3A_434 = arith.constant 13 : i32
    %mul3A_435 = arith.muli %add3A, %mul3A_434 : i32
    %add3A_436 = arith.constant 7 : i32
    %add3A_437 = arith.addi %mul3A_435, %add3A_436 : i32
    %jit3A_438 = arith.constant 16 : i32
    %div3A_439 = arith.divsi %add3A_437, %jit3A_438 : i32
    %sign3A_440 = arith.constant 0 : i32
    %sign3A_441 = arith.cmpi sgt, %add3A_437, %sign3A_440 : i32
    %sign3A_442 = arith.extui %sign3A_441 : i1 to i32
    %sign3A_443 = arith.constant 0 : i32
    %sign3A_444 = arith.cmpi slt, %add3A_437, %sign3A_443 : i32
    %sign3A_445 = arith.extui %sign3A_444 : i1 to i32
    %sign3A_446 = arith.subi %sign3A_442, %sign3A_445 : i32
    %sign3A_447 = arith.constant 0 : i32
    %sign3A_448 = arith.cmpi sgt, %jit3A_438, %sign3A_447 : i32
    %sign3A_449 = arith.extui %sign3A_448 : i1 to i32
    %sign3A_450 = arith.constant 0 : i32
    %sign3A_451 = arith.cmpi slt, %jit3A_438, %sign3A_450 : i32
    %sign3A_452 = arith.extui %sign3A_451 : i1 to i32
    %sign3A_453 = arith.subi %sign3A_449, %sign3A_452 : i32
    %ne3A_454 = arith.cmpi ne, %sign3A_446, %sign3A_453 : i32
    %rem3A_455 = arith.remsi %add3A_437, %jit3A_438 : i32
    %ne3A_456 = arith.constant 0 : i32
    %ne3A_457 = arith.cmpi ne, %rem3A_455, %ne3A_456 : i32
    %and3A_458 = arith.andi %ne3A_454, %ne3A_457 : i1
    %sub3A_459 = arith.constant 1 : i32
    %sub3A_460 = arith.subi %div3A_439, %sub3A_459 : i32
    %select_n3A_461 = arith.select %and3A_458, %sub3A_460, %div3A_439 : i32
    %jit3A_462 = arith.constant 16 : i32
    %eq3A_463 = arith.constant 0 : i32
    %eq3A_464 = arith.cmpi eq, %jit3A_462, %eq3A_463 : i32
    %jit3A_465 = arith.constant 1 : i32
    %select_n3A_466 = arith.select %eq3A_464, %jit3A_465, %jit3A_462 : i32
    %rem3A_467 = arith.remsi %add3A_437, %select_n3A_466 : i32
    %ne3A_468 = arith.constant 0 : i32
    %ne3A_469 = arith.cmpi ne, %rem3A_467, %ne3A_468 : i32
    %lt3A_470 = arith.constant 0 : i32
    %lt3A_471 = arith.cmpi slt, %rem3A_467, %lt3A_470 : i32
    %lt3A_472 = arith.constant 0 : i32
    %lt3A_473 = arith.cmpi slt, %select_n3A_466, %lt3A_472 : i32
    %ne3A_474 = arith.xori %lt3A_471, %lt3A_473 : i1
    %and3A_475 = arith.andi %ne3A_474, %ne3A_469 : i1
    %add3A_476 = arith.addi %rem3A_467, %select_n3A_466 : i32
    %select_n3A_477 = arith.select %and3A_475, %add3A_476, %rem3A_467 : i32
    %ne3A_478 = arith.cmpi ne, %select_n3A_461, %select_n3A_401 : i32
    %convert_element_type3A_479 = arith.extui %ne3A_478 : i1 to i32
    %cond3A_480 = arith.constant 0 : i32
    %cond3A_481 = arith.cmpi ne, %convert_element_type3A_479, %cond3A_480 : i32
    scf.if %cond3A_481 {
      "tpu.region"() ({
        %run_scoped3A = tpu.sem_alloc : memref<!tpu.dma_semaphore, #tpu.memory_space<semaphore_mem>>
        %dma_start3A = arith.constant 0 : i32
        %dma_start3A_794 = tpu.memref_slice %arg3[%select_n3A_461, %dma_start3A] : memref<26x16384xi32, #tpu.memory_space<hbm>> -> memref<1x16384xi32, #tpu.memory_space<hbm>>
        %dma_start3A_795 = tpu.memref_squeeze %dma_start3A_794 : memref<1x16384xi32, #tpu.memory_space<hbm>> -> memref<16384xi32, #tpu.memory_space<hbm>>
        %dma_start3A_796 = arith.constant 0 : i32
        %dma_start3A_797 = tpu.memref_slice %arg3[%select_n3A_461, %dma_start3A_796] : memref<26x16384xi32, #tpu.memory_space<hbm>> -> memref<1x16384xi32, #tpu.memory_space<hbm>>
        %dma_start3A_798 = tpu.memref_squeeze %dma_start3A_797 : memref<1x16384xi32, #tpu.memory_space<hbm>> -> memref<16384xi32, #tpu.memory_space<hbm>>
        tpu.enqueue_dma source(%dma_start3A_798 : memref<16384xi32, #tpu.memory_space<hbm>>) target(%arg6 : memref<16384xi32, #tpu.memory_space<vmem>>) target_semaphore(%run_scoped3A : memref<!tpu.dma_semaphore, #tpu.memory_space<semaphore_mem>>)
        %dma_wait3A = arith.constant 0 : i32
        %dma_wait3A_799 = tpu.memref_slice %arg3[%select_n3A_461, %dma_wait3A] : memref<26x16384xi32, #tpu.memory_space<hbm>> -> memref<1x16384xi32, #tpu.memory_space<hbm>>
        %dma_wait3A_800 = tpu.memref_squeeze %dma_wait3A_799 : memref<1x16384xi32, #tpu.memory_space<hbm>> -> memref<16384xi32, #tpu.memory_space<hbm>>
        %dma_wait3A_801 = arith.constant 0 : i32
        %dma_wait3A_802 = tpu.memref_slice %arg3[%select_n3A_461, %dma_wait3A_801] : memref<26x16384xi32, #tpu.memory_space<hbm>> -> memref<1x16384xi32, #tpu.memory_space<hbm>>
        %dma_wait3A_803 = tpu.memref_squeeze %dma_wait3A_802 : memref<1x16384xi32, #tpu.memory_space<hbm>> -> memref<16384xi32, #tpu.memory_space<hbm>>
        tpu.wait_dma2 semaphore(%run_scoped3A : memref<!tpu.dma_semaphore, #tpu.memory_space<semaphore_mem>>) src(%dma_wait3A_803 : memref<16384xi32, #tpu.memory_space<hbm>>) dst(%arg6 : memref<16384xi32, #tpu.memory_space<vmem>>)
        tpu.yield
      }) : () -> ()
    } else {
    }
    "tpu.region"() ({
      %run_scoped3A = tpu.sem_alloc : memref<!tpu.dma_semaphore, #tpu.memory_space<semaphore_mem>>
      %dma_start3A = arith.constant 0 : i32
      %dma_start3A_794 = tpu.memref_slice %arg2[%select_n3A_461, %select_n3A_477, %dma_start3A] : memref<26x16x100000xf32, #tpu.memory_space<hbm>> -> memref<1x1x100000xf32, #tpu.memory_space<hbm>>
      %dma_start3A_795 = tpu.memref_squeeze %dma_start3A_794 : memref<1x1x100000xf32, #tpu.memory_space<hbm>> -> memref<100000xf32, #tpu.memory_space<hbm>>
      %dma_start3A_796 = arith.constant 0 : i32
      %dma_start3A_797 = tpu.memref_slice %arg2[%select_n3A_461, %select_n3A_477, %dma_start3A_796] : memref<26x16x100000xf32, #tpu.memory_space<hbm>> -> memref<1x1x100000xf32, #tpu.memory_space<hbm>>
      %dma_start3A_798 = tpu.memref_squeeze %dma_start3A_797 : memref<1x1x100000xf32, #tpu.memory_space<hbm>> -> memref<100000xf32, #tpu.memory_space<hbm>>
      tpu.enqueue_dma source(%dma_start3A_798 : memref<100000xf32, #tpu.memory_space<hbm>>) target(%arg5 : memref<100000xf32, #tpu.memory_space<vmem>>) target_semaphore(%run_scoped3A : memref<!tpu.dma_semaphore, #tpu.memory_space<semaphore_mem>>)
      %dma_wait3A = arith.constant 0 : i32
      %dma_wait3A_799 = tpu.memref_slice %arg2[%select_n3A_461, %select_n3A_477, %dma_wait3A] : memref<26x16x100000xf32, #tpu.memory_space<hbm>> -> memref<1x1x100000xf32, #tpu.memory_space<hbm>>
      %dma_wait3A_800 = tpu.memref_squeeze %dma_wait3A_799 : memref<1x1x100000xf32, #tpu.memory_space<hbm>> -> memref<100000xf32, #tpu.memory_space<hbm>>
      %dma_wait3A_801 = arith.constant 0 : i32
      %dma_wait3A_802 = tpu.memref_slice %arg2[%select_n3A_461, %select_n3A_477, %dma_wait3A_801] : memref<26x16x100000xf32, #tpu.memory_space<hbm>> -> memref<1x1x100000xf32, #tpu.memory_space<hbm>>
      %dma_wait3A_803 = tpu.memref_squeeze %dma_wait3A_802 : memref<1x1x100000xf32, #tpu.memory_space<hbm>> -> memref<100000xf32, #tpu.memory_space<hbm>>
      tpu.wait_dma2 semaphore(%run_scoped3A : memref<!tpu.dma_semaphore, #tpu.memory_space<semaphore_mem>>) src(%dma_wait3A_803 : memref<100000xf32, #tpu.memory_space<hbm>>) dst(%arg5 : memref<100000xf32, #tpu.memory_space<vmem>>)
      tpu.yield
    }) : () -> ()
    %scan3A_482 = arith.constant 0 : i32
    %scan3A_483 = arith.constant 0 : i32
    %scan3A_484 = arith.constant 512 : i32
    %scan3A_485 = arith.addi %scan3A_483, %scan3A_484 : i32
    %scan3A_486 = arith.constant 1 : i32
    scf.for %scan3A_794 = %scan3A_483 to %scan3A_485 step %scan3A_486  : i32 {
      %mul3A_795 = arith.constant 16 : i32
      %mul3A_796 = arith.muli %scan3A_794, %mul3A_795 : i32
      %add3A_797 = arith.constant 0 : i32
      %add3A_798 = arith.addi %add3A_797, %mul3A_796 : i32
      %get3A = arith.index_cast %add3A_798 : i32 to index
      %get3A_799 = tpu.vector_load %arg6[%get3A] {strides = array<i32>} : memref<16384xi32, #tpu.memory_space<vmem>>, vector<16xi32>,
      %gather3A = tpu.vector_load_idx %arg5[%get3A_799] : memref<100000xf32, #tpu.memory_space<vmem>>[vector<16xi32>], vector<16xf32>,
      %mul3A_800 = arith.constant 16 : i32
      %mul3A_801 = arith.muli %scan3A_794, %mul3A_800 : i32
      %swap3A = arith.index_cast %mul3A_801 : i32 to index
      %swap3A_802 = tpu.vector_load %arg7[%swap3A] {strides = array<i32>} : memref<8192xf32, #tpu.memory_space<vmem>>, vector<16xf32>,
      tpu.vector_store %arg7[%swap3A], %gather3A {strides = array<i32>} : memref<8192xf32, #tpu.memory_space<vmem>>, vector<16xf32>,
    }
    %scan3A_487 = arith.constant 512 : i32
    "tpu.region"() ({
      %run_scoped3A = tpu.sem_alloc : memref<!tpu.dma_semaphore, #tpu.memory_space<semaphore_mem>>
      %dma_start3A = arith.constant 0 : i32
      %dma_start3A_794 = tpu.memref_slice %arg4[%select_n3A_461, %select_n3A_477, %dma_start3A] : memref<26x16x16384xf32, #tpu.memory_space<hbm>> -> memref<1x1x8192xf32, #tpu.memory_space<hbm>>
      %dma_start3A_795 = tpu.memref_squeeze %dma_start3A_794 : memref<1x1x8192xf32, #tpu.memory_space<hbm>> -> memref<8192xf32, #tpu.memory_space<hbm>>
      %dma_start3A_796 = arith.constant 0 : i32
      %dma_start3A_797 = tpu.memref_slice %arg4[%select_n3A_461, %select_n3A_477, %dma_start3A_796] : memref<26x16x16384xf32, #tpu.memory_space<hbm>> -> memref<1x1x8192xf32, #tpu.memory_space<hbm>>
      %dma_start3A_798 = tpu.memref_squeeze %dma_start3A_797 : memref<1x1x8192xf32, #tpu.memory_space<hbm>> -> memref<8192xf32, #tpu.memory_space<hbm>>
      tpu.enqueue_dma source(%arg7 : memref<8192xf32, #tpu.memory_space<vmem>>) target(%dma_start3A_798 : memref<8192xf32, #tpu.memory_space<hbm>>) target_semaphore(%run_scoped3A : memref<!tpu.dma_semaphore, #tpu.memory_space<semaphore_mem>>)
      %dma_wait3A = arith.constant 0 : i32
      %dma_wait3A_799 = tpu.memref_slice %arg4[%select_n3A_461, %select_n3A_477, %dma_wait3A] : memref<26x16x16384xf32, #tpu.memory_space<hbm>> -> memref<1x1x8192xf32, #tpu.memory_space<hbm>>
      %dma_wait3A_800 = tpu.memref_squeeze %dma_wait3A_799 : memref<1x1x8192xf32, #tpu.memory_space<hbm>> -> memref<8192xf32, #tpu.memory_space<hbm>>
      %dma_wait3A_801 = arith.constant 0 : i32
      %dma_wait3A_802 = tpu.memref_slice %arg4[%select_n3A_461, %select_n3A_477, %dma_wait3A_801] : memref<26x16x16384xf32, #tpu.memory_space<hbm>> -> memref<1x1x8192xf32, #tpu.memory_space<hbm>>
      %dma_wait3A_803 = tpu.memref_squeeze %dma_wait3A_802 : memref<1x1x8192xf32, #tpu.memory_space<hbm>> -> memref<8192xf32, #tpu.memory_space<hbm>>
      tpu.wait_dma2 semaphore(%run_scoped3A : memref<!tpu.dma_semaphore, #tpu.memory_space<semaphore_mem>>) src(%arg7 : memref<8192xf32, #tpu.memory_space<vmem>>) dst(%dma_wait3A_803 : memref<8192xf32, #tpu.memory_space<hbm>>)
      tpu.yield
    }) : () -> ()
    %scan3A_488 = arith.constant 0 : i32
    %scan3A_489 = arith.constant 0 : i32
    %scan3A_490 = arith.constant 512 : i32
    %scan3A_491 = arith.addi %scan3A_489, %scan3A_490 : i32
    %scan3A_492 = arith.constant 1 : i32
    scf.for %scan3A_794 = %scan3A_489 to %scan3A_491 step %scan3A_492  : i32 {
      %mul3A_795 = arith.constant 16 : i32
      %mul3A_796 = arith.muli %scan3A_794, %mul3A_795 : i32
      %add3A_797 = arith.constant 8192 : i32
      %add3A_798 = arith.addi %add3A_797, %mul3A_796 : i32
      %get3A = arith.index_cast %add3A_798 : i32 to index
      %get3A_799 = tpu.vector_load %arg6[%get3A] {strides = array<i32>} : memref<16384xi32, #tpu.memory_space<vmem>>, vector<16xi32>,
      %gather3A = tpu.vector_load_idx %arg5[%get3A_799] : memref<100000xf32, #tpu.memory_space<vmem>>[vector<16xi32>], vector<16xf32>,
      %mul3A_800 = arith.constant 16 : i32
      %mul3A_801 = arith.muli %scan3A_794, %mul3A_800 : i32
      %swap3A = arith.index_cast %mul3A_801 : i32 to index
      %swap3A_802 = tpu.vector_load %arg7[%swap3A] {strides = array<i32>} : memref<8192xf32, #tpu.memory_space<vmem>>, vector<16xf32>,
      tpu.vector_store %arg7[%swap3A], %gather3A {strides = array<i32>} : memref<8192xf32, #tpu.memory_space<vmem>>, vector<16xf32>,
    }
    %scan3A_493 = arith.constant 512 : i32
    "tpu.region"() ({
      %run_scoped3A = tpu.sem_alloc : memref<!tpu.dma_semaphore, #tpu.memory_space<semaphore_mem>>
      %dma_start3A = arith.constant 8192 : i32
      %dma_start3A_794 = tpu.memref_slice %arg4[%select_n3A_461, %select_n3A_477, %dma_start3A] : memref<26x16x16384xf32, #tpu.memory_space<hbm>> -> memref<1x1x8192xf32, #tpu.memory_space<hbm>>
      %dma_start3A_795 = tpu.memref_squeeze %dma_start3A_794 : memref<1x1x8192xf32, #tpu.memory_space<hbm>> -> memref<8192xf32, #tpu.memory_space<hbm>>
      %dma_start3A_796 = arith.constant 8192 : i32
      %dma_start3A_797 = tpu.memref_slice %arg4[%select_n3A_461, %select_n3A_477, %dma_start3A_796] : memref<26x16x16384xf32, #tpu.memory_space<hbm>> -> memref<1x1x8192xf32, #tpu.memory_space<hbm>>
      %dma_start3A_798 = tpu.memref_squeeze %dma_start3A_797 : memref<1x1x8192xf32, #tpu.memory_space<hbm>> -> memref<8192xf32, #tpu.memory_space<hbm>>
      tpu.enqueue_dma source(%arg7 : memref<8192xf32, #tpu.memory_space<vmem>>) target(%dma_start3A_798 : memref<8192xf32, #tpu.memory_space<hbm>>) target_semaphore(%run_scoped3A : memref<!tpu.dma_semaphore, #tpu.memory_space<semaphore_mem>>)
      %dma_wait3A = arith.constant 8192 : i32
      %dma_wait3A_799 = tpu.memref_slice %arg4[%select_n3A_461, %select_n3A_477, %dma_wait3A] : memref<26x16x16384xf32, #tpu.memory_space<hbm>> -> memref<1x1x8192xf32, #tpu.memory_space<hbm>>
      %dma_wait3A_800 = tpu.memref_squeeze %dma_wait3A_799 : memref<1x1x8192xf32, #tpu.memory_space<hbm>> -> memref<8192xf32, #tpu.memory_space<hbm>>
      %dma_wait3A_801 = arith.constant 8192 : i32
      %dma_wait3A_802 = tpu.memref_slice %arg4[%select_n3A_461, %select_n3A_477, %dma_wait3A_801] : memref<26x16x16384xf32, #tpu.memory_space<hbm>> -> memref<1x1x8192xf32, #tpu.memory_space<hbm>>
      %dma_wait3A_803 = tpu.memref_squeeze %dma_wait3A_802 : memref<1x1x8192xf32, #tpu.memory_space<hbm>> -> memref<8192xf32, #tpu.memory_space<hbm>>
      tpu.wait_dma2 semaphore(%run_scoped3A : memref<!tpu.dma_semaphore, #tpu.memory_space<semaphore_mem>>) src(%arg7 : memref<8192xf32, #tpu.memory_space<vmem>>) dst(%dma_wait3A_803 : memref<8192xf32, #tpu.memory_space<hbm>>)
      tpu.yield
    }) : () -> ()
    %mul3A_494 = arith.constant 13 : i32
    %mul3A_495 = arith.muli %add3A, %mul3A_494 : i32
    %add3A_496 = arith.constant 8 : i32
    %add3A_497 = arith.addi %mul3A_495, %add3A_496 : i32
    %jit3A_498 = arith.constant 16 : i32
    %div3A_499 = arith.divsi %add3A_497, %jit3A_498 : i32
    %sign3A_500 = arith.constant 0 : i32
    %sign3A_501 = arith.cmpi sgt, %add3A_497, %sign3A_500 : i32
    %sign3A_502 = arith.extui %sign3A_501 : i1 to i32
    %sign3A_503 = arith.constant 0 : i32
    %sign3A_504 = arith.cmpi slt, %add3A_497, %sign3A_503 : i32
    %sign3A_505 = arith.extui %sign3A_504 : i1 to i32
    %sign3A_506 = arith.subi %sign3A_502, %sign3A_505 : i32
    %sign3A_507 = arith.constant 0 : i32
    %sign3A_508 = arith.cmpi sgt, %jit3A_498, %sign3A_507 : i32
    %sign3A_509 = arith.extui %sign3A_508 : i1 to i32
    %sign3A_510 = arith.constant 0 : i32
    %sign3A_511 = arith.cmpi slt, %jit3A_498, %sign3A_510 : i32
    %sign3A_512 = arith.extui %sign3A_511 : i1 to i32
    %sign3A_513 = arith.subi %sign3A_509, %sign3A_512 : i32
    %ne3A_514 = arith.cmpi ne, %sign3A_506, %sign3A_513 : i32
    %rem3A_515 = arith.remsi %add3A_497, %jit3A_498 : i32
    %ne3A_516 = arith.constant 0 : i32
    %ne3A_517 = arith.cmpi ne, %rem3A_515, %ne3A_516 : i32
    %and3A_518 = arith.andi %ne3A_514, %ne3A_517 : i1
    %sub3A_519 = arith.constant 1 : i32
    %sub3A_520 = arith.subi %div3A_499, %sub3A_519 : i32
    %select_n3A_521 = arith.select %and3A_518, %sub3A_520, %div3A_499 : i32
    %jit3A_522 = arith.constant 16 : i32
    %eq3A_523 = arith.constant 0 : i32
    %eq3A_524 = arith.cmpi eq, %jit3A_522, %eq3A_523 : i32
    %jit3A_525 = arith.constant 1 : i32
    %select_n3A_526 = arith.select %eq3A_524, %jit3A_525, %jit3A_522 : i32
    %rem3A_527 = arith.remsi %add3A_497, %select_n3A_526 : i32
    %ne3A_528 = arith.constant 0 : i32
    %ne3A_529 = arith.cmpi ne, %rem3A_527, %ne3A_528 : i32
    %lt3A_530 = arith.constant 0 : i32
    %lt3A_531 = arith.cmpi slt, %rem3A_527, %lt3A_530 : i32
    %lt3A_532 = arith.constant 0 : i32
    %lt3A_533 = arith.cmpi slt, %select_n3A_526, %lt3A_532 : i32
    %ne3A_534 = arith.xori %lt3A_531, %lt3A_533 : i1
    %and3A_535 = arith.andi %ne3A_534, %ne3A_529 : i1
    %add3A_536 = arith.addi %rem3A_527, %select_n3A_526 : i32
    %select_n3A_537 = arith.select %and3A_535, %add3A_536, %rem3A_527 : i32
    %ne3A_538 = arith.cmpi ne, %select_n3A_521, %select_n3A_461 : i32
    %convert_element_type3A_539 = arith.extui %ne3A_538 : i1 to i32
    %cond3A_540 = arith.constant 0 : i32
    %cond3A_541 = arith.cmpi ne, %convert_element_type3A_539, %cond3A_540 : i32
    scf.if %cond3A_541 {
      "tpu.region"() ({
        %run_scoped3A = tpu.sem_alloc : memref<!tpu.dma_semaphore, #tpu.memory_space<semaphore_mem>>
        %dma_start3A = arith.constant 0 : i32
        %dma_start3A_794 = tpu.memref_slice %arg3[%select_n3A_521, %dma_start3A] : memref<26x16384xi32, #tpu.memory_space<hbm>> -> memref<1x16384xi32, #tpu.memory_space<hbm>>
        %dma_start3A_795 = tpu.memref_squeeze %dma_start3A_794 : memref<1x16384xi32, #tpu.memory_space<hbm>> -> memref<16384xi32, #tpu.memory_space<hbm>>
        %dma_start3A_796 = arith.constant 0 : i32
        %dma_start3A_797 = tpu.memref_slice %arg3[%select_n3A_521, %dma_start3A_796] : memref<26x16384xi32, #tpu.memory_space<hbm>> -> memref<1x16384xi32, #tpu.memory_space<hbm>>
        %dma_start3A_798 = tpu.memref_squeeze %dma_start3A_797 : memref<1x16384xi32, #tpu.memory_space<hbm>> -> memref<16384xi32, #tpu.memory_space<hbm>>
        tpu.enqueue_dma source(%dma_start3A_798 : memref<16384xi32, #tpu.memory_space<hbm>>) target(%arg6 : memref<16384xi32, #tpu.memory_space<vmem>>) target_semaphore(%run_scoped3A : memref<!tpu.dma_semaphore, #tpu.memory_space<semaphore_mem>>)
        %dma_wait3A = arith.constant 0 : i32
        %dma_wait3A_799 = tpu.memref_slice %arg3[%select_n3A_521, %dma_wait3A] : memref<26x16384xi32, #tpu.memory_space<hbm>> -> memref<1x16384xi32, #tpu.memory_space<hbm>>
        %dma_wait3A_800 = tpu.memref_squeeze %dma_wait3A_799 : memref<1x16384xi32, #tpu.memory_space<hbm>> -> memref<16384xi32, #tpu.memory_space<hbm>>
        %dma_wait3A_801 = arith.constant 0 : i32
        %dma_wait3A_802 = tpu.memref_slice %arg3[%select_n3A_521, %dma_wait3A_801] : memref<26x16384xi32, #tpu.memory_space<hbm>> -> memref<1x16384xi32, #tpu.memory_space<hbm>>
        %dma_wait3A_803 = tpu.memref_squeeze %dma_wait3A_802 : memref<1x16384xi32, #tpu.memory_space<hbm>> -> memref<16384xi32, #tpu.memory_space<hbm>>
        tpu.wait_dma2 semaphore(%run_scoped3A : memref<!tpu.dma_semaphore, #tpu.memory_space<semaphore_mem>>) src(%dma_wait3A_803 : memref<16384xi32, #tpu.memory_space<hbm>>) dst(%arg6 : memref<16384xi32, #tpu.memory_space<vmem>>)
        tpu.yield
      }) : () -> ()
    } else {
    }
    "tpu.region"() ({
      %run_scoped3A = tpu.sem_alloc : memref<!tpu.dma_semaphore, #tpu.memory_space<semaphore_mem>>
      %dma_start3A = arith.constant 0 : i32
      %dma_start3A_794 = tpu.memref_slice %arg2[%select_n3A_521, %select_n3A_537, %dma_start3A] : memref<26x16x100000xf32, #tpu.memory_space<hbm>> -> memref<1x1x100000xf32, #tpu.memory_space<hbm>>
      %dma_start3A_795 = tpu.memref_squeeze %dma_start3A_794 : memref<1x1x100000xf32, #tpu.memory_space<hbm>> -> memref<100000xf32, #tpu.memory_space<hbm>>
      %dma_start3A_796 = arith.constant 0 : i32
      %dma_start3A_797 = tpu.memref_slice %arg2[%select_n3A_521, %select_n3A_537, %dma_start3A_796] : memref<26x16x100000xf32, #tpu.memory_space<hbm>> -> memref<1x1x100000xf32, #tpu.memory_space<hbm>>
      %dma_start3A_798 = tpu.memref_squeeze %dma_start3A_797 : memref<1x1x100000xf32, #tpu.memory_space<hbm>> -> memref<100000xf32, #tpu.memory_space<hbm>>
      tpu.enqueue_dma source(%dma_start3A_798 : memref<100000xf32, #tpu.memory_space<hbm>>) target(%arg5 : memref<100000xf32, #tpu.memory_space<vmem>>) target_semaphore(%run_scoped3A : memref<!tpu.dma_semaphore, #tpu.memory_space<semaphore_mem>>)
      %dma_wait3A = arith.constant 0 : i32
      %dma_wait3A_799 = tpu.memref_slice %arg2[%select_n3A_521, %select_n3A_537, %dma_wait3A] : memref<26x16x100000xf32, #tpu.memory_space<hbm>> -> memref<1x1x100000xf32, #tpu.memory_space<hbm>>
      %dma_wait3A_800 = tpu.memref_squeeze %dma_wait3A_799 : memref<1x1x100000xf32, #tpu.memory_space<hbm>> -> memref<100000xf32, #tpu.memory_space<hbm>>
      %dma_wait3A_801 = arith.constant 0 : i32
      %dma_wait3A_802 = tpu.memref_slice %arg2[%select_n3A_521, %select_n3A_537, %dma_wait3A_801] : memref<26x16x100000xf32, #tpu.memory_space<hbm>> -> memref<1x1x100000xf32, #tpu.memory_space<hbm>>
      %dma_wait3A_803 = tpu.memref_squeeze %dma_wait3A_802 : memref<1x1x100000xf32, #tpu.memory_space<hbm>> -> memref<100000xf32, #tpu.memory_space<hbm>>
      tpu.wait_dma2 semaphore(%run_scoped3A : memref<!tpu.dma_semaphore, #tpu.memory_space<semaphore_mem>>) src(%dma_wait3A_803 : memref<100000xf32, #tpu.memory_space<hbm>>) dst(%arg5 : memref<100000xf32, #tpu.memory_space<vmem>>)
      tpu.yield
    }) : () -> ()
    %scan3A_542 = arith.constant 0 : i32
    %scan3A_543 = arith.constant 0 : i32
    %scan3A_544 = arith.constant 512 : i32
    %scan3A_545 = arith.addi %scan3A_543, %scan3A_544 : i32
    %scan3A_546 = arith.constant 1 : i32
    scf.for %scan3A_794 = %scan3A_543 to %scan3A_545 step %scan3A_546  : i32 {
      %mul3A_795 = arith.constant 16 : i32
      %mul3A_796 = arith.muli %scan3A_794, %mul3A_795 : i32
      %add3A_797 = arith.constant 0 : i32
      %add3A_798 = arith.addi %add3A_797, %mul3A_796 : i32
      %get3A = arith.index_cast %add3A_798 : i32 to index
      %get3A_799 = tpu.vector_load %arg6[%get3A] {strides = array<i32>} : memref<16384xi32, #tpu.memory_space<vmem>>, vector<16xi32>,
      %gather3A = tpu.vector_load_idx %arg5[%get3A_799] : memref<100000xf32, #tpu.memory_space<vmem>>[vector<16xi32>], vector<16xf32>,
      %mul3A_800 = arith.constant 16 : i32
      %mul3A_801 = arith.muli %scan3A_794, %mul3A_800 : i32
      %swap3A = arith.index_cast %mul3A_801 : i32 to index
      %swap3A_802 = tpu.vector_load %arg7[%swap3A] {strides = array<i32>} : memref<8192xf32, #tpu.memory_space<vmem>>, vector<16xf32>,
      tpu.vector_store %arg7[%swap3A], %gather3A {strides = array<i32>} : memref<8192xf32, #tpu.memory_space<vmem>>, vector<16xf32>,
    }
    %scan3A_547 = arith.constant 512 : i32
    "tpu.region"() ({
      %run_scoped3A = tpu.sem_alloc : memref<!tpu.dma_semaphore, #tpu.memory_space<semaphore_mem>>
      %dma_start3A = arith.constant 0 : i32
      %dma_start3A_794 = tpu.memref_slice %arg4[%select_n3A_521, %select_n3A_537, %dma_start3A] : memref<26x16x16384xf32, #tpu.memory_space<hbm>> -> memref<1x1x8192xf32, #tpu.memory_space<hbm>>
      %dma_start3A_795 = tpu.memref_squeeze %dma_start3A_794 : memref<1x1x8192xf32, #tpu.memory_space<hbm>> -> memref<8192xf32, #tpu.memory_space<hbm>>
      %dma_start3A_796 = arith.constant 0 : i32
      %dma_start3A_797 = tpu.memref_slice %arg4[%select_n3A_521, %select_n3A_537, %dma_start3A_796] : memref<26x16x16384xf32, #tpu.memory_space<hbm>> -> memref<1x1x8192xf32, #tpu.memory_space<hbm>>
      %dma_start3A_798 = tpu.memref_squeeze %dma_start3A_797 : memref<1x1x8192xf32, #tpu.memory_space<hbm>> -> memref<8192xf32, #tpu.memory_space<hbm>>
      tpu.enqueue_dma source(%arg7 : memref<8192xf32, #tpu.memory_space<vmem>>) target(%dma_start3A_798 : memref<8192xf32, #tpu.memory_space<hbm>>) target_semaphore(%run_scoped3A : memref<!tpu.dma_semaphore, #tpu.memory_space<semaphore_mem>>)
      %dma_wait3A = arith.constant 0 : i32
      %dma_wait3A_799 = tpu.memref_slice %arg4[%select_n3A_521, %select_n3A_537, %dma_wait3A] : memref<26x16x16384xf32, #tpu.memory_space<hbm>> -> memref<1x1x8192xf32, #tpu.memory_space<hbm>>
      %dma_wait3A_800 = tpu.memref_squeeze %dma_wait3A_799 : memref<1x1x8192xf32, #tpu.memory_space<hbm>> -> memref<8192xf32, #tpu.memory_space<hbm>>
      %dma_wait3A_801 = arith.constant 0 : i32
      %dma_wait3A_802 = tpu.memref_slice %arg4[%select_n3A_521, %select_n3A_537, %dma_wait3A_801] : memref<26x16x16384xf32, #tpu.memory_space<hbm>> -> memref<1x1x8192xf32, #tpu.memory_space<hbm>>
      %dma_wait3A_803 = tpu.memref_squeeze %dma_wait3A_802 : memref<1x1x8192xf32, #tpu.memory_space<hbm>> -> memref<8192xf32, #tpu.memory_space<hbm>>
      tpu.wait_dma2 semaphore(%run_scoped3A : memref<!tpu.dma_semaphore, #tpu.memory_space<semaphore_mem>>) src(%arg7 : memref<8192xf32, #tpu.memory_space<vmem>>) dst(%dma_wait3A_803 : memref<8192xf32, #tpu.memory_space<hbm>>)
      tpu.yield
    }) : () -> ()
    %scan3A_548 = arith.constant 0 : i32
    %scan3A_549 = arith.constant 0 : i32
    %scan3A_550 = arith.constant 512 : i32
    %scan3A_551 = arith.addi %scan3A_549, %scan3A_550 : i32
    %scan3A_552 = arith.constant 1 : i32
    scf.for %scan3A_794 = %scan3A_549 to %scan3A_551 step %scan3A_552  : i32 {
      %mul3A_795 = arith.constant 16 : i32
      %mul3A_796 = arith.muli %scan3A_794, %mul3A_795 : i32
      %add3A_797 = arith.constant 8192 : i32
      %add3A_798 = arith.addi %add3A_797, %mul3A_796 : i32
      %get3A = arith.index_cast %add3A_798 : i32 to index
      %get3A_799 = tpu.vector_load %arg6[%get3A] {strides = array<i32>} : memref<16384xi32, #tpu.memory_space<vmem>>, vector<16xi32>,
      %gather3A = tpu.vector_load_idx %arg5[%get3A_799] : memref<100000xf32, #tpu.memory_space<vmem>>[vector<16xi32>], vector<16xf32>,
      %mul3A_800 = arith.constant 16 : i32
      %mul3A_801 = arith.muli %scan3A_794, %mul3A_800 : i32
      %swap3A = arith.index_cast %mul3A_801 : i32 to index
      %swap3A_802 = tpu.vector_load %arg7[%swap3A] {strides = array<i32>} : memref<8192xf32, #tpu.memory_space<vmem>>, vector<16xf32>,
      tpu.vector_store %arg7[%swap3A], %gather3A {strides = array<i32>} : memref<8192xf32, #tpu.memory_space<vmem>>, vector<16xf32>,
    }
    %scan3A_553 = arith.constant 512 : i32
    "tpu.region"() ({
      %run_scoped3A = tpu.sem_alloc : memref<!tpu.dma_semaphore, #tpu.memory_space<semaphore_mem>>
      %dma_start3A = arith.constant 8192 : i32
      %dma_start3A_794 = tpu.memref_slice %arg4[%select_n3A_521, %select_n3A_537, %dma_start3A] : memref<26x16x16384xf32, #tpu.memory_space<hbm>> -> memref<1x1x8192xf32, #tpu.memory_space<hbm>>
      %dma_start3A_795 = tpu.memref_squeeze %dma_start3A_794 : memref<1x1x8192xf32, #tpu.memory_space<hbm>> -> memref<8192xf32, #tpu.memory_space<hbm>>
      %dma_start3A_796 = arith.constant 8192 : i32
      %dma_start3A_797 = tpu.memref_slice %arg4[%select_n3A_521, %select_n3A_537, %dma_start3A_796] : memref<26x16x16384xf32, #tpu.memory_space<hbm>> -> memref<1x1x8192xf32, #tpu.memory_space<hbm>>
      %dma_start3A_798 = tpu.memref_squeeze %dma_start3A_797 : memref<1x1x8192xf32, #tpu.memory_space<hbm>> -> memref<8192xf32, #tpu.memory_space<hbm>>
      tpu.enqueue_dma source(%arg7 : memref<8192xf32, #tpu.memory_space<vmem>>) target(%dma_start3A_798 : memref<8192xf32, #tpu.memory_space<hbm>>) target_semaphore(%run_scoped3A : memref<!tpu.dma_semaphore, #tpu.memory_space<semaphore_mem>>)
      %dma_wait3A = arith.constant 8192 : i32
      %dma_wait3A_799 = tpu.memref_slice %arg4[%select_n3A_521, %select_n3A_537, %dma_wait3A] : memref<26x16x16384xf32, #tpu.memory_space<hbm>> -> memref<1x1x8192xf32, #tpu.memory_space<hbm>>
      %dma_wait3A_800 = tpu.memref_squeeze %dma_wait3A_799 : memref<1x1x8192xf32, #tpu.memory_space<hbm>> -> memref<8192xf32, #tpu.memory_space<hbm>>
      %dma_wait3A_801 = arith.constant 8192 : i32
      %dma_wait3A_802 = tpu.memref_slice %arg4[%select_n3A_521, %select_n3A_537, %dma_wait3A_801] : memref<26x16x16384xf32, #tpu.memory_space<hbm>> -> memref<1x1x8192xf32, #tpu.memory_space<hbm>>
      %dma_wait3A_803 = tpu.memref_squeeze %dma_wait3A_802 : memref<1x1x8192xf32, #tpu.memory_space<hbm>> -> memref<8192xf32, #tpu.memory_space<hbm>>
      tpu.wait_dma2 semaphore(%run_scoped3A : memref<!tpu.dma_semaphore, #tpu.memory_space<semaphore_mem>>) src(%arg7 : memref<8192xf32, #tpu.memory_space<vmem>>) dst(%dma_wait3A_803 : memref<8192xf32, #tpu.memory_space<hbm>>)
      tpu.yield
    }) : () -> ()
    %mul3A_554 = arith.constant 13 : i32
    %mul3A_555 = arith.muli %add3A, %mul3A_554 : i32
    %add3A_556 = arith.constant 9 : i32
    %add3A_557 = arith.addi %mul3A_555, %add3A_556 : i32
    %jit3A_558 = arith.constant 16 : i32
    %div3A_559 = arith.divsi %add3A_557, %jit3A_558 : i32
    %sign3A_560 = arith.constant 0 : i32
    %sign3A_561 = arith.cmpi sgt, %add3A_557, %sign3A_560 : i32
    %sign3A_562 = arith.extui %sign3A_561 : i1 to i32
    %sign3A_563 = arith.constant 0 : i32
    %sign3A_564 = arith.cmpi slt, %add3A_557, %sign3A_563 : i32
    %sign3A_565 = arith.extui %sign3A_564 : i1 to i32
    %sign3A_566 = arith.subi %sign3A_562, %sign3A_565 : i32
    %sign3A_567 = arith.constant 0 : i32
    %sign3A_568 = arith.cmpi sgt, %jit3A_558, %sign3A_567 : i32
    %sign3A_569 = arith.extui %sign3A_568 : i1 to i32
    %sign3A_570 = arith.constant 0 : i32
    %sign3A_571 = arith.cmpi slt, %jit3A_558, %sign3A_570 : i32
    %sign3A_572 = arith.extui %sign3A_571 : i1 to i32
    %sign3A_573 = arith.subi %sign3A_569, %sign3A_572 : i32
    %ne3A_574 = arith.cmpi ne, %sign3A_566, %sign3A_573 : i32
    %rem3A_575 = arith.remsi %add3A_557, %jit3A_558 : i32
    %ne3A_576 = arith.constant 0 : i32
    %ne3A_577 = arith.cmpi ne, %rem3A_575, %ne3A_576 : i32
    %and3A_578 = arith.andi %ne3A_574, %ne3A_577 : i1
    %sub3A_579 = arith.constant 1 : i32
    %sub3A_580 = arith.subi %div3A_559, %sub3A_579 : i32
    %select_n3A_581 = arith.select %and3A_578, %sub3A_580, %div3A_559 : i32
    %jit3A_582 = arith.constant 16 : i32
    %eq3A_583 = arith.constant 0 : i32
    %eq3A_584 = arith.cmpi eq, %jit3A_582, %eq3A_583 : i32
    %jit3A_585 = arith.constant 1 : i32
    %select_n3A_586 = arith.select %eq3A_584, %jit3A_585, %jit3A_582 : i32
    %rem3A_587 = arith.remsi %add3A_557, %select_n3A_586 : i32
    %ne3A_588 = arith.constant 0 : i32
    %ne3A_589 = arith.cmpi ne, %rem3A_587, %ne3A_588 : i32
    %lt3A_590 = arith.constant 0 : i32
    %lt3A_591 = arith.cmpi slt, %rem3A_587, %lt3A_590 : i32
    %lt3A_592 = arith.constant 0 : i32
    %lt3A_593 = arith.cmpi slt, %select_n3A_586, %lt3A_592 : i32
    %ne3A_594 = arith.xori %lt3A_591, %lt3A_593 : i1
    %and3A_595 = arith.andi %ne3A_594, %ne3A_589 : i1
    %add3A_596 = arith.addi %rem3A_587, %select_n3A_586 : i32
    %select_n3A_597 = arith.select %and3A_595, %add3A_596, %rem3A_587 : i32
    %ne3A_598 = arith.cmpi ne, %select_n3A_581, %select_n3A_521 : i32
    %convert_element_type3A_599 = arith.extui %ne3A_598 : i1 to i32
    %cond3A_600 = arith.constant 0 : i32
    %cond3A_601 = arith.cmpi ne, %convert_element_type3A_599, %cond3A_600 : i32
    scf.if %cond3A_601 {
      "tpu.region"() ({
        %run_scoped3A = tpu.sem_alloc : memref<!tpu.dma_semaphore, #tpu.memory_space<semaphore_mem>>
        %dma_start3A = arith.constant 0 : i32
        %dma_start3A_794 = tpu.memref_slice %arg3[%select_n3A_581, %dma_start3A] : memref<26x16384xi32, #tpu.memory_space<hbm>> -> memref<1x16384xi32, #tpu.memory_space<hbm>>
        %dma_start3A_795 = tpu.memref_squeeze %dma_start3A_794 : memref<1x16384xi32, #tpu.memory_space<hbm>> -> memref<16384xi32, #tpu.memory_space<hbm>>
        %dma_start3A_796 = arith.constant 0 : i32
        %dma_start3A_797 = tpu.memref_slice %arg3[%select_n3A_581, %dma_start3A_796] : memref<26x16384xi32, #tpu.memory_space<hbm>> -> memref<1x16384xi32, #tpu.memory_space<hbm>>
        %dma_start3A_798 = tpu.memref_squeeze %dma_start3A_797 : memref<1x16384xi32, #tpu.memory_space<hbm>> -> memref<16384xi32, #tpu.memory_space<hbm>>
        tpu.enqueue_dma source(%dma_start3A_798 : memref<16384xi32, #tpu.memory_space<hbm>>) target(%arg6 : memref<16384xi32, #tpu.memory_space<vmem>>) target_semaphore(%run_scoped3A : memref<!tpu.dma_semaphore, #tpu.memory_space<semaphore_mem>>)
        %dma_wait3A = arith.constant 0 : i32
        %dma_wait3A_799 = tpu.memref_slice %arg3[%select_n3A_581, %dma_wait3A] : memref<26x16384xi32, #tpu.memory_space<hbm>> -> memref<1x16384xi32, #tpu.memory_space<hbm>>
        %dma_wait3A_800 = tpu.memref_squeeze %dma_wait3A_799 : memref<1x16384xi32, #tpu.memory_space<hbm>> -> memref<16384xi32, #tpu.memory_space<hbm>>
        %dma_wait3A_801 = arith.constant 0 : i32
        %dma_wait3A_802 = tpu.memref_slice %arg3[%select_n3A_581, %dma_wait3A_801] : memref<26x16384xi32, #tpu.memory_space<hbm>> -> memref<1x16384xi32, #tpu.memory_space<hbm>>
        %dma_wait3A_803 = tpu.memref_squeeze %dma_wait3A_802 : memref<1x16384xi32, #tpu.memory_space<hbm>> -> memref<16384xi32, #tpu.memory_space<hbm>>
        tpu.wait_dma2 semaphore(%run_scoped3A : memref<!tpu.dma_semaphore, #tpu.memory_space<semaphore_mem>>) src(%dma_wait3A_803 : memref<16384xi32, #tpu.memory_space<hbm>>) dst(%arg6 : memref<16384xi32, #tpu.memory_space<vmem>>)
        tpu.yield
      }) : () -> ()
    } else {
    }
    "tpu.region"() ({
      %run_scoped3A = tpu.sem_alloc : memref<!tpu.dma_semaphore, #tpu.memory_space<semaphore_mem>>
      %dma_start3A = arith.constant 0 : i32
      %dma_start3A_794 = tpu.memref_slice %arg2[%select_n3A_581, %select_n3A_597, %dma_start3A] : memref<26x16x100000xf32, #tpu.memory_space<hbm>> -> memref<1x1x100000xf32, #tpu.memory_space<hbm>>
      %dma_start3A_795 = tpu.memref_squeeze %dma_start3A_794 : memref<1x1x100000xf32, #tpu.memory_space<hbm>> -> memref<100000xf32, #tpu.memory_space<hbm>>
      %dma_start3A_796 = arith.constant 0 : i32
      %dma_start3A_797 = tpu.memref_slice %arg2[%select_n3A_581, %select_n3A_597, %dma_start3A_796] : memref<26x16x100000xf32, #tpu.memory_space<hbm>> -> memref<1x1x100000xf32, #tpu.memory_space<hbm>>
      %dma_start3A_798 = tpu.memref_squeeze %dma_start3A_797 : memref<1x1x100000xf32, #tpu.memory_space<hbm>> -> memref<100000xf32, #tpu.memory_space<hbm>>
      tpu.enqueue_dma source(%dma_start3A_798 : memref<100000xf32, #tpu.memory_space<hbm>>) target(%arg5 : memref<100000xf32, #tpu.memory_space<vmem>>) target_semaphore(%run_scoped3A : memref<!tpu.dma_semaphore, #tpu.memory_space<semaphore_mem>>)
      %dma_wait3A = arith.constant 0 : i32
      %dma_wait3A_799 = tpu.memref_slice %arg2[%select_n3A_581, %select_n3A_597, %dma_wait3A] : memref<26x16x100000xf32, #tpu.memory_space<hbm>> -> memref<1x1x100000xf32, #tpu.memory_space<hbm>>
      %dma_wait3A_800 = tpu.memref_squeeze %dma_wait3A_799 : memref<1x1x100000xf32, #tpu.memory_space<hbm>> -> memref<100000xf32, #tpu.memory_space<hbm>>
      %dma_wait3A_801 = arith.constant 0 : i32
      %dma_wait3A_802 = tpu.memref_slice %arg2[%select_n3A_581, %select_n3A_597, %dma_wait3A_801] : memref<26x16x100000xf32, #tpu.memory_space<hbm>> -> memref<1x1x100000xf32, #tpu.memory_space<hbm>>
      %dma_wait3A_803 = tpu.memref_squeeze %dma_wait3A_802 : memref<1x1x100000xf32, #tpu.memory_space<hbm>> -> memref<100000xf32, #tpu.memory_space<hbm>>
      tpu.wait_dma2 semaphore(%run_scoped3A : memref<!tpu.dma_semaphore, #tpu.memory_space<semaphore_mem>>) src(%dma_wait3A_803 : memref<100000xf32, #tpu.memory_space<hbm>>) dst(%arg5 : memref<100000xf32, #tpu.memory_space<vmem>>)
      tpu.yield
    }) : () -> ()
    %scan3A_602 = arith.constant 0 : i32
    %scan3A_603 = arith.constant 0 : i32
    %scan3A_604 = arith.constant 512 : i32
    %scan3A_605 = arith.addi %scan3A_603, %scan3A_604 : i32
    %scan3A_606 = arith.constant 1 : i32
    scf.for %scan3A_794 = %scan3A_603 to %scan3A_605 step %scan3A_606  : i32 {
      %mul3A_795 = arith.constant 16 : i32
      %mul3A_796 = arith.muli %scan3A_794, %mul3A_795 : i32
      %add3A_797 = arith.constant 0 : i32
      %add3A_798 = arith.addi %add3A_797, %mul3A_796 : i32
      %get3A = arith.index_cast %add3A_798 : i32 to index
      %get3A_799 = tpu.vector_load %arg6[%get3A] {strides = array<i32>} : memref<16384xi32, #tpu.memory_space<vmem>>, vector<16xi32>,
      %gather3A = tpu.vector_load_idx %arg5[%get3A_799] : memref<100000xf32, #tpu.memory_space<vmem>>[vector<16xi32>], vector<16xf32>,
      %mul3A_800 = arith.constant 16 : i32
      %mul3A_801 = arith.muli %scan3A_794, %mul3A_800 : i32
      %swap3A = arith.index_cast %mul3A_801 : i32 to index
      %swap3A_802 = tpu.vector_load %arg7[%swap3A] {strides = array<i32>} : memref<8192xf32, #tpu.memory_space<vmem>>, vector<16xf32>,
      tpu.vector_store %arg7[%swap3A], %gather3A {strides = array<i32>} : memref<8192xf32, #tpu.memory_space<vmem>>, vector<16xf32>,
    }
    %scan3A_607 = arith.constant 512 : i32
    "tpu.region"() ({
      %run_scoped3A = tpu.sem_alloc : memref<!tpu.dma_semaphore, #tpu.memory_space<semaphore_mem>>
      %dma_start3A = arith.constant 0 : i32
      %dma_start3A_794 = tpu.memref_slice %arg4[%select_n3A_581, %select_n3A_597, %dma_start3A] : memref<26x16x16384xf32, #tpu.memory_space<hbm>> -> memref<1x1x8192xf32, #tpu.memory_space<hbm>>
      %dma_start3A_795 = tpu.memref_squeeze %dma_start3A_794 : memref<1x1x8192xf32, #tpu.memory_space<hbm>> -> memref<8192xf32, #tpu.memory_space<hbm>>
      %dma_start3A_796 = arith.constant 0 : i32
      %dma_start3A_797 = tpu.memref_slice %arg4[%select_n3A_581, %select_n3A_597, %dma_start3A_796] : memref<26x16x16384xf32, #tpu.memory_space<hbm>> -> memref<1x1x8192xf32, #tpu.memory_space<hbm>>
      %dma_start3A_798 = tpu.memref_squeeze %dma_start3A_797 : memref<1x1x8192xf32, #tpu.memory_space<hbm>> -> memref<8192xf32, #tpu.memory_space<hbm>>
      tpu.enqueue_dma source(%arg7 : memref<8192xf32, #tpu.memory_space<vmem>>) target(%dma_start3A_798 : memref<8192xf32, #tpu.memory_space<hbm>>) target_semaphore(%run_scoped3A : memref<!tpu.dma_semaphore, #tpu.memory_space<semaphore_mem>>)
      %dma_wait3A = arith.constant 0 : i32
      %dma_wait3A_799 = tpu.memref_slice %arg4[%select_n3A_581, %select_n3A_597, %dma_wait3A] : memref<26x16x16384xf32, #tpu.memory_space<hbm>> -> memref<1x1x8192xf32, #tpu.memory_space<hbm>>
      %dma_wait3A_800 = tpu.memref_squeeze %dma_wait3A_799 : memref<1x1x8192xf32, #tpu.memory_space<hbm>> -> memref<8192xf32, #tpu.memory_space<hbm>>
      %dma_wait3A_801 = arith.constant 0 : i32
      %dma_wait3A_802 = tpu.memref_slice %arg4[%select_n3A_581, %select_n3A_597, %dma_wait3A_801] : memref<26x16x16384xf32, #tpu.memory_space<hbm>> -> memref<1x1x8192xf32, #tpu.memory_space<hbm>>
      %dma_wait3A_803 = tpu.memref_squeeze %dma_wait3A_802 : memref<1x1x8192xf32, #tpu.memory_space<hbm>> -> memref<8192xf32, #tpu.memory_space<hbm>>
      tpu.wait_dma2 semaphore(%run_scoped3A : memref<!tpu.dma_semaphore, #tpu.memory_space<semaphore_mem>>) src(%arg7 : memref<8192xf32, #tpu.memory_space<vmem>>) dst(%dma_wait3A_803 : memref<8192xf32, #tpu.memory_space<hbm>>)
      tpu.yield
    }) : () -> ()
    %scan3A_608 = arith.constant 0 : i32
    %scan3A_609 = arith.constant 0 : i32
    %scan3A_610 = arith.constant 512 : i32
    %scan3A_611 = arith.addi %scan3A_609, %scan3A_610 : i32
    %scan3A_612 = arith.constant 1 : i32
    scf.for %scan3A_794 = %scan3A_609 to %scan3A_611 step %scan3A_612  : i32 {
      %mul3A_795 = arith.constant 16 : i32
      %mul3A_796 = arith.muli %scan3A_794, %mul3A_795 : i32
      %add3A_797 = arith.constant 8192 : i32
      %add3A_798 = arith.addi %add3A_797, %mul3A_796 : i32
      %get3A = arith.index_cast %add3A_798 : i32 to index
      %get3A_799 = tpu.vector_load %arg6[%get3A] {strides = array<i32>} : memref<16384xi32, #tpu.memory_space<vmem>>, vector<16xi32>,
      %gather3A = tpu.vector_load_idx %arg5[%get3A_799] : memref<100000xf32, #tpu.memory_space<vmem>>[vector<16xi32>], vector<16xf32>,
      %mul3A_800 = arith.constant 16 : i32
      %mul3A_801 = arith.muli %scan3A_794, %mul3A_800 : i32
      %swap3A = arith.index_cast %mul3A_801 : i32 to index
      %swap3A_802 = tpu.vector_load %arg7[%swap3A] {strides = array<i32>} : memref<8192xf32, #tpu.memory_space<vmem>>, vector<16xf32>,
      tpu.vector_store %arg7[%swap3A], %gather3A {strides = array<i32>} : memref<8192xf32, #tpu.memory_space<vmem>>, vector<16xf32>,
    }
    %scan3A_613 = arith.constant 512 : i32
    "tpu.region"() ({
      %run_scoped3A = tpu.sem_alloc : memref<!tpu.dma_semaphore, #tpu.memory_space<semaphore_mem>>
      %dma_start3A = arith.constant 8192 : i32
      %dma_start3A_794 = tpu.memref_slice %arg4[%select_n3A_581, %select_n3A_597, %dma_start3A] : memref<26x16x16384xf32, #tpu.memory_space<hbm>> -> memref<1x1x8192xf32, #tpu.memory_space<hbm>>
      %dma_start3A_795 = tpu.memref_squeeze %dma_start3A_794 : memref<1x1x8192xf32, #tpu.memory_space<hbm>> -> memref<8192xf32, #tpu.memory_space<hbm>>
      %dma_start3A_796 = arith.constant 8192 : i32
      %dma_start3A_797 = tpu.memref_slice %arg4[%select_n3A_581, %select_n3A_597, %dma_start3A_796] : memref<26x16x16384xf32, #tpu.memory_space<hbm>> -> memref<1x1x8192xf32, #tpu.memory_space<hbm>>
      %dma_start3A_798 = tpu.memref_squeeze %dma_start3A_797 : memref<1x1x8192xf32, #tpu.memory_space<hbm>> -> memref<8192xf32, #tpu.memory_space<hbm>>
      tpu.enqueue_dma source(%arg7 : memref<8192xf32, #tpu.memory_space<vmem>>) target(%dma_start3A_798 : memref<8192xf32, #tpu.memory_space<hbm>>) target_semaphore(%run_scoped3A : memref<!tpu.dma_semaphore, #tpu.memory_space<semaphore_mem>>)
      %dma_wait3A = arith.constant 8192 : i32
      %dma_wait3A_799 = tpu.memref_slice %arg4[%select_n3A_581, %select_n3A_597, %dma_wait3A] : memref<26x16x16384xf32, #tpu.memory_space<hbm>> -> memref<1x1x8192xf32, #tpu.memory_space<hbm>>
      %dma_wait3A_800 = tpu.memref_squeeze %dma_wait3A_799 : memref<1x1x8192xf32, #tpu.memory_space<hbm>> -> memref<8192xf32, #tpu.memory_space<hbm>>
      %dma_wait3A_801 = arith.constant 8192 : i32
      %dma_wait3A_802 = tpu.memref_slice %arg4[%select_n3A_581, %select_n3A_597, %dma_wait3A_801] : memref<26x16x16384xf32, #tpu.memory_space<hbm>> -> memref<1x1x8192xf32, #tpu.memory_space<hbm>>
      %dma_wait3A_803 = tpu.memref_squeeze %dma_wait3A_802 : memref<1x1x8192xf32, #tpu.memory_space<hbm>> -> memref<8192xf32, #tpu.memory_space<hbm>>
      tpu.wait_dma2 semaphore(%run_scoped3A : memref<!tpu.dma_semaphore, #tpu.memory_space<semaphore_mem>>) src(%arg7 : memref<8192xf32, #tpu.memory_space<vmem>>) dst(%dma_wait3A_803 : memref<8192xf32, #tpu.memory_space<hbm>>)
      tpu.yield
    }) : () -> ()
    %mul3A_614 = arith.constant 13 : i32
    %mul3A_615 = arith.muli %add3A, %mul3A_614 : i32
    %add3A_616 = arith.constant 10 : i32
    %add3A_617 = arith.addi %mul3A_615, %add3A_616 : i32
    %jit3A_618 = arith.constant 16 : i32
    %div3A_619 = arith.divsi %add3A_617, %jit3A_618 : i32
    %sign3A_620 = arith.constant 0 : i32
    %sign3A_621 = arith.cmpi sgt, %add3A_617, %sign3A_620 : i32
    %sign3A_622 = arith.extui %sign3A_621 : i1 to i32
    %sign3A_623 = arith.constant 0 : i32
    %sign3A_624 = arith.cmpi slt, %add3A_617, %sign3A_623 : i32
    %sign3A_625 = arith.extui %sign3A_624 : i1 to i32
    %sign3A_626 = arith.subi %sign3A_622, %sign3A_625 : i32
    %sign3A_627 = arith.constant 0 : i32
    %sign3A_628 = arith.cmpi sgt, %jit3A_618, %sign3A_627 : i32
    %sign3A_629 = arith.extui %sign3A_628 : i1 to i32
    %sign3A_630 = arith.constant 0 : i32
    %sign3A_631 = arith.cmpi slt, %jit3A_618, %sign3A_630 : i32
    %sign3A_632 = arith.extui %sign3A_631 : i1 to i32
    %sign3A_633 = arith.subi %sign3A_629, %sign3A_632 : i32
    %ne3A_634 = arith.cmpi ne, %sign3A_626, %sign3A_633 : i32
    %rem3A_635 = arith.remsi %add3A_617, %jit3A_618 : i32
    %ne3A_636 = arith.constant 0 : i32
    %ne3A_637 = arith.cmpi ne, %rem3A_635, %ne3A_636 : i32
    %and3A_638 = arith.andi %ne3A_634, %ne3A_637 : i1
    %sub3A_639 = arith.constant 1 : i32
    %sub3A_640 = arith.subi %div3A_619, %sub3A_639 : i32
    %select_n3A_641 = arith.select %and3A_638, %sub3A_640, %div3A_619 : i32
    %jit3A_642 = arith.constant 16 : i32
    %eq3A_643 = arith.constant 0 : i32
    %eq3A_644 = arith.cmpi eq, %jit3A_642, %eq3A_643 : i32
    %jit3A_645 = arith.constant 1 : i32
    %select_n3A_646 = arith.select %eq3A_644, %jit3A_645, %jit3A_642 : i32
    %rem3A_647 = arith.remsi %add3A_617, %select_n3A_646 : i32
    %ne3A_648 = arith.constant 0 : i32
    %ne3A_649 = arith.cmpi ne, %rem3A_647, %ne3A_648 : i32
    %lt3A_650 = arith.constant 0 : i32
    %lt3A_651 = arith.cmpi slt, %rem3A_647, %lt3A_650 : i32
    %lt3A_652 = arith.constant 0 : i32
    %lt3A_653 = arith.cmpi slt, %select_n3A_646, %lt3A_652 : i32
    %ne3A_654 = arith.xori %lt3A_651, %lt3A_653 : i1
    %and3A_655 = arith.andi %ne3A_654, %ne3A_649 : i1
    %add3A_656 = arith.addi %rem3A_647, %select_n3A_646 : i32
    %select_n3A_657 = arith.select %and3A_655, %add3A_656, %rem3A_647 : i32
    %ne3A_658 = arith.cmpi ne, %select_n3A_641, %select_n3A_581 : i32
    %convert_element_type3A_659 = arith.extui %ne3A_658 : i1 to i32
    %cond3A_660 = arith.constant 0 : i32
    %cond3A_661 = arith.cmpi ne, %convert_element_type3A_659, %cond3A_660 : i32
    scf.if %cond3A_661 {
      "tpu.region"() ({
        %run_scoped3A = tpu.sem_alloc : memref<!tpu.dma_semaphore, #tpu.memory_space<semaphore_mem>>
        %dma_start3A = arith.constant 0 : i32
        %dma_start3A_794 = tpu.memref_slice %arg3[%select_n3A_641, %dma_start3A] : memref<26x16384xi32, #tpu.memory_space<hbm>> -> memref<1x16384xi32, #tpu.memory_space<hbm>>
        %dma_start3A_795 = tpu.memref_squeeze %dma_start3A_794 : memref<1x16384xi32, #tpu.memory_space<hbm>> -> memref<16384xi32, #tpu.memory_space<hbm>>
        %dma_start3A_796 = arith.constant 0 : i32
        %dma_start3A_797 = tpu.memref_slice %arg3[%select_n3A_641, %dma_start3A_796] : memref<26x16384xi32, #tpu.memory_space<hbm>> -> memref<1x16384xi32, #tpu.memory_space<hbm>>
        %dma_start3A_798 = tpu.memref_squeeze %dma_start3A_797 : memref<1x16384xi32, #tpu.memory_space<hbm>> -> memref<16384xi32, #tpu.memory_space<hbm>>
        tpu.enqueue_dma source(%dma_start3A_798 : memref<16384xi32, #tpu.memory_space<hbm>>) target(%arg6 : memref<16384xi32, #tpu.memory_space<vmem>>) target_semaphore(%run_scoped3A : memref<!tpu.dma_semaphore, #tpu.memory_space<semaphore_mem>>)
        %dma_wait3A = arith.constant 0 : i32
        %dma_wait3A_799 = tpu.memref_slice %arg3[%select_n3A_641, %dma_wait3A] : memref<26x16384xi32, #tpu.memory_space<hbm>> -> memref<1x16384xi32, #tpu.memory_space<hbm>>
        %dma_wait3A_800 = tpu.memref_squeeze %dma_wait3A_799 : memref<1x16384xi32, #tpu.memory_space<hbm>> -> memref<16384xi32, #tpu.memory_space<hbm>>
        %dma_wait3A_801 = arith.constant 0 : i32
        %dma_wait3A_802 = tpu.memref_slice %arg3[%select_n3A_641, %dma_wait3A_801] : memref<26x16384xi32, #tpu.memory_space<hbm>> -> memref<1x16384xi32, #tpu.memory_space<hbm>>
        %dma_wait3A_803 = tpu.memref_squeeze %dma_wait3A_802 : memref<1x16384xi32, #tpu.memory_space<hbm>> -> memref<16384xi32, #tpu.memory_space<hbm>>
        tpu.wait_dma2 semaphore(%run_scoped3A : memref<!tpu.dma_semaphore, #tpu.memory_space<semaphore_mem>>) src(%dma_wait3A_803 : memref<16384xi32, #tpu.memory_space<hbm>>) dst(%arg6 : memref<16384xi32, #tpu.memory_space<vmem>>)
        tpu.yield
      }) : () -> ()
    } else {
    }
    "tpu.region"() ({
      %run_scoped3A = tpu.sem_alloc : memref<!tpu.dma_semaphore, #tpu.memory_space<semaphore_mem>>
      %dma_start3A = arith.constant 0 : i32
      %dma_start3A_794 = tpu.memref_slice %arg2[%select_n3A_641, %select_n3A_657, %dma_start3A] : memref<26x16x100000xf32, #tpu.memory_space<hbm>> -> memref<1x1x100000xf32, #tpu.memory_space<hbm>>
      %dma_start3A_795 = tpu.memref_squeeze %dma_start3A_794 : memref<1x1x100000xf32, #tpu.memory_space<hbm>> -> memref<100000xf32, #tpu.memory_space<hbm>>
      %dma_start3A_796 = arith.constant 0 : i32
      %dma_start3A_797 = tpu.memref_slice %arg2[%select_n3A_641, %select_n3A_657, %dma_start3A_796] : memref<26x16x100000xf32, #tpu.memory_space<hbm>> -> memref<1x1x100000xf32, #tpu.memory_space<hbm>>
      %dma_start3A_798 = tpu.memref_squeeze %dma_start3A_797 : memref<1x1x100000xf32, #tpu.memory_space<hbm>> -> memref<100000xf32, #tpu.memory_space<hbm>>
      tpu.enqueue_dma source(%dma_start3A_798 : memref<100000xf32, #tpu.memory_space<hbm>>) target(%arg5 : memref<100000xf32, #tpu.memory_space<vmem>>) target_semaphore(%run_scoped3A : memref<!tpu.dma_semaphore, #tpu.memory_space<semaphore_mem>>)
      %dma_wait3A = arith.constant 0 : i32
      %dma_wait3A_799 = tpu.memref_slice %arg2[%select_n3A_641, %select_n3A_657, %dma_wait3A] : memref<26x16x100000xf32, #tpu.memory_space<hbm>> -> memref<1x1x100000xf32, #tpu.memory_space<hbm>>
      %dma_wait3A_800 = tpu.memref_squeeze %dma_wait3A_799 : memref<1x1x100000xf32, #tpu.memory_space<hbm>> -> memref<100000xf32, #tpu.memory_space<hbm>>
      %dma_wait3A_801 = arith.constant 0 : i32
      %dma_wait3A_802 = tpu.memref_slice %arg2[%select_n3A_641, %select_n3A_657, %dma_wait3A_801] : memref<26x16x100000xf32, #tpu.memory_space<hbm>> -> memref<1x1x100000xf32, #tpu.memory_space<hbm>>
      %dma_wait3A_803 = tpu.memref_squeeze %dma_wait3A_802 : memref<1x1x100000xf32, #tpu.memory_space<hbm>> -> memref<100000xf32, #tpu.memory_space<hbm>>
      tpu.wait_dma2 semaphore(%run_scoped3A : memref<!tpu.dma_semaphore, #tpu.memory_space<semaphore_mem>>) src(%dma_wait3A_803 : memref<100000xf32, #tpu.memory_space<hbm>>) dst(%arg5 : memref<100000xf32, #tpu.memory_space<vmem>>)
      tpu.yield
    }) : () -> ()
    %scan3A_662 = arith.constant 0 : i32
    %scan3A_663 = arith.constant 0 : i32
    %scan3A_664 = arith.constant 512 : i32
    %scan3A_665 = arith.addi %scan3A_663, %scan3A_664 : i32
    %scan3A_666 = arith.constant 1 : i32
    scf.for %scan3A_794 = %scan3A_663 to %scan3A_665 step %scan3A_666  : i32 {
      %mul3A_795 = arith.constant 16 : i32
      %mul3A_796 = arith.muli %scan3A_794, %mul3A_795 : i32
      %add3A_797 = arith.constant 0 : i32
      %add3A_798 = arith.addi %add3A_797, %mul3A_796 : i32
      %get3A = arith.index_cast %add3A_798 : i32 to index
      %get3A_799 = tpu.vector_load %arg6[%get3A] {strides = array<i32>} : memref<16384xi32, #tpu.memory_space<vmem>>, vector<16xi32>,
      %gather3A = tpu.vector_load_idx %arg5[%get3A_799] : memref<100000xf32, #tpu.memory_space<vmem>>[vector<16xi32>], vector<16xf32>,
      %mul3A_800 = arith.constant 16 : i32
      %mul3A_801 = arith.muli %scan3A_794, %mul3A_800 : i32
      %swap3A = arith.index_cast %mul3A_801 : i32 to index
      %swap3A_802 = tpu.vector_load %arg7[%swap3A] {strides = array<i32>} : memref<8192xf32, #tpu.memory_space<vmem>>, vector<16xf32>,
      tpu.vector_store %arg7[%swap3A], %gather3A {strides = array<i32>} : memref<8192xf32, #tpu.memory_space<vmem>>, vector<16xf32>,
    }
    %scan3A_667 = arith.constant 512 : i32
    "tpu.region"() ({
      %run_scoped3A = tpu.sem_alloc : memref<!tpu.dma_semaphore, #tpu.memory_space<semaphore_mem>>
      %dma_start3A = arith.constant 0 : i32
      %dma_start3A_794 = tpu.memref_slice %arg4[%select_n3A_641, %select_n3A_657, %dma_start3A] : memref<26x16x16384xf32, #tpu.memory_space<hbm>> -> memref<1x1x8192xf32, #tpu.memory_space<hbm>>
      %dma_start3A_795 = tpu.memref_squeeze %dma_start3A_794 : memref<1x1x8192xf32, #tpu.memory_space<hbm>> -> memref<8192xf32, #tpu.memory_space<hbm>>
      %dma_start3A_796 = arith.constant 0 : i32
      %dma_start3A_797 = tpu.memref_slice %arg4[%select_n3A_641, %select_n3A_657, %dma_start3A_796] : memref<26x16x16384xf32, #tpu.memory_space<hbm>> -> memref<1x1x8192xf32, #tpu.memory_space<hbm>>
      %dma_start3A_798 = tpu.memref_squeeze %dma_start3A_797 : memref<1x1x8192xf32, #tpu.memory_space<hbm>> -> memref<8192xf32, #tpu.memory_space<hbm>>
      tpu.enqueue_dma source(%arg7 : memref<8192xf32, #tpu.memory_space<vmem>>) target(%dma_start3A_798 : memref<8192xf32, #tpu.memory_space<hbm>>) target_semaphore(%run_scoped3A : memref<!tpu.dma_semaphore, #tpu.memory_space<semaphore_mem>>)
      %dma_wait3A = arith.constant 0 : i32
      %dma_wait3A_799 = tpu.memref_slice %arg4[%select_n3A_641, %select_n3A_657, %dma_wait3A] : memref<26x16x16384xf32, #tpu.memory_space<hbm>> -> memref<1x1x8192xf32, #tpu.memory_space<hbm>>
      %dma_wait3A_800 = tpu.memref_squeeze %dma_wait3A_799 : memref<1x1x8192xf32, #tpu.memory_space<hbm>> -> memref<8192xf32, #tpu.memory_space<hbm>>
      %dma_wait3A_801 = arith.constant 0 : i32
      %dma_wait3A_802 = tpu.memref_slice %arg4[%select_n3A_641, %select_n3A_657, %dma_wait3A_801] : memref<26x16x16384xf32, #tpu.memory_space<hbm>> -> memref<1x1x8192xf32, #tpu.memory_space<hbm>>
      %dma_wait3A_803 = tpu.memref_squeeze %dma_wait3A_802 : memref<1x1x8192xf32, #tpu.memory_space<hbm>> -> memref<8192xf32, #tpu.memory_space<hbm>>
      tpu.wait_dma2 semaphore(%run_scoped3A : memref<!tpu.dma_semaphore, #tpu.memory_space<semaphore_mem>>) src(%arg7 : memref<8192xf32, #tpu.memory_space<vmem>>) dst(%dma_wait3A_803 : memref<8192xf32, #tpu.memory_space<hbm>>)
      tpu.yield
    }) : () -> ()
    %scan3A_668 = arith.constant 0 : i32
    %scan3A_669 = arith.constant 0 : i32
    %scan3A_670 = arith.constant 512 : i32
    %scan3A_671 = arith.addi %scan3A_669, %scan3A_670 : i32
    %scan3A_672 = arith.constant 1 : i32
    scf.for %scan3A_794 = %scan3A_669 to %scan3A_671 step %scan3A_672  : i32 {
      %mul3A_795 = arith.constant 16 : i32
      %mul3A_796 = arith.muli %scan3A_794, %mul3A_795 : i32
      %add3A_797 = arith.constant 8192 : i32
      %add3A_798 = arith.addi %add3A_797, %mul3A_796 : i32
      %get3A = arith.index_cast %add3A_798 : i32 to index
      %get3A_799 = tpu.vector_load %arg6[%get3A] {strides = array<i32>} : memref<16384xi32, #tpu.memory_space<vmem>>, vector<16xi32>,
      %gather3A = tpu.vector_load_idx %arg5[%get3A_799] : memref<100000xf32, #tpu.memory_space<vmem>>[vector<16xi32>], vector<16xf32>,
      %mul3A_800 = arith.constant 16 : i32
      %mul3A_801 = arith.muli %scan3A_794, %mul3A_800 : i32
      %swap3A = arith.index_cast %mul3A_801 : i32 to index
      %swap3A_802 = tpu.vector_load %arg7[%swap3A] {strides = array<i32>} : memref<8192xf32, #tpu.memory_space<vmem>>, vector<16xf32>,
      tpu.vector_store %arg7[%swap3A], %gather3A {strides = array<i32>} : memref<8192xf32, #tpu.memory_space<vmem>>, vector<16xf32>,
    }
    %scan3A_673 = arith.constant 512 : i32
    "tpu.region"() ({
      %run_scoped3A = tpu.sem_alloc : memref<!tpu.dma_semaphore, #tpu.memory_space<semaphore_mem>>
      %dma_start3A = arith.constant 8192 : i32
      %dma_start3A_794 = tpu.memref_slice %arg4[%select_n3A_641, %select_n3A_657, %dma_start3A] : memref<26x16x16384xf32, #tpu.memory_space<hbm>> -> memref<1x1x8192xf32, #tpu.memory_space<hbm>>
      %dma_start3A_795 = tpu.memref_squeeze %dma_start3A_794 : memref<1x1x8192xf32, #tpu.memory_space<hbm>> -> memref<8192xf32, #tpu.memory_space<hbm>>
      %dma_start3A_796 = arith.constant 8192 : i32
      %dma_start3A_797 = tpu.memref_slice %arg4[%select_n3A_641, %select_n3A_657, %dma_start3A_796] : memref<26x16x16384xf32, #tpu.memory_space<hbm>> -> memref<1x1x8192xf32, #tpu.memory_space<hbm>>
      %dma_start3A_798 = tpu.memref_squeeze %dma_start3A_797 : memref<1x1x8192xf32, #tpu.memory_space<hbm>> -> memref<8192xf32, #tpu.memory_space<hbm>>
      tpu.enqueue_dma source(%arg7 : memref<8192xf32, #tpu.memory_space<vmem>>) target(%dma_start3A_798 : memref<8192xf32, #tpu.memory_space<hbm>>) target_semaphore(%run_scoped3A : memref<!tpu.dma_semaphore, #tpu.memory_space<semaphore_mem>>)
      %dma_wait3A = arith.constant 8192 : i32
      %dma_wait3A_799 = tpu.memref_slice %arg4[%select_n3A_641, %select_n3A_657, %dma_wait3A] : memref<26x16x16384xf32, #tpu.memory_space<hbm>> -> memref<1x1x8192xf32, #tpu.memory_space<hbm>>
      %dma_wait3A_800 = tpu.memref_squeeze %dma_wait3A_799 : memref<1x1x8192xf32, #tpu.memory_space<hbm>> -> memref<8192xf32, #tpu.memory_space<hbm>>
      %dma_wait3A_801 = arith.constant 8192 : i32
      %dma_wait3A_802 = tpu.memref_slice %arg4[%select_n3A_641, %select_n3A_657, %dma_wait3A_801] : memref<26x16x16384xf32, #tpu.memory_space<hbm>> -> memref<1x1x8192xf32, #tpu.memory_space<hbm>>
      %dma_wait3A_803 = tpu.memref_squeeze %dma_wait3A_802 : memref<1x1x8192xf32, #tpu.memory_space<hbm>> -> memref<8192xf32, #tpu.memory_space<hbm>>
      tpu.wait_dma2 semaphore(%run_scoped3A : memref<!tpu.dma_semaphore, #tpu.memory_space<semaphore_mem>>) src(%arg7 : memref<8192xf32, #tpu.memory_space<vmem>>) dst(%dma_wait3A_803 : memref<8192xf32, #tpu.memory_space<hbm>>)
      tpu.yield
    }) : () -> ()
    %mul3A_674 = arith.constant 13 : i32
    %mul3A_675 = arith.muli %add3A, %mul3A_674 : i32
    %add3A_676 = arith.constant 11 : i32
    %add3A_677 = arith.addi %mul3A_675, %add3A_676 : i32
    %jit3A_678 = arith.constant 16 : i32
    %div3A_679 = arith.divsi %add3A_677, %jit3A_678 : i32
    %sign3A_680 = arith.constant 0 : i32
    %sign3A_681 = arith.cmpi sgt, %add3A_677, %sign3A_680 : i32
    %sign3A_682 = arith.extui %sign3A_681 : i1 to i32
    %sign3A_683 = arith.constant 0 : i32
    %sign3A_684 = arith.cmpi slt, %add3A_677, %sign3A_683 : i32
    %sign3A_685 = arith.extui %sign3A_684 : i1 to i32
    %sign3A_686 = arith.subi %sign3A_682, %sign3A_685 : i32
    %sign3A_687 = arith.constant 0 : i32
    %sign3A_688 = arith.cmpi sgt, %jit3A_678, %sign3A_687 : i32
    %sign3A_689 = arith.extui %sign3A_688 : i1 to i32
    %sign3A_690 = arith.constant 0 : i32
    %sign3A_691 = arith.cmpi slt, %jit3A_678, %sign3A_690 : i32
    %sign3A_692 = arith.extui %sign3A_691 : i1 to i32
    %sign3A_693 = arith.subi %sign3A_689, %sign3A_692 : i32
    %ne3A_694 = arith.cmpi ne, %sign3A_686, %sign3A_693 : i32
    %rem3A_695 = arith.remsi %add3A_677, %jit3A_678 : i32
    %ne3A_696 = arith.constant 0 : i32
    %ne3A_697 = arith.cmpi ne, %rem3A_695, %ne3A_696 : i32
    %and3A_698 = arith.andi %ne3A_694, %ne3A_697 : i1
    %sub3A_699 = arith.constant 1 : i32
    %sub3A_700 = arith.subi %div3A_679, %sub3A_699 : i32
    %select_n3A_701 = arith.select %and3A_698, %sub3A_700, %div3A_679 : i32
    %jit3A_702 = arith.constant 16 : i32
    %eq3A_703 = arith.constant 0 : i32
    %eq3A_704 = arith.cmpi eq, %jit3A_702, %eq3A_703 : i32
    %jit3A_705 = arith.constant 1 : i32
    %select_n3A_706 = arith.select %eq3A_704, %jit3A_705, %jit3A_702 : i32
    %rem3A_707 = arith.remsi %add3A_677, %select_n3A_706 : i32
    %ne3A_708 = arith.constant 0 : i32
    %ne3A_709 = arith.cmpi ne, %rem3A_707, %ne3A_708 : i32
    %lt3A_710 = arith.constant 0 : i32
    %lt3A_711 = arith.cmpi slt, %rem3A_707, %lt3A_710 : i32
    %lt3A_712 = arith.constant 0 : i32
    %lt3A_713 = arith.cmpi slt, %select_n3A_706, %lt3A_712 : i32
    %ne3A_714 = arith.xori %lt3A_711, %lt3A_713 : i1
    %and3A_715 = arith.andi %ne3A_714, %ne3A_709 : i1
    %add3A_716 = arith.addi %rem3A_707, %select_n3A_706 : i32
    %select_n3A_717 = arith.select %and3A_715, %add3A_716, %rem3A_707 : i32
    %ne3A_718 = arith.cmpi ne, %select_n3A_701, %select_n3A_641 : i32
    %convert_element_type3A_719 = arith.extui %ne3A_718 : i1 to i32
    %cond3A_720 = arith.constant 0 : i32
    %cond3A_721 = arith.cmpi ne, %convert_element_type3A_719, %cond3A_720 : i32
    scf.if %cond3A_721 {
      "tpu.region"() ({
        %run_scoped3A = tpu.sem_alloc : memref<!tpu.dma_semaphore, #tpu.memory_space<semaphore_mem>>
        %dma_start3A = arith.constant 0 : i32
        %dma_start3A_794 = tpu.memref_slice %arg3[%select_n3A_701, %dma_start3A] : memref<26x16384xi32, #tpu.memory_space<hbm>> -> memref<1x16384xi32, #tpu.memory_space<hbm>>
        %dma_start3A_795 = tpu.memref_squeeze %dma_start3A_794 : memref<1x16384xi32, #tpu.memory_space<hbm>> -> memref<16384xi32, #tpu.memory_space<hbm>>
        %dma_start3A_796 = arith.constant 0 : i32
        %dma_start3A_797 = tpu.memref_slice %arg3[%select_n3A_701, %dma_start3A_796] : memref<26x16384xi32, #tpu.memory_space<hbm>> -> memref<1x16384xi32, #tpu.memory_space<hbm>>
        %dma_start3A_798 = tpu.memref_squeeze %dma_start3A_797 : memref<1x16384xi32, #tpu.memory_space<hbm>> -> memref<16384xi32, #tpu.memory_space<hbm>>
        tpu.enqueue_dma source(%dma_start3A_798 : memref<16384xi32, #tpu.memory_space<hbm>>) target(%arg6 : memref<16384xi32, #tpu.memory_space<vmem>>) target_semaphore(%run_scoped3A : memref<!tpu.dma_semaphore, #tpu.memory_space<semaphore_mem>>)
        %dma_wait3A = arith.constant 0 : i32
        %dma_wait3A_799 = tpu.memref_slice %arg3[%select_n3A_701, %dma_wait3A] : memref<26x16384xi32, #tpu.memory_space<hbm>> -> memref<1x16384xi32, #tpu.memory_space<hbm>>
        %dma_wait3A_800 = tpu.memref_squeeze %dma_wait3A_799 : memref<1x16384xi32, #tpu.memory_space<hbm>> -> memref<16384xi32, #tpu.memory_space<hbm>>
        %dma_wait3A_801 = arith.constant 0 : i32
        %dma_wait3A_802 = tpu.memref_slice %arg3[%select_n3A_701, %dma_wait3A_801] : memref<26x16384xi32, #tpu.memory_space<hbm>> -> memref<1x16384xi32, #tpu.memory_space<hbm>>
        %dma_wait3A_803 = tpu.memref_squeeze %dma_wait3A_802 : memref<1x16384xi32, #tpu.memory_space<hbm>> -> memref<16384xi32, #tpu.memory_space<hbm>>
        tpu.wait_dma2 semaphore(%run_scoped3A : memref<!tpu.dma_semaphore, #tpu.memory_space<semaphore_mem>>) src(%dma_wait3A_803 : memref<16384xi32, #tpu.memory_space<hbm>>) dst(%arg6 : memref<16384xi32, #tpu.memory_space<vmem>>)
        tpu.yield
      }) : () -> ()
    } else {
    }
    "tpu.region"() ({
      %run_scoped3A = tpu.sem_alloc : memref<!tpu.dma_semaphore, #tpu.memory_space<semaphore_mem>>
      %dma_start3A = arith.constant 0 : i32
      %dma_start3A_794 = tpu.memref_slice %arg2[%select_n3A_701, %select_n3A_717, %dma_start3A] : memref<26x16x100000xf32, #tpu.memory_space<hbm>> -> memref<1x1x100000xf32, #tpu.memory_space<hbm>>
      %dma_start3A_795 = tpu.memref_squeeze %dma_start3A_794 : memref<1x1x100000xf32, #tpu.memory_space<hbm>> -> memref<100000xf32, #tpu.memory_space<hbm>>
      %dma_start3A_796 = arith.constant 0 : i32
      %dma_start3A_797 = tpu.memref_slice %arg2[%select_n3A_701, %select_n3A_717, %dma_start3A_796] : memref<26x16x100000xf32, #tpu.memory_space<hbm>> -> memref<1x1x100000xf32, #tpu.memory_space<hbm>>
      %dma_start3A_798 = tpu.memref_squeeze %dma_start3A_797 : memref<1x1x100000xf32, #tpu.memory_space<hbm>> -> memref<100000xf32, #tpu.memory_space<hbm>>
      tpu.enqueue_dma source(%dma_start3A_798 : memref<100000xf32, #tpu.memory_space<hbm>>) target(%arg5 : memref<100000xf32, #tpu.memory_space<vmem>>) target_semaphore(%run_scoped3A : memref<!tpu.dma_semaphore, #tpu.memory_space<semaphore_mem>>)
      %dma_wait3A = arith.constant 0 : i32
      %dma_wait3A_799 = tpu.memref_slice %arg2[%select_n3A_701, %select_n3A_717, %dma_wait3A] : memref<26x16x100000xf32, #tpu.memory_space<hbm>> -> memref<1x1x100000xf32, #tpu.memory_space<hbm>>
      %dma_wait3A_800 = tpu.memref_squeeze %dma_wait3A_799 : memref<1x1x100000xf32, #tpu.memory_space<hbm>> -> memref<100000xf32, #tpu.memory_space<hbm>>
      %dma_wait3A_801 = arith.constant 0 : i32
      %dma_wait3A_802 = tpu.memref_slice %arg2[%select_n3A_701, %select_n3A_717, %dma_wait3A_801] : memref<26x16x100000xf32, #tpu.memory_space<hbm>> -> memref<1x1x100000xf32, #tpu.memory_space<hbm>>
      %dma_wait3A_803 = tpu.memref_squeeze %dma_wait3A_802 : memref<1x1x100000xf32, #tpu.memory_space<hbm>> -> memref<100000xf32, #tpu.memory_space<hbm>>
      tpu.wait_dma2 semaphore(%run_scoped3A : memref<!tpu.dma_semaphore, #tpu.memory_space<semaphore_mem>>) src(%dma_wait3A_803 : memref<100000xf32, #tpu.memory_space<hbm>>) dst(%arg5 : memref<100000xf32, #tpu.memory_space<vmem>>)
      tpu.yield
    }) : () -> ()
    %scan3A_722 = arith.constant 0 : i32
    %scan3A_723 = arith.constant 0 : i32
    %scan3A_724 = arith.constant 512 : i32
    %scan3A_725 = arith.addi %scan3A_723, %scan3A_724 : i32
    %scan3A_726 = arith.constant 1 : i32
    scf.for %scan3A_794 = %scan3A_723 to %scan3A_725 step %scan3A_726  : i32 {
      %mul3A_795 = arith.constant 16 : i32
      %mul3A_796 = arith.muli %scan3A_794, %mul3A_795 : i32
      %add3A_797 = arith.constant 0 : i32
      %add3A_798 = arith.addi %add3A_797, %mul3A_796 : i32
      %get3A = arith.index_cast %add3A_798 : i32 to index
      %get3A_799 = tpu.vector_load %arg6[%get3A] {strides = array<i32>} : memref<16384xi32, #tpu.memory_space<vmem>>, vector<16xi32>,
      %gather3A = tpu.vector_load_idx %arg5[%get3A_799] : memref<100000xf32, #tpu.memory_space<vmem>>[vector<16xi32>], vector<16xf32>,
      %mul3A_800 = arith.constant 16 : i32
      %mul3A_801 = arith.muli %scan3A_794, %mul3A_800 : i32
      %swap3A = arith.index_cast %mul3A_801 : i32 to index
      %swap3A_802 = tpu.vector_load %arg7[%swap3A] {strides = array<i32>} : memref<8192xf32, #tpu.memory_space<vmem>>, vector<16xf32>,
      tpu.vector_store %arg7[%swap3A], %gather3A {strides = array<i32>} : memref<8192xf32, #tpu.memory_space<vmem>>, vector<16xf32>,
    }
    %scan3A_727 = arith.constant 512 : i32
    "tpu.region"() ({
      %run_scoped3A = tpu.sem_alloc : memref<!tpu.dma_semaphore, #tpu.memory_space<semaphore_mem>>
      %dma_start3A = arith.constant 0 : i32
      %dma_start3A_794 = tpu.memref_slice %arg4[%select_n3A_701, %select_n3A_717, %dma_start3A] : memref<26x16x16384xf32, #tpu.memory_space<hbm>> -> memref<1x1x8192xf32, #tpu.memory_space<hbm>>
      %dma_start3A_795 = tpu.memref_squeeze %dma_start3A_794 : memref<1x1x8192xf32, #tpu.memory_space<hbm>> -> memref<8192xf32, #tpu.memory_space<hbm>>
      %dma_start3A_796 = arith.constant 0 : i32
      %dma_start3A_797 = tpu.memref_slice %arg4[%select_n3A_701, %select_n3A_717, %dma_start3A_796] : memref<26x16x16384xf32, #tpu.memory_space<hbm>> -> memref<1x1x8192xf32, #tpu.memory_space<hbm>>
      %dma_start3A_798 = tpu.memref_squeeze %dma_start3A_797 : memref<1x1x8192xf32, #tpu.memory_space<hbm>> -> memref<8192xf32, #tpu.memory_space<hbm>>
      tpu.enqueue_dma source(%arg7 : memref<8192xf32, #tpu.memory_space<vmem>>) target(%dma_start3A_798 : memref<8192xf32, #tpu.memory_space<hbm>>) target_semaphore(%run_scoped3A : memref<!tpu.dma_semaphore, #tpu.memory_space<semaphore_mem>>)
      %dma_wait3A = arith.constant 0 : i32
      %dma_wait3A_799 = tpu.memref_slice %arg4[%select_n3A_701, %select_n3A_717, %dma_wait3A] : memref<26x16x16384xf32, #tpu.memory_space<hbm>> -> memref<1x1x8192xf32, #tpu.memory_space<hbm>>
      %dma_wait3A_800 = tpu.memref_squeeze %dma_wait3A_799 : memref<1x1x8192xf32, #tpu.memory_space<hbm>> -> memref<8192xf32, #tpu.memory_space<hbm>>
      %dma_wait3A_801 = arith.constant 0 : i32
      %dma_wait3A_802 = tpu.memref_slice %arg4[%select_n3A_701, %select_n3A_717, %dma_wait3A_801] : memref<26x16x16384xf32, #tpu.memory_space<hbm>> -> memref<1x1x8192xf32, #tpu.memory_space<hbm>>
      %dma_wait3A_803 = tpu.memref_squeeze %dma_wait3A_802 : memref<1x1x8192xf32, #tpu.memory_space<hbm>> -> memref<8192xf32, #tpu.memory_space<hbm>>
      tpu.wait_dma2 semaphore(%run_scoped3A : memref<!tpu.dma_semaphore, #tpu.memory_space<semaphore_mem>>) src(%arg7 : memref<8192xf32, #tpu.memory_space<vmem>>) dst(%dma_wait3A_803 : memref<8192xf32, #tpu.memory_space<hbm>>)
      tpu.yield
    }) : () -> ()
    %scan3A_728 = arith.constant 0 : i32
    %scan3A_729 = arith.constant 0 : i32
    %scan3A_730 = arith.constant 512 : i32
    %scan3A_731 = arith.addi %scan3A_729, %scan3A_730 : i32
    %scan3A_732 = arith.constant 1 : i32
    scf.for %scan3A_794 = %scan3A_729 to %scan3A_731 step %scan3A_732  : i32 {
      %mul3A_795 = arith.constant 16 : i32
      %mul3A_796 = arith.muli %scan3A_794, %mul3A_795 : i32
      %add3A_797 = arith.constant 8192 : i32
      %add3A_798 = arith.addi %add3A_797, %mul3A_796 : i32
      %get3A = arith.index_cast %add3A_798 : i32 to index
      %get3A_799 = tpu.vector_load %arg6[%get3A] {strides = array<i32>} : memref<16384xi32, #tpu.memory_space<vmem>>, vector<16xi32>,
      %gather3A = tpu.vector_load_idx %arg5[%get3A_799] : memref<100000xf32, #tpu.memory_space<vmem>>[vector<16xi32>], vector<16xf32>,
      %mul3A_800 = arith.constant 16 : i32
      %mul3A_801 = arith.muli %scan3A_794, %mul3A_800 : i32
      %swap3A = arith.index_cast %mul3A_801 : i32 to index
      %swap3A_802 = tpu.vector_load %arg7[%swap3A] {strides = array<i32>} : memref<8192xf32, #tpu.memory_space<vmem>>, vector<16xf32>,
      tpu.vector_store %arg7[%swap3A], %gather3A {strides = array<i32>} : memref<8192xf32, #tpu.memory_space<vmem>>, vector<16xf32>,
    }
    %scan3A_733 = arith.constant 512 : i32
    "tpu.region"() ({
      %run_scoped3A = tpu.sem_alloc : memref<!tpu.dma_semaphore, #tpu.memory_space<semaphore_mem>>
      %dma_start3A = arith.constant 8192 : i32
      %dma_start3A_794 = tpu.memref_slice %arg4[%select_n3A_701, %select_n3A_717, %dma_start3A] : memref<26x16x16384xf32, #tpu.memory_space<hbm>> -> memref<1x1x8192xf32, #tpu.memory_space<hbm>>
      %dma_start3A_795 = tpu.memref_squeeze %dma_start3A_794 : memref<1x1x8192xf32, #tpu.memory_space<hbm>> -> memref<8192xf32, #tpu.memory_space<hbm>>
      %dma_start3A_796 = arith.constant 8192 : i32
      %dma_start3A_797 = tpu.memref_slice %arg4[%select_n3A_701, %select_n3A_717, %dma_start3A_796] : memref<26x16x16384xf32, #tpu.memory_space<hbm>> -> memref<1x1x8192xf32, #tpu.memory_space<hbm>>
      %dma_start3A_798 = tpu.memref_squeeze %dma_start3A_797 : memref<1x1x8192xf32, #tpu.memory_space<hbm>> -> memref<8192xf32, #tpu.memory_space<hbm>>
      tpu.enqueue_dma source(%arg7 : memref<8192xf32, #tpu.memory_space<vmem>>) target(%dma_start3A_798 : memref<8192xf32, #tpu.memory_space<hbm>>) target_semaphore(%run_scoped3A : memref<!tpu.dma_semaphore, #tpu.memory_space<semaphore_mem>>)
      %dma_wait3A = arith.constant 8192 : i32
      %dma_wait3A_799 = tpu.memref_slice %arg4[%select_n3A_701, %select_n3A_717, %dma_wait3A] : memref<26x16x16384xf32, #tpu.memory_space<hbm>> -> memref<1x1x8192xf32, #tpu.memory_space<hbm>>
      %dma_wait3A_800 = tpu.memref_squeeze %dma_wait3A_799 : memref<1x1x8192xf32, #tpu.memory_space<hbm>> -> memref<8192xf32, #tpu.memory_space<hbm>>
      %dma_wait3A_801 = arith.constant 8192 : i32
      %dma_wait3A_802 = tpu.memref_slice %arg4[%select_n3A_701, %select_n3A_717, %dma_wait3A_801] : memref<26x16x16384xf32, #tpu.memory_space<hbm>> -> memref<1x1x8192xf32, #tpu.memory_space<hbm>>
      %dma_wait3A_803 = tpu.memref_squeeze %dma_wait3A_802 : memref<1x1x8192xf32, #tpu.memory_space<hbm>> -> memref<8192xf32, #tpu.memory_space<hbm>>
      tpu.wait_dma2 semaphore(%run_scoped3A : memref<!tpu.dma_semaphore, #tpu.memory_space<semaphore_mem>>) src(%arg7 : memref<8192xf32, #tpu.memory_space<vmem>>) dst(%dma_wait3A_803 : memref<8192xf32, #tpu.memory_space<hbm>>)
      tpu.yield
    }) : () -> ()
    %mul3A_734 = arith.constant 13 : i32
    %mul3A_735 = arith.muli %add3A, %mul3A_734 : i32
    %add3A_736 = arith.constant 12 : i32
    %add3A_737 = arith.addi %mul3A_735, %add3A_736 : i32
    %jit3A_738 = arith.constant 16 : i32
    %div3A_739 = arith.divsi %add3A_737, %jit3A_738 : i32
    %sign3A_740 = arith.constant 0 : i32
    %sign3A_741 = arith.cmpi sgt, %add3A_737, %sign3A_740 : i32
    %sign3A_742 = arith.extui %sign3A_741 : i1 to i32
    %sign3A_743 = arith.constant 0 : i32
    %sign3A_744 = arith.cmpi slt, %add3A_737, %sign3A_743 : i32
    %sign3A_745 = arith.extui %sign3A_744 : i1 to i32
    %sign3A_746 = arith.subi %sign3A_742, %sign3A_745 : i32
    %sign3A_747 = arith.constant 0 : i32
    %sign3A_748 = arith.cmpi sgt, %jit3A_738, %sign3A_747 : i32
    %sign3A_749 = arith.extui %sign3A_748 : i1 to i32
    %sign3A_750 = arith.constant 0 : i32
    %sign3A_751 = arith.cmpi slt, %jit3A_738, %sign3A_750 : i32
    %sign3A_752 = arith.extui %sign3A_751 : i1 to i32
    %sign3A_753 = arith.subi %sign3A_749, %sign3A_752 : i32
    %ne3A_754 = arith.cmpi ne, %sign3A_746, %sign3A_753 : i32
    %rem3A_755 = arith.remsi %add3A_737, %jit3A_738 : i32
    %ne3A_756 = arith.constant 0 : i32
    %ne3A_757 = arith.cmpi ne, %rem3A_755, %ne3A_756 : i32
    %and3A_758 = arith.andi %ne3A_754, %ne3A_757 : i1
    %sub3A_759 = arith.constant 1 : i32
    %sub3A_760 = arith.subi %div3A_739, %sub3A_759 : i32
    %select_n3A_761 = arith.select %and3A_758, %sub3A_760, %div3A_739 : i32
    %jit3A_762 = arith.constant 16 : i32
    %eq3A_763 = arith.constant 0 : i32
    %eq3A_764 = arith.cmpi eq, %jit3A_762, %eq3A_763 : i32
    %jit3A_765 = arith.constant 1 : i32
    %select_n3A_766 = arith.select %eq3A_764, %jit3A_765, %jit3A_762 : i32
    %rem3A_767 = arith.remsi %add3A_737, %select_n3A_766 : i32
    %ne3A_768 = arith.constant 0 : i32
    %ne3A_769 = arith.cmpi ne, %rem3A_767, %ne3A_768 : i32
    %lt3A_770 = arith.constant 0 : i32
    %lt3A_771 = arith.cmpi slt, %rem3A_767, %lt3A_770 : i32
    %lt3A_772 = arith.constant 0 : i32
    %lt3A_773 = arith.cmpi slt, %select_n3A_766, %lt3A_772 : i32
    %ne3A_774 = arith.xori %lt3A_771, %lt3A_773 : i1
    %and3A_775 = arith.andi %ne3A_774, %ne3A_769 : i1
    %add3A_776 = arith.addi %rem3A_767, %select_n3A_766 : i32
    %select_n3A_777 = arith.select %and3A_775, %add3A_776, %rem3A_767 : i32
    %ne3A_778 = arith.cmpi ne, %select_n3A_761, %select_n3A_701 : i32
    %convert_element_type3A_779 = arith.extui %ne3A_778 : i1 to i32
    %cond3A_780 = arith.constant 0 : i32
    %cond3A_781 = arith.cmpi ne, %convert_element_type3A_779, %cond3A_780 : i32
    scf.if %cond3A_781 {
      "tpu.region"() ({
        %run_scoped3A = tpu.sem_alloc : memref<!tpu.dma_semaphore, #tpu.memory_space<semaphore_mem>>
        %dma_start3A = arith.constant 0 : i32
        %dma_start3A_794 = tpu.memref_slice %arg3[%select_n3A_761, %dma_start3A] : memref<26x16384xi32, #tpu.memory_space<hbm>> -> memref<1x16384xi32, #tpu.memory_space<hbm>>
        %dma_start3A_795 = tpu.memref_squeeze %dma_start3A_794 : memref<1x16384xi32, #tpu.memory_space<hbm>> -> memref<16384xi32, #tpu.memory_space<hbm>>
        %dma_start3A_796 = arith.constant 0 : i32
        %dma_start3A_797 = tpu.memref_slice %arg3[%select_n3A_761, %dma_start3A_796] : memref<26x16384xi32, #tpu.memory_space<hbm>> -> memref<1x16384xi32, #tpu.memory_space<hbm>>
        %dma_start3A_798 = tpu.memref_squeeze %dma_start3A_797 : memref<1x16384xi32, #tpu.memory_space<hbm>> -> memref<16384xi32, #tpu.memory_space<hbm>>
        tpu.enqueue_dma source(%dma_start3A_798 : memref<16384xi32, #tpu.memory_space<hbm>>) target(%arg6 : memref<16384xi32, #tpu.memory_space<vmem>>) target_semaphore(%run_scoped3A : memref<!tpu.dma_semaphore, #tpu.memory_space<semaphore_mem>>)
        %dma_wait3A = arith.constant 0 : i32
        %dma_wait3A_799 = tpu.memref_slice %arg3[%select_n3A_761, %dma_wait3A] : memref<26x16384xi32, #tpu.memory_space<hbm>> -> memref<1x16384xi32, #tpu.memory_space<hbm>>
        %dma_wait3A_800 = tpu.memref_squeeze %dma_wait3A_799 : memref<1x16384xi32, #tpu.memory_space<hbm>> -> memref<16384xi32, #tpu.memory_space<hbm>>
        %dma_wait3A_801 = arith.constant 0 : i32
        %dma_wait3A_802 = tpu.memref_slice %arg3[%select_n3A_761, %dma_wait3A_801] : memref<26x16384xi32, #tpu.memory_space<hbm>> -> memref<1x16384xi32, #tpu.memory_space<hbm>>
        %dma_wait3A_803 = tpu.memref_squeeze %dma_wait3A_802 : memref<1x16384xi32, #tpu.memory_space<hbm>> -> memref<16384xi32, #tpu.memory_space<hbm>>
        tpu.wait_dma2 semaphore(%run_scoped3A : memref<!tpu.dma_semaphore, #tpu.memory_space<semaphore_mem>>) src(%dma_wait3A_803 : memref<16384xi32, #tpu.memory_space<hbm>>) dst(%arg6 : memref<16384xi32, #tpu.memory_space<vmem>>)
        tpu.yield
      }) : () -> ()
    } else {
    }
    "tpu.region"() ({
      %run_scoped3A = tpu.sem_alloc : memref<!tpu.dma_semaphore, #tpu.memory_space<semaphore_mem>>
      %dma_start3A = arith.constant 0 : i32
      %dma_start3A_794 = tpu.memref_slice %arg2[%select_n3A_761, %select_n3A_777, %dma_start3A] : memref<26x16x100000xf32, #tpu.memory_space<hbm>> -> memref<1x1x100000xf32, #tpu.memory_space<hbm>>
      %dma_start3A_795 = tpu.memref_squeeze %dma_start3A_794 : memref<1x1x100000xf32, #tpu.memory_space<hbm>> -> memref<100000xf32, #tpu.memory_space<hbm>>
      %dma_start3A_796 = arith.constant 0 : i32
      %dma_start3A_797 = tpu.memref_slice %arg2[%select_n3A_761, %select_n3A_777, %dma_start3A_796] : memref<26x16x100000xf32, #tpu.memory_space<hbm>> -> memref<1x1x100000xf32, #tpu.memory_space<hbm>>
      %dma_start3A_798 = tpu.memref_squeeze %dma_start3A_797 : memref<1x1x100000xf32, #tpu.memory_space<hbm>> -> memref<100000xf32, #tpu.memory_space<hbm>>
      tpu.enqueue_dma source(%dma_start3A_798 : memref<100000xf32, #tpu.memory_space<hbm>>) target(%arg5 : memref<100000xf32, #tpu.memory_space<vmem>>) target_semaphore(%run_scoped3A : memref<!tpu.dma_semaphore, #tpu.memory_space<semaphore_mem>>)
      %dma_wait3A = arith.constant 0 : i32
      %dma_wait3A_799 = tpu.memref_slice %arg2[%select_n3A_761, %select_n3A_777, %dma_wait3A] : memref<26x16x100000xf32, #tpu.memory_space<hbm>> -> memref<1x1x100000xf32, #tpu.memory_space<hbm>>
      %dma_wait3A_800 = tpu.memref_squeeze %dma_wait3A_799 : memref<1x1x100000xf32, #tpu.memory_space<hbm>> -> memref<100000xf32, #tpu.memory_space<hbm>>
      %dma_wait3A_801 = arith.constant 0 : i32
      %dma_wait3A_802 = tpu.memref_slice %arg2[%select_n3A_761, %select_n3A_777, %dma_wait3A_801] : memref<26x16x100000xf32, #tpu.memory_space<hbm>> -> memref<1x1x100000xf32, #tpu.memory_space<hbm>>
      %dma_wait3A_803 = tpu.memref_squeeze %dma_wait3A_802 : memref<1x1x100000xf32, #tpu.memory_space<hbm>> -> memref<100000xf32, #tpu.memory_space<hbm>>
      tpu.wait_dma2 semaphore(%run_scoped3A : memref<!tpu.dma_semaphore, #tpu.memory_space<semaphore_mem>>) src(%dma_wait3A_803 : memref<100000xf32, #tpu.memory_space<hbm>>) dst(%arg5 : memref<100000xf32, #tpu.memory_space<vmem>>)
      tpu.yield
    }) : () -> ()
    %scan3A_782 = arith.constant 0 : i32
    %scan3A_783 = arith.constant 0 : i32
    %scan3A_784 = arith.constant 512 : i32
    %scan3A_785 = arith.addi %scan3A_783, %scan3A_784 : i32
    %scan3A_786 = arith.constant 1 : i32
    scf.for %scan3A_794 = %scan3A_783 to %scan3A_785 step %scan3A_786  : i32 {
      %mul3A_795 = arith.constant 16 : i32
      %mul3A_796 = arith.muli %scan3A_794, %mul3A_795 : i32
      %add3A_797 = arith.constant 0 : i32
      %add3A_798 = arith.addi %add3A_797, %mul3A_796 : i32
      %get3A = arith.index_cast %add3A_798 : i32 to index
      %get3A_799 = tpu.vector_load %arg6[%get3A] {strides = array<i32>} : memref<16384xi32, #tpu.memory_space<vmem>>, vector<16xi32>,
      %gather3A = tpu.vector_load_idx %arg5[%get3A_799] : memref<100000xf32, #tpu.memory_space<vmem>>[vector<16xi32>], vector<16xf32>,
      %mul3A_800 = arith.constant 16 : i32
      %mul3A_801 = arith.muli %scan3A_794, %mul3A_800 : i32
      %swap3A = arith.index_cast %mul3A_801 : i32 to index
      %swap3A_802 = tpu.vector_load %arg7[%swap3A] {strides = array<i32>} : memref<8192xf32, #tpu.memory_space<vmem>>, vector<16xf32>,
      tpu.vector_store %arg7[%swap3A], %gather3A {strides = array<i32>} : memref<8192xf32, #tpu.memory_space<vmem>>, vector<16xf32>,
    }
    %scan3A_787 = arith.constant 512 : i32
    "tpu.region"() ({
      %run_scoped3A = tpu.sem_alloc : memref<!tpu.dma_semaphore, #tpu.memory_space<semaphore_mem>>
      %dma_start3A = arith.constant 0 : i32
      %dma_start3A_794 = tpu.memref_slice %arg4[%select_n3A_761, %select_n3A_777, %dma_start3A] : memref<26x16x16384xf32, #tpu.memory_space<hbm>> -> memref<1x1x8192xf32, #tpu.memory_space<hbm>>
      %dma_start3A_795 = tpu.memref_squeeze %dma_start3A_794 : memref<1x1x8192xf32, #tpu.memory_space<hbm>> -> memref<8192xf32, #tpu.memory_space<hbm>>
      %dma_start3A_796 = arith.constant 0 : i32
      %dma_start3A_797 = tpu.memref_slice %arg4[%select_n3A_761, %select_n3A_777, %dma_start3A_796] : memref<26x16x16384xf32, #tpu.memory_space<hbm>> -> memref<1x1x8192xf32, #tpu.memory_space<hbm>>
      %dma_start3A_798 = tpu.memref_squeeze %dma_start3A_797 : memref<1x1x8192xf32, #tpu.memory_space<hbm>> -> memref<8192xf32, #tpu.memory_space<hbm>>
      tpu.enqueue_dma source(%arg7 : memref<8192xf32, #tpu.memory_space<vmem>>) target(%dma_start3A_798 : memref<8192xf32, #tpu.memory_space<hbm>>) target_semaphore(%run_scoped3A : memref<!tpu.dma_semaphore, #tpu.memory_space<semaphore_mem>>)
      %dma_wait3A = arith.constant 0 : i32
      %dma_wait3A_799 = tpu.memref_slice %arg4[%select_n3A_761, %select_n3A_777, %dma_wait3A] : memref<26x16x16384xf32, #tpu.memory_space<hbm>> -> memref<1x1x8192xf32, #tpu.memory_space<hbm>>
      %dma_wait3A_800 = tpu.memref_squeeze %dma_wait3A_799 : memref<1x1x8192xf32, #tpu.memory_space<hbm>> -> memref<8192xf32, #tpu.memory_space<hbm>>
      %dma_wait3A_801 = arith.constant 0 : i32
      %dma_wait3A_802 = tpu.memref_slice %arg4[%select_n3A_761, %select_n3A_777, %dma_wait3A_801] : memref<26x16x16384xf32, #tpu.memory_space<hbm>> -> memref<1x1x8192xf32, #tpu.memory_space<hbm>>
      %dma_wait3A_803 = tpu.memref_squeeze %dma_wait3A_802 : memref<1x1x8192xf32, #tpu.memory_space<hbm>> -> memref<8192xf32, #tpu.memory_space<hbm>>
      tpu.wait_dma2 semaphore(%run_scoped3A : memref<!tpu.dma_semaphore, #tpu.memory_space<semaphore_mem>>) src(%arg7 : memref<8192xf32, #tpu.memory_space<vmem>>) dst(%dma_wait3A_803 : memref<8192xf32, #tpu.memory_space<hbm>>)
      tpu.yield
    }) : () -> ()
    %scan3A_788 = arith.constant 0 : i32
    %scan3A_789 = arith.constant 0 : i32
    %scan3A_790 = arith.constant 512 : i32
    %scan3A_791 = arith.addi %scan3A_789, %scan3A_790 : i32
    %scan3A_792 = arith.constant 1 : i32
    scf.for %scan3A_794 = %scan3A_789 to %scan3A_791 step %scan3A_792  : i32 {
      %mul3A_795 = arith.constant 16 : i32
      %mul3A_796 = arith.muli %scan3A_794, %mul3A_795 : i32
      %add3A_797 = arith.constant 8192 : i32
      %add3A_798 = arith.addi %add3A_797, %mul3A_796 : i32
      %get3A = arith.index_cast %add3A_798 : i32 to index
      %get3A_799 = tpu.vector_load %arg6[%get3A] {strides = array<i32>} : memref<16384xi32, #tpu.memory_space<vmem>>, vector<16xi32>,
      %gather3A = tpu.vector_load_idx %arg5[%get3A_799] : memref<100000xf32, #tpu.memory_space<vmem>>[vector<16xi32>], vector<16xf32>,
      %mul3A_800 = arith.constant 16 : i32
      %mul3A_801 = arith.muli %scan3A_794, %mul3A_800 : i32
      %swap3A = arith.index_cast %mul3A_801 : i32 to index
      %swap3A_802 = tpu.vector_load %arg7[%swap3A] {strides = array<i32>} : memref<8192xf32, #tpu.memory_space<vmem>>, vector<16xf32>,
      tpu.vector_store %arg7[%swap3A], %gather3A {strides = array<i32>} : memref<8192xf32, #tpu.memory_space<vmem>>, vector<16xf32>,
    }
    %scan3A_793 = arith.constant 512 : i32
    "tpu.region"() ({
      %run_scoped3A = tpu.sem_alloc : memref<!tpu.dma_semaphore, #tpu.memory_space<semaphore_mem>>
      %dma_start3A = arith.constant 8192 : i32
      %dma_start3A_794 = tpu.memref_slice %arg4[%select_n3A_761, %select_n3A_777, %dma_start3A] : memref<26x16x16384xf32, #tpu.memory_space<hbm>> -> memref<1x1x8192xf32, #tpu.memory_space<hbm>>
      %dma_start3A_795 = tpu.memref_squeeze %dma_start3A_794 : memref<1x1x8192xf32, #tpu.memory_space<hbm>> -> memref<8192xf32, #tpu.memory_space<hbm>>
      %dma_start3A_796 = arith.constant 8192 : i32
      %dma_start3A_797 = tpu.memref_slice %arg4[%select_n3A_761, %select_n3A_777, %dma_start3A_796] : memref<26x16x16384xf32, #tpu.memory_space<hbm>> -> memref<1x1x8192xf32, #tpu.memory_space<hbm>>
      %dma_start3A_798 = tpu.memref_squeeze %dma_start3A_797 : memref<1x1x8192xf32, #tpu.memory_space<hbm>> -> memref<8192xf32, #tpu.memory_space<hbm>>
      tpu.enqueue_dma source(%arg7 : memref<8192xf32, #tpu.memory_space<vmem>>) target(%dma_start3A_798 : memref<8192xf32, #tpu.memory_space<hbm>>) target_semaphore(%run_scoped3A : memref<!tpu.dma_semaphore, #tpu.memory_space<semaphore_mem>>)
      %dma_wait3A = arith.constant 8192 : i32
      %dma_wait3A_799 = tpu.memref_slice %arg4[%select_n3A_761, %select_n3A_777, %dma_wait3A] : memref<26x16x16384xf32, #tpu.memory_space<hbm>> -> memref<1x1x8192xf32, #tpu.memory_space<hbm>>
      %dma_wait3A_800 = tpu.memref_squeeze %dma_wait3A_799 : memref<1x1x8192xf32, #tpu.memory_space<hbm>> -> memref<8192xf32, #tpu.memory_space<hbm>>
      %dma_wait3A_801 = arith.constant 8192 : i32
      %dma_wait3A_802 = tpu.memref_slice %arg4[%select_n3A_761, %select_n3A_777, %dma_wait3A_801] : memref<26x16x16384xf32, #tpu.memory_space<hbm>> -> memref<1x1x8192xf32, #tpu.memory_space<hbm>>
      %dma_wait3A_803 = tpu.memref_squeeze %dma_wait3A_802 : memref<1x1x8192xf32, #tpu.memory_space<hbm>> -> memref<8192xf32, #tpu.memory_space<hbm>>
      tpu.wait_dma2 semaphore(%run_scoped3A : memref<!tpu.dma_semaphore, #tpu.memory_space<semaphore_mem>>) src(%arg7 : memref<8192xf32, #tpu.memory_space<vmem>>) dst(%dma_wait3A_803 : memref<8192xf32, #tpu.memory_space<hbm>>)
      tpu.yield
    }) : () -> ()
    return
  }
}

module attributes {stable_mosaic.version = 14 : i64} {
  func.func @_mlp_body(%arg0: i32, %arg1: memref<13x2048xf32, #tpu.memory_space<vmem>>, %arg2: memref<416x2048xf32, #tpu.memory_space<vmem>>, %arg3: memref<256x13xf32, #tpu.memory_space<vmem>>, %arg4: memref<256x416xf32, #tpu.memory_space<vmem>>, %arg5: memref<256x1xf32, #tpu.memory_space<vmem>>, %arg6: memref<128x256xf32, #tpu.memory_space<vmem>>, %arg7: memref<128x1xf32, #tpu.memory_space<vmem>>, %arg8: memref<10x128xf32, #tpu.memory_space<vmem>>, %arg9: memref<10x1xf32, #tpu.memory_space<vmem>>, %arg10: memref<10x2048xf32, #tpu.memory_space<vmem>>) attributes {dimension_semantics = [#tpu.dimension_semantics<arbitrary>], iteration_bounds = array<i64: 8>, scalar_prefetch = 0 : i64, scratch_operands = 0 : i64, tpu.core_type = #tpu.core_type<tc>, window_params = [{transform_indices = @transform_0, window_bounds = array<i64: 13, 2048>}, {transform_indices = @transform_1, window_bounds = array<i64: 416, 2048>}, {pipeline_mode = #tpu.pipeline_mode<synchronous>, transform_indices = @transform_2, window_bounds = array<i64: 256, 13>}, {pipeline_mode = #tpu.pipeline_mode<synchronous>, transform_indices = @transform_3, window_bounds = array<i64: 256, 416>}, {pipeline_mode = #tpu.pipeline_mode<synchronous>, transform_indices = @transform_4, window_bounds = array<i64: 256, 1>}, {pipeline_mode = #tpu.pipeline_mode<synchronous>, transform_indices = @transform_5, window_bounds = array<i64: 128, 256>}, {pipeline_mode = #tpu.pipeline_mode<synchronous>, transform_indices = @transform_6, window_bounds = array<i64: 128, 1>}, {pipeline_mode = #tpu.pipeline_mode<synchronous>, transform_indices = @transform_7, window_bounds = array<i64: 10, 128>}, {pipeline_mode = #tpu.pipeline_mode<synchronous>, transform_indices = @transform_8, window_bounds = array<i64: 10, 1>}, {transform_indices = @transform_9, window_bounds = array<i64: 10, 2048>}]} {
    %get3A = arith.constant 0 : index
    %get3A_0 = arith.constant 0 : index
    %get3A_1 = vector.load %arg4[%get3A, %get3A_0] : memref<256x416xf32, #tpu.memory_space<vmem>>, vector<256x416xf32>
    %convert_element_type3A = arith.truncf %get3A_1 : vector<256x416xf32> to vector<256x416xbf16>
    %get3A_2 = arith.constant 0 : index
    %get3A_3 = arith.constant 0 : index
    %get3A_4 = vector.load %arg2[%get3A_2, %get3A_3] : memref<416x2048xf32, #tpu.memory_space<vmem>>, vector<416x2048xf32>
    %convert_element_type3A_5 = arith.truncf %get3A_4 : vector<416x2048xf32> to vector<416x2048xbf16>
    %dot_general3A = arith.constant dense<0.000000e+00> : vector<256x2048xf32>
    %dot_general3A_6 = tpu.matmul %convert_element_type3A, %convert_element_type3A_5, %dot_general3A {dimension_numbers = #tpu.dot_dimension_numbers<[1], [0], [0], [1], [0, 0, 1, 1], [], []>, transpose_lhs_hint = false} : vector<256x416xbf16>, vector<416x2048xbf16>, vector<256x2048xf32> -> vector<256x2048xf32>
    %get3A_7 = arith.constant 0 : index
    %get3A_8 = arith.constant 0 : index
    %get3A_9 = vector.load %arg3[%get3A_7, %get3A_8] : memref<256x13xf32, #tpu.memory_space<vmem>>, vector<256x13xf32>
    %get3A_10 = arith.constant 0 : index
    %get3A_11 = arith.constant 0 : index
    %get3A_12 = vector.load %arg1[%get3A_10, %get3A_11] : memref<13x2048xf32, #tpu.memory_space<vmem>>, vector<13x2048xf32>
    %dot_general3A_13 = arith.constant dense<0.000000e+00> : vector<256x2048xf32>
    %dot_general3A_14 = tpu.matmul %get3A_9, %get3A_12, %dot_general3A_13 {dimension_numbers = #tpu.dot_dimension_numbers<[1], [0], [0], [1], [0, 0, 1, 1], [], []>, transpose_lhs_hint = false} : vector<256x13xf32>, vector<13x2048xf32>, vector<256x2048xf32> -> vector<256x2048xf32>
    %add3A = arith.addf %dot_general3A_6, %dot_general3A_14 : vector<256x2048xf32>
    %get3A_15 = arith.constant 0 : index
    %get3A_16 = arith.constant 0 : index
    %get3A_17 = vector.load %arg5[%get3A_15, %get3A_16] : memref<256x1xf32, #tpu.memory_space<vmem>>, vector<256x1xf32>
    %add3A_18 = vector.broadcast %get3A_17 : vector<256x1xf32> to vector<256x2048xf32>
    %add3A_19 = arith.addf %add3A, %add3A_18 : vector<256x2048xf32>
    %max3A = arith.constant 0.000000e+00 : f32
    %max3A_20 = vector.broadcast %max3A : f32 to vector<256x2048xf32>
    %max3A_21 = arith.maximumf %add3A_19, %max3A_20 : vector<256x2048xf32>
    %get3A_22 = arith.constant 0 : index
    %get3A_23 = arith.constant 0 : index
    %get3A_24 = vector.load %arg6[%get3A_22, %get3A_23] : memref<128x256xf32, #tpu.memory_space<vmem>>, vector<128x256xf32>
    %dot_general3A_25 = arith.constant dense<0.000000e+00> : vector<128x2048xf32>
    %dot_general3A_26 = tpu.matmul %get3A_24, %max3A_21, %dot_general3A_25 {dimension_numbers = #tpu.dot_dimension_numbers<[1], [0], [0], [1], [0, 0, 1, 1], [], []>, transpose_lhs_hint = false} : vector<128x256xf32>, vector<256x2048xf32>, vector<128x2048xf32> -> vector<128x2048xf32>
    %get3A_27 = arith.constant 0 : index
    %get3A_28 = arith.constant 0 : index
    %get3A_29 = vector.load %arg7[%get3A_27, %get3A_28] : memref<128x1xf32, #tpu.memory_space<vmem>>, vector<128x1xf32>
    %add3A_30 = vector.broadcast %get3A_29 : vector<128x1xf32> to vector<128x2048xf32>
    %add3A_31 = arith.addf %dot_general3A_26, %add3A_30 : vector<128x2048xf32>
    %max3A_32 = arith.constant 0.000000e+00 : f32
    %max3A_33 = vector.broadcast %max3A_32 : f32 to vector<128x2048xf32>
    %max3A_34 = arith.maximumf %add3A_31, %max3A_33 : vector<128x2048xf32>
    %get3A_35 = arith.constant 0 : index
    %get3A_36 = arith.constant 0 : index
    %get3A_37 = vector.load %arg8[%get3A_35, %get3A_36] : memref<10x128xf32, #tpu.memory_space<vmem>>, vector<10x128xf32>
    %dot_general3A_38 = arith.constant dense<0.000000e+00> : vector<10x2048xf32>
    %dot_general3A_39 = tpu.matmul %get3A_37, %max3A_34, %dot_general3A_38 {dimension_numbers = #tpu.dot_dimension_numbers<[1], [0], [0], [1], [0, 0, 1, 1], [], []>, transpose_lhs_hint = false} : vector<10x128xf32>, vector<128x2048xf32>, vector<10x2048xf32> -> vector<10x2048xf32>
    %get3A_40 = arith.constant 0 : index
    %get3A_41 = arith.constant 0 : index
    %get3A_42 = vector.load %arg9[%get3A_40, %get3A_41] : memref<10x1xf32, #tpu.memory_space<vmem>>, vector<10x1xf32>
    %add3A_43 = vector.broadcast %get3A_42 : vector<10x1xf32> to vector<10x2048xf32>
    %add3A_44 = arith.addf %dot_general3A_39, %add3A_43 : vector<10x2048xf32>
    %swap3A = arith.constant 0 : index
    %swap3A_45 = arith.constant 0 : index
    %swap3A_46 = vector.load %arg10[%swap3A, %swap3A_45] : memref<10x2048xf32, #tpu.memory_space<vmem>>, vector<10x2048xf32>
    tpu.vector_store %arg10[%swap3A, %swap3A_45], %add3A_44 {strides = array<i32>} : memref<10x2048xf32, #tpu.memory_space<vmem>>, vector<10x2048xf32>,
    return
  }
  func.func @transform_0(%arg0: i32) -> (i32, i32) {
    %c0_i32 = arith.constant 0 : i32
    %c0_i32_0 = arith.constant 0 : i32
    return %c0_i32, %arg0 : i32, i32
  }
  func.func @transform_1(%arg0: i32) -> (i32, i32) {
    %c0_i32 = arith.constant 0 : i32
    %c0_i32_0 = arith.constant 0 : i32
    return %c0_i32, %arg0 : i32, i32
  }
  func.func @transform_2(%arg0: i32) -> (i32, i32) {
    %c0_i32 = arith.constant 0 : i32
    %c0_i32_0 = arith.constant 0 : i32
    %c0_i32_1 = arith.constant 0 : i32
    return %c0_i32, %c0_i32_0 : i32, i32
  }
  func.func @transform_3(%arg0: i32) -> (i32, i32) {
    %c0_i32 = arith.constant 0 : i32
    %c0_i32_0 = arith.constant 0 : i32
    %c0_i32_1 = arith.constant 0 : i32
    return %c0_i32, %c0_i32_0 : i32, i32
  }
  func.func @transform_4(%arg0: i32) -> (i32, i32) {
    %c0_i32 = arith.constant 0 : i32
    %c0_i32_0 = arith.constant 0 : i32
    %c0_i32_1 = arith.constant 0 : i32
    return %c0_i32, %c0_i32_0 : i32, i32
  }
  func.func @transform_5(%arg0: i32) -> (i32, i32) {
    %c0_i32 = arith.constant 0 : i32
    %c0_i32_0 = arith.constant 0 : i32
    %c0_i32_1 = arith.constant 0 : i32
    return %c0_i32, %c0_i32_0 : i32, i32
  }
  func.func @transform_6(%arg0: i32) -> (i32, i32) {
    %c0_i32 = arith.constant 0 : i32
    %c0_i32_0 = arith.constant 0 : i32
    %c0_i32_1 = arith.constant 0 : i32
    return %c0_i32, %c0_i32_0 : i32, i32
  }
  func.func @transform_7(%arg0: i32) -> (i32, i32) {
    %c0_i32 = arith.constant 0 : i32
    %c0_i32_0 = arith.constant 0 : i32
    %c0_i32_1 = arith.constant 0 : i32
    return %c0_i32, %c0_i32_0 : i32, i32
  }
  func.func @transform_8(%arg0: i32) -> (i32, i32) {
    %c0_i32 = arith.constant 0 : i32
    %c0_i32_0 = arith.constant 0 : i32
    %c0_i32_1 = arith.constant 0 : i32
    return %c0_i32, %c0_i32_0 : i32, i32
  }
  func.func @transform_9(%arg0: i32) -> (i32, i32) {
    %c0_i32 = arith.constant 0 : i32
    %c0_i32_0 = arith.constant 0 : i32
    return %c0_i32, %arg0 : i32, i32
  }
}

</mosaic_0001>

<sc_bundles>
// kernel: kernel.4.cloned.1.call-start
scs
__scs_entry_jumppad:
0x0: {  	(pc) =	sbr.rel $0x88, $3  }
0x1: {  	(tag) =	ssettag $0x0;
	lr =	simm.s32 $0x1  }
0x2: {  	[smem:$0x3F98] =	sst lr;
	_ =	strace $0xD0000000  }
0x3: {  	_ = 	snop  }
0x4: {  	_ = 	snop  }
0x5: {  	_ = 	snop  }
0x6: {  	_ = 	snop  }
0x7: {  	_ = 	snop  }
__scs_overlays_trampoline_lowered:
0x8: {  	[smem:$0x3FA7] =	sst s0  }
0x9: {  	[smem:$0x3FA8] =	sst s1  }
0xa: {  	[smem:$0x3FA9] =	sst s2  }
0xb: {  	[smem:$0x3FAA] =	sst s3  }
0xc: {  	[smem:$0x3FAB] =	sst s4  }
0xd: {  	[smem:$0x3FAC] =	sst s5  }
0xe: {  	[smem:$0x3FAD] =	sst s6  }
0xf: {  	[smem:$0x3FAE] =	sst s7  }
0x10: {  	[smem:$0x3FAF] =	sst s8  }
0x11: {  	[smem:$0x3FB0] =	sst s9;
	s0 =	simm.s32 @!p0 $0x0  }
0x12: {  	s1 =	sld [smem:$0x3F96];
	s0 =	simm.s32 @p0 $0x1  }
0x13: {  	[smem:$0x3FB1] =	sst s0;
	s0 =	simm.s32 @!p1 $0x0  }
0x14: {  	s2 =	sld [smem:$0x3F95];
	s0 =	simm.s32 @p1 $0x1  }
0x15: {  	[smem:$0x3FB2] =	sst s0;
	s0 =	simm.s32 @!p2 $0x0  }
0x16: {  	s3 =	sld [smem:$0x3FDB];
	s0 =	simm.s32 @p2 $0x1  }
0x17: {  	s4 =	simm.s32 $0x1BF5;
	[smem:$0x3FB4] =	sst s0  }
0x18: {  	s0 =	sld [smem:$0x3F97];
	_ =	swait.ge [sflag:s4], $0x0  }
0x19: {  	s7 =	sld [smem:$0x3F98]  }
0x1a: {  	s8 =	sadd.s32 $0xFFFFE003, lr  }
0x1b: {  	s9 =	sadd.s32 $0xFFFFFEF7, lr;
	s5 =	simm.s32 $0xFFFFFFFF;
	p2 =	slt.u32 s8, $0xFFFFF086  }
0x1c: {  	p1 =	slt.u32 s9, $0xF7A;
	s5 =	simm.s32 @!p2 $0x0  }
0x1d: {  	s5 =	simm.s32 @p1 $0x1;
	p0 =	seq.s32 s7, s2  }
0x1e: {  	s7 =	smul.u32 @!p0 $0xF7A, s2;
	p2 =	seq.s32 @!p0 s5, $0x0  }
0x1f: {  	s9 =	smul.u32 $0xF7A, s1;
	s8 =	simm.s32 @!p0 $0x1BF5;
	p2 =	por !p2, p0  }
0x20: {  	[sflag:s8] =	ssyncset.s32 @!p0 $0xFFFFF086;
	s6 =	sadd.s32 @!p0 s3, s7;
	s7 =	simm.s32 @!p0 $0x108  }
0x21: {  	s3 =	sadd.s32 s3, s9;
	s6 =	sadd.s32 @!p0 $0x88, s6;
	s7 =	simm.s32 @p2 $0x1082  }
0x22: {  	[simem:s7], [sflag:s8] =	dma.local @!p0 [hbm:s6], $0xF7A  }
0x23: {  	s9 =	sor.u32 $0xD0000000, s2;
	s6 =	simm.s32 $0x108;
	_ =	swait.ge @!p0 [sflag:s8], $0x0  }
0x24: {  	s3 =	sadd.s32 $0x88, s3;
	s6 =	simm.s32 @!p1 $0x1082;
	[sflag:s4] =	ssyncset.s32 $0xFFFFF086  }
0x25: {  	[simem:s6], [sflag:s4] =	dma.local [hbm:s3], $0xF7A  }
0x26: {  	[smem:$0x3F98] =	sst s1;
	(tag) =	ssettag s2;
	_ =	strace s9  }
0x27: {  	s1 =	sld [smem:$0x3FA8]  }
0x28: {  	s2 =	sld [smem:$0x3FA9]  }
0x29: {  	s4 =	sld [smem:$0x3FAB]  }
0x2a: {  	p0 =	seq.s32 s5, $0x0;
	s5 =	sld [smem:$0x3FAC]  }
0x2b: {  	s6 =	sld [smem:$0x3FAD]  }
0x2c: {  	s7 =	sld [smem:$0x3FAE]  }
0x2d: {  	s3 =	simm.s32 $0x108;
	s8 =	sld [smem:$0x3FAF]  }
0x2e: {  	s3 =	simm.s32 @!p0 $0x1082;
	s9 =	sld [smem:$0x3FB0]  }
0x2f: {  	lr =	sadd.s32 s0, s3;
	s0 =	sld [smem:$0x3FA7]  }
0x30: {  	s3 =	sld [smem:$0x3FAA]  }
0x31: {  	[smem:$0x3FB3] =	sst s10  }
0x32: {  	s10 =	sld [smem:$0x3FB1];
	_ =	sdelay $0x3  }
0x33: {  	p0 =	seq.s32 s10, $0x1;
	s10 =	sld [smem:$0x3FB3];
	_ =	sdelay $0x3  }
0x34: {  	[smem:$0x3FB3] =	sst s10  }
0x35: {  	s10 =	sld [smem:$0x3FB2];
	_ =	sdelay $0x3  }
0x36: {  	p1 =	seq.s32 s10, $0x1;
	s10 =	sld [smem:$0x3FB3];
	_ =	sdelay $0x3  }
0x37: {  	[smem:$0x3FB3] =	sst s10  }
0x38: {  	s10 =	sld [smem:$0x3FB4]  }
0x39: {  	_ = 	snop;
	(pc) =	sbr.ind lr, $3  }
0x3a: {  	_ = 	snop  }
0x3b: {  	_ = 	snop  }
0x3c: {  	p2 =	seq.s32 s10, $0x1;
	s10 =	sld [smem:$0x3FB3]  }
0x3d: {  	_ =	shalt  }
0x3e: {  	_ =	shalt  }
0x3f: {  	_ =	shalt  }
0x40: {  	_ =	shalt  }
0x41: {  	_ =	shalt  }
0x42: {  	_ =	shalt  }
0x43: {  	_ =	shalt  }
0x44: {  	_ =	shalt  }
0x45: {  	_ =	shalt  }
0x46: {  	_ =	shalt  }
0x47: {  	_ =	shalt  }
0x48: {  	_ =	shalt  }
0x49: {  	_ =	shalt  }
0x4a: {  	_ =	shalt  }
0x4b: {  	_ =	shalt  }
0x4c: {  	_ =	shalt  }
0x4d: {  	_ =	shalt  }
0x4e: {  	_ =	shalt  }
0x4f: {  	_ =	shalt  }
0x50: {  	_ =	shalt  }
0x51: {  	_ =	shalt  }
0x52: {  	_ =	shalt  }
0x53: {  	_ =	shalt  }
0x54: {  	_ =	shalt  }
0x55: {  	_ =	shalt  }
0x56: {  	_ =	shalt  }
0x57: {  	_ =	shalt  }
0x58: {  	_ =	shalt  }
0x59: {  	_ =	shalt  }
0x5a: {  	_ =	shalt  }
0x5b: {  	_ =	shalt  }
0x5c: {  	_ =	shalt  }
0x5d: {  	_ =	shalt  }
0x5e: {  	_ =	shalt  }
0x5f: {  	_ =	shalt  }
0x60: {  	_ =	shalt  }
0x61: {  	_ =	shalt  }
0x62: {  	_ =	shalt  }
0x63: {  	_ =	shalt  }
0x64: {  	_ =	shalt  }
0x65: {  	_ =	shalt  }
0x66: {  	_ =	shalt  }
0x67: {  	_ =	shalt  }
0x68: {  	_ =	shalt  }
0x69: {  	_ =	shalt  }
0x6a: {  	_ =	shalt  }
0x6b: {  	_ =	shalt  }
0x6c: {  	_ =	shalt  }
0x6d: {  	_ =	shalt  }
0x6e: {  	_ =	shalt  }
0x6f: {  	_ =	shalt  }
0x70: {  	_ =	shalt  }
0x71: {  	_ =	shalt  }
0x72: {  	_ =	shalt  }
0x73: {  	_ =	shalt  }
0x74: {  	_ =	shalt  }
0x75: {  	_ =	shalt  }
0x76: {  	_ =	shalt  }
0x77: {  	_ =	shalt  }
0x78: {  	_ =	shalt  }
0x79: {  	_ =	shalt  }
0x7a: {  	_ =	shalt  }
0x7b: {  	_ =	shalt  }
0x7c: {  	_ =	shalt  }
0x7d: {  	_ =	shalt  }
0x7e: {  	_ =	shalt  }
0x7f: {  	_ =	shalt  }
0x80: {  	_ =	shalt  }
0x81: {  	_ =	shalt  }
0x82: {  	_ =	shalt  }
0x83: {  	_ =	shalt  }
0x84: {  	_ =	shalt  }
0x85: {  	_ =	shalt  }
0x86: {  	_ =	shalt  }
0x87: {  	_ =	shalt  }
.Lfunc_end0:
.L_simem_size_0:
called_computation_lowered:
.L_overlay_start_0:
0x88: {  	s2 =	sld [smem:$0x3FD9]  }
0x89: {  	s3 =	sld [smem:$0x3FFE];
	_ =	sdelay $0x1  }
0x8a: {  	s1 =	srdreg.scid  }
0x8b: {  	s0 =	sand.u32 $0x1, s1  }
0x8c: {  	s17 =	sshll.u32 s0, $0xA;
	s2 =	sadd.s32 s3, s2  }
0x8d: {  	s2 =	sadd.s32 s2, s17  }
0x8e: {  	[smem:$0x3FBF] =	sst s2  }
0x8f: {  	_ = 	snop  }
0x90: {  	s2 =	sld [smem:$0x3FC8]  }
0x91: {  	s18 =	sld [smem:$0x3FC7];
	(tm) =	ssettm $0x1  }
0x92: {  	s4 =	sld [smem:$0x3FFB];
	_ =	sdelay $0x3  }
0x93: {  	_ =	strace s4  }
0x94: {  	s4 =	sld [smem:$0x3FFC];
	_ =	sdelay $0x3  }
0x95: {  	_ =	strace s4  }
0x96: {  	s4 =	sld [smem:$0x3FFD];
	_ =	sdelay $0x3  }
0x97: {  	_ =	strace s4  }
0x98: {  	_ =	strace $0x8FFFFFFF  }
0x99: {  	s19 =	sld [smem:$0x3FDB];
	_ =	sdelay $0x1  }
0x9a: {  	s5 =	simm.s32 $_scs_section_size  }
0x9b: {  	s6 =	simm.s32 $_size__tile_overlayer_lowered;
	s7 =	simm.s32 $_tile_overlayer_lowered  }
0x9c: {  	s22 =	simm.s32 $0x1BFF;
	s21 =	sshll.u32 s7, $0x1;
	s4 =	sadd.s32 s5, s19  }
0x9d: {  	s8 =	simm.s32 $0x0;
	s20 =	sshll.u32 s6, $0x1;
	s6 =	sadd.s32 s21, s4  }
0x9e: {  	[timem:s8], [sflag:s22] =	dma.local [hbm:s6], s20  }
0x9f: {  	_ =	swait.ge [sflag:s22], s20  }
0xa0: {  	s5 =	ssub.s32 $0x0, s20;
	[sflag:s22] =	ssyncset.done $0x0  }
0xa1: {  	[sflag:s22] =	ssyncadd.s32 s5;
	_ =	sdelay $0x1  }
0xa2: {  	s23 =	simm.s32 $0x1B8B  }
0xa3: {  	_ =	swait.ge [sflag:s23], $0x1  }
0xa4: {  	[sflag:s23] =	ssyncset.done $0x0  }
0xa5: {  	s25 =	simm.s32 $0x1B8E;
	s24 =	sld [smem:$0x3FFE];
	[sflag:s23] =	ssyncadd.s32 $0xFFFFFFFF  }
0xa6: {  	s26 =	simm.s32 $execute0_lowered;
	[smem:$0x3FD2] =	sst s25  }
0xa7: {  	s6 =	sshll.u32 s26, $0x1;
	_ =	strace $0x80000046;
	[dreg:$0x1] =	wrdreg $0xFFFFFFFF  }
0xa8: {  	s28 =	simm.s32 $_size_execute0_lowered;
	s4 =	sadd.s32 s4, s6;
	[dreg:$0x0] =	wrdreg $0x0  }
0xa9: {  	s6 =	sshll.u32 s28, $0x1;
	[dreg:$0x2] =	wrdreg s4  }
0xaa: {  	[dreg:$0x3] =	wrdreg s6  }
0xab: {  	[dreg:$0x4] =	wrdreg $0xC0  }
0xac: {  	_ =	task [dreg:s8], $0x5FFFF  }
0xad: {  	[dreg:$0x1] =	wrdreg $0xFFFFFFFF  }
0xae: {  	[dreg:$0x0] =	wrdreg $0x60  }
0xaf: {  	[dreg:$0x2] =	wrdreg s18  }
0xb0: {  	[dreg:$0x3] =	wrdreg s2  }
0xb1: {  	[dreg:$0x4] =	wrdreg s24  }
0xb2: {  	[dreg:$0x5] =	wrdreg $0x9  }
0xb3: {  	_ =	task.clear_ibuf [dreg:s8], $0x6FFFF;
	_ =	strace $0x90000046  }
0xb4: {  	s29 =	simm.s32 $0x9;
	_ =	strace $0x80000048  }
0xb5: {  	_ =	swait.ge [sflag:s29], $0x1  }
0xb6: {  	[sflag:s29] =	ssyncadd.s32 $0xFFFFFFFF  }
0xb7: {  	_ =	strace $0x90000048  }
0xb8: {  	_ =	sfence  }
0xb9: {  	s30 =	sld [smem:$0x0];
	_ =	sdelay $0x2  }
0xba: {  	s31 =	sshll.u32 s1, $0xD;
	s1 =	sshrl.u32 s1, $0x2  }
0xbb: {  	s3 =	sand.u32 $0x4000, s31;
	s1 =	sadd.s32 s1, s30  }
0xbc: {  	s0 =	sor.u32 s3, s0;
	s1 =	sshll.u32 s1, $0x11  }
0xbd: {  	s0 =	sor.u32 s1, s0  }
0xbe: {  	s0 =	sadd.s32 $0x8F2B, s0  }
0xbf: {  	[sflag:s0] =	ssyncadd.remote.s32 $0x1  }
0xc0: {  	_ =	sfence.sel $0xFFFF  }
0xc1: {  	[dreg:$0x0] =	wrdreg $0xFFFFFFFF;
	(pc) =	sbr.abs _section_cstart, $3  }
0xc2: {  	[dreg:$0x1] =	wrdreg $0xFFFFFFFF  }
0xc3: {  	_ =	task.clear_ibuf [dreg:s8], $0x2FFFF;
	_ =	strace $0x9FFFFFFF  }
0xc4: {  	(tm) =	ssettm $0x7FFFFFFF  }
0xc5: {  	_ =	shalt  }
tec
execute0_lowered:
.L_overlay_start_1:
0x0: {  	(tag) =	ssettag $0x1  }
0x1: {  	s0 =	srdreg.scid;
	s1 =	stileid.u32  }
0x2: {  	s0 =	sand.u32 $0x1, s0;
	s1 =	sshll.u32 s1, $0x1  }
0x3: {  	s1 =	sor.u32 s0, s1  }
0x4: {  	s0 =	ssub.s32 $0x2, s0;
	s5 =	smul.u32 $0xD, s1  }
0x5: {  	s19 =	sshrl.u32 s0, $0x1  }
0x6: {  	s13 =	rddreg [dreg:$0x1];
	s0 =	ssub.s32 s0, s19;
	s4 =	sshrl.u32 s5, $0x4  }
0x7: {  	s2 =	sshll.u32 s5, $0x7;
	s7 =	sand.u32 $0x70, s5;
	[smem:$0x7FD] =	sst s0  }
0x8: {  	s8 =	sand.u32 $0x8, s5;
	s25 =	sadd.s32 $0x1, s5;
	[smem:$0x7E5] =	sst s4  }
0x9: {  	s3 =	sand.u32 $0xC000, s2;
	s7 =	sadd.s32 s13, s7;
	s8 =	sshrl.u32 s8, $0x3  }
0xa: {  	s9 =	smul.u32 $0x187000, s4;
	s22 =	sand.u32 $0x380, s2;
	s23 =	sshll.u32 s4, $0x12  }
0xb: {  	s26 =	sand.u32 $0x8, s25;
	s31 =	sshll.u32 s25, $0x7;
	s20 =	sadd.s32 s3, s7  }
0xc: {  	s21 =	smul.u32 $0xC3800, s8;
	s24 =	sshll.u32 s8, $0x11;
	s3 =	sand.u32 $0x70, s25  }
0xd: {  	s8 =	sshrl.u32 s26, $0x3;
	s11 =	sand.u32 $0x1C000, s31;
	s6 =	sand.u32 $0x380, s31  }
0xe: {  	[dreg:$0x4] =	wrdreg s20;
	s2 =	sor.u32 s23, s24;
	s23 =	sshrl.u32 s25, $0x4  }
0xf: {  	s3 =	sadd.s32 s13, s3;
	s12 =	smul.u32 $0xC3800, s8;
	s8 =	sshll.u32 s8, $0x11  }
0x10: {  	s0 =	sadd.s32 s9, s21;
	s10 =	smul.u32 $0x187000, s23;
	s2 =	sor.u32 s22, s2  }
0x11: {  	s4 =	sadd.s32 s11, s3;
	s9 =	sadd.s32 $0x2, s5;
	[smem:$0x7F1] =	sst s2  }
0x12: {  	s11 =	sshll.u32 s23, $0x12;
	s0 =	sor.u32 s22, s0;
	[dreg:$0x5] =	wrdreg s4  }
0x13: {  	s15 =	sshrl.u32 s9, $0x4;
	s16 =	sshll.u32 s9, $0x7;
	s3 =	sor.u32 s11, s8  }
0x14: {  	s2 =	sand.u32 $0x70, s9;
	s22 =	sadd.s32 $0x3, s5;
	s8 =	sadd.s32 $0x4, s5  }
0x15: {  	[smem:$0x7EC] =	sst s0;
	s7 =	sadd.s32 s10, s12;
	s10 =	sand.u32 $0x8, s9  }
0x16: {  	s12 =	smul.u32 $0x187000, s15;
	s18 =	sand.u32 $0x1C000, s16;
	s2 =	sadd.s32 s13, s2  }
0x17: {  	s14 =	sand.u32 $0x380, s16;
	s0 =	sor.u32 s6, s3;
	s21 =	sshll.u32 s15, $0x12  }
0x18: {  	s24 =	sshll.u32 s22, $0x7;
	s25 =	sand.u32 $0x8, s22;
	s16 =	sshrl.u32 s8, $0x4  }
0x19: {  	s11 =	sshll.u32 s8, $0x7;
	s1 =	sor.u32 s6, s7;
	[smem:$0x7F2] =	sst s0  }
0x1a: {  	s19 =	sadd.s32 s18, s2;
	s26 =	sand.u32 $0x1C000, s24;
	s3 =	sshrl.u32 s25, $0x3  }
0x1b: {  	s2 =	sand.u32 $0x70, s22;
	[smem:$0x7ED] =	sst s1;
	s6 =	smul.u32 $0xC3800, s3  }
0x1c: {  	s1 =	sshrl.u32 s10, $0x3;
	[dreg:$0x6] =	wrdreg s19;
	s19 =	smul.u32 $0x187000, s16  }
0x1d: {  	s10 =	sshrl.u32 s22, $0x4;
	s2 =	sadd.s32 s13, s2;
	s17 =	smul.u32 $0xC3800, s1  }
0x1e: {  	s3 =	sshll.u32 s3, $0x11;
	s1 =	sshll.u32 s1, $0x11;
	s31 =	smul.u32 $0x187000, s10  }
0x1f: {  	s4 =	sadd.s32 s26, s2;
	s7 =	sshll.u32 s10, $0x12;
	s26 =	sand.u32 $0x380, s11  }
0x20: {  	s0 =	sor.u32 s21, s1;
	[dreg:$0x7] =	wrdreg s4;
	s1 =	sand.u32 $0x380, s24  }
0x21: {  	s2 =	sor.u32 s7, s3;
	s3 =	sand.u32 $0x70, s8;
	s24 =	sshll.u32 s16, $0x12  }
0x22: {  	s9 =	sadd.s32 s12, s17;
	s0 =	sor.u32 s14, s0;
	s3 =	sadd.s32 s13, s3  }
0x23: {  	s17 =	sand.u32 $0x1C000, s11;
	s20 =	sor.u32 s14, s9;
	[smem:$0x7F3] =	sst s0  }
0x24: {  	s0 =	sadd.s32 s31, s6;
	s9 =	sand.u32 $0x8, s8;
	s21 =	sadd.s32 s17, s3  }
0x25: {  	s31 =	sadd.s32 $0x5, s5;
	[smem:$0x7EE] =	sst s20;
	s8 =	sshrl.u32 s9, $0x3  }
0x26: {  	s0 =	sor.u32 s1, s0;
	s20 =	sor.u32 s1, s2;
	[dreg:$0x8] =	wrdreg s21  }
0x27: {  	s4 =	sand.u32 $0x8, s31;
	s6 =	sshll.u32 s31, $0x7;
	[smem:$0x7EF] =	sst s0  }
0x28: {  	s2 =	sand.u32 $0x70, s31;
	s18 =	smul.u32 $0xC3800, s8;
	[smem:$0x7F6] =	sst s20  }
0x29: {  	s25 =	sshll.u32 s8, $0x11;
	s8 =	sshrl.u32 s4, $0x3;
	s2 =	sadd.s32 s13, s2  }
0x2a: {  	s20 =	sand.u32 $0x1C000, s6;
	s1 =	sor.u32 s24, s25;
	s21 =	smul.u32 $0xC3800, s8  }
0x2b: {  	s11 =	sadd.s32 s20, s2;
	s17 =	sshll.u32 s8, $0x11;
	s20 =	sand.u32 $0x380, s6  }
0x2c: {  	s22 =	sadd.s32 s19, s18;
	s19 =	sshrl.u32 s31, $0x4;
	s9 =	sor.u32 s26, s1  }
0x2d: {  	[dreg:$0x9] =	wrdreg s11;
	s11 =	sadd.s32 $0x7, s5;
	s7 =	smul.u32 $0x187000, s19  }
0x2e: {  	s0 =	sor.u32 s26, s22;
	[smem:$0x7F9] =	sst s9;
	s18 =	sshll.u32 s19, $0x12  }
0x2f: {  	s22 =	sadd.s32 $0x6, s5;
	s28 =	sshrl.u32 s11, $0x4;
	s14 =	sshll.u32 s11, $0x7  }
0x30: {  	[smem:$0x7F0] =	sst s0;
	s1 =	sor.u32 s18, s17;
	s24 =	sshrl.u32 s22, $0x4  }
0x31: {  	s25 =	sand.u32 $0x8, s22;
	s26 =	sshll.u32 s22, $0x7;
	s3 =	sand.u32 $0x70, s22  }
0x32: {  	s12 =	sadd.s32 s7, s21;
	s8 =	sshrl.u32 s25, $0x3;
	s31 =	smul.u32 $0x187000, s24  }
0x33: {  	s3 =	sadd.s32 s13, s3;
	s22 =	sand.u32 $0x1C000, s26;
	s2 =	sor.u32 s20, s1  }
0x34: {  	s9 =	sand.u32 $0x380, s26;
	s26 =	sand.u32 $0x1C000, s14;
	s25 =	smul.u32 $0xC3800, s8  }
0x35: {  	s21 =	sor.u32 s20, s12;
	[smem:$0x7FA] =	sst s2;
	s4 =	sadd.s32 s22, s3  }
0x36: {  	s7 =	sshll.u32 s8, $0x11;
	s8 =	sshll.u32 s24, $0x12;
	s12 =	sand.u32 $0x8, s11  }
0x37: {  	s3 =	sand.u32 $0x70, s11;
	s11 =	sadd.s32 $0x8, s5;
	[dreg:$0xa] =	wrdreg s4  }
0x38: {  	s1 =	sor.u32 s8, s7;
	s18 =	sshrl.u32 s12, $0x3;
	s3 =	sadd.s32 s13, s3  }
0x39: {  	s8 =	sshll.u32 s28, $0x12;
	s6 =	sadd.s32 s31, s25;
	s31 =	smul.u32 $0x187000, s28  }
0x3a: {  	s12 =	sand.u32 $0x8, s11;
	s29 =	smul.u32 $0xC3800, s18;
	s4 =	sor.u32 s9, s1  }
0x3b: {  	s7 =	sshll.u32 s18, $0x11;
	s17 =	sshrl.u32 s12, $0x3;
	s25 =	sor.u32 s9, s6  }
0x3c: {  	[smem:$0x7FB] =	sst s4;
	s6 =	sadd.s32 s26, s3;
	s1 =	sor.u32 s8, s7  }
0x3d: {  	s9 =	sand.u32 $0x380, s14;
	s14 =	sshll.u32 s11, $0x7;
	s3 =	sand.u32 $0x70, s11  }
0x3e: {  	s20 =	smul.u32 $0xC3800, s17;
	[dreg:$0xb] =	wrdreg s6;
	s29 =	sadd.s32 s31, s29  }
0x3f: {  	s31 =	sshrl.u32 s11, $0x4;
	s3 =	sadd.s32 s13, s3;
	s30 =	sand.u32 $0x1C000, s14  }
0x40: {  	s1 =	sor.u32 s9, s1;
	s2 =	sand.u32 $0x380, s14;
	s6 =	sadd.s32 $0x9, s5  }
0x41: {  	s18 =	smul.u32 $0x187000, s31;
	s29 =	sor.u32 s9, s29;
	[smem:$0x7FC] =	sst s1  }
0x42: {  	s3 =	sadd.s32 s30, s3;
	s26 =	sshll.u32 s31, $0x12;
	s9 =	sshrl.u32 s6, $0x4  }
0x43: {  	s7 =	sand.u32 $0x8, s6;
	[dreg:$0xc] =	wrdreg s3;
	s3 =	sand.u32 $0x70, s6  }
0x44: {  	s30 =	sshrl.u32 s7, $0x3;
	s11 =	smul.u32 $0x187000, s9;
	s7 =	sshll.u32 s9, $0x12  }
0x45: {  	s4 =	sadd.s32 s18, s20;
	s20 =	sshll.u32 s17, $0x11;
	s12 =	sadd.s32 s13, s3  }
0x46: {  	s18 =	smul.u32 $0xC3800, s30;
	s1 =	sor.u32 s26, s20;
	s26 =	sshll.u32 s6, $0x7  }
0x47: {  	s20 =	sor.u32 s2, s4;
	s6 =	sshll.u32 s30, $0x11;
	s14 =	sand.u32 $0x1C000, s26  }
0x48: {  	s22 =	sor.u32 s2, s1;
	s3 =	sadd.s32 s11, s18;
	s6 =	sor.u32 s7, s6  }
0x49: {  	s8 =	sand.u32 $0x380, s26;
	s11 =	sadd.s32 $0xA, s5;
	s1 =	sadd.s32 s14, s12  }
0x4a: {  	s4 =	sshrl.u32 s11, $0x4;
	s12 =	sand.u32 $0x8, s11;
	s30 =	sshll.u32 s11, $0x7  }
0x4b: {  	s2 =	sand.u32 $0x70, s11;
	s14 =	sor.u32 s8, s6;
	[dreg:$0xd] =	wrdreg s1  }
0x4c: {  	s17 =	sshrl.u32 s12, $0x3;
	s18 =	smul.u32 $0x187000, s4;
	s2 =	sadd.s32 s13, s2  }
0x4d: {  	s1 =	sand.u32 $0x1C000, s30;
	s12 =	sor.u32 s8, s3;
	s3 =	sand.u32 $0x380, s30  }
0x4e: {  	p2 =	seq.s32 s4, s9;
	s7 =	smul.u32 $0xC3800, s17;
	s0 =	sadd.s32 s1, s2  }
0x4f: {  	s11 =	sshll.u32 s17, $0x11;
	s17 =	sshll.u32 s4, $0x12;
	[dreg:$0xe] =	wrdreg s0  }
0x50: {  	s8 =	sadd.s32 s18, s7;
	s7 =	sor.u32 s17, s11;
	s18 =	sadd.s32 $0xB, s5  }
0x51: {  	s5 =	sadd.s32 $0xC, s5;
	s11 =	sor.u32 s3, s8;
	s0 =	sshrl.u32 s18, $0x4  }
0x52: {  	s26 =	sand.u32 $0x70, s18;
	s1 =	sand.u32 $0x8, s18;
	s6 =	sshll.u32 s18, $0x7  }
0x53: {  	s30 =	sor.u32 s3, s7;
	s17 =	sadd.s32 s13, s26;
	s26 =	sshrl.u32 s1, $0x3  }
0x54: {  	s2 =	sand.u32 $0x1C000, s6;
	s8 =	smul.u32 $0x187000, s0;
	s6 =	sand.u32 $0x380, s6  }
0x55: {  	p3 =	seq.s32 s0, s4;
	s1 =	sadd.s32 s2, s17;
	s17 =	smul.u32 $0xC3800, s26  }
0x56: {  	s4 =	sshrl.u32 s25, $0x3;
	s18 =	sshll.u32 s26, $0x11;
	s26 =	sshll.u32 s0, $0x12  }
0x57: {  	s25 =	rddreg [dreg:$0x2];
	s2 =	sor.u32 s26, s18;
	s8 =	sadd.s32 s8, s17  }
0x58: {  	s18 =	sor.u32 s6, s2;
	s8 =	sor.u32 s6, s8;
	s6 =	sld [smem:$0x7E5]  }
0x59: {  	s7 =	sshrl.u32 s5, $0x4;
	[dreg:$0xf] =	wrdreg s1;
	s26 =	sand.u32 $0x70, s5  }
0x5a: {  	s1 =	sand.u32 $0x8, s5;
	s5 =	sshll.u32 s5, $0x7;
	s3 =	sadd.s32 s13, s26  }
0x5b: {  	s13 =	sshrl.u32 s1, $0x3;
	s17 =	sand.u32 $0x1C000, s5;
	p0 =	seq.s32 s23, s6  }
0x5c: {  	s26 =	smul.u32 $0x187000, s7;
	s3 =	sadd.s32 s17, s3;
	s2 =	simm.s32 @!p0 $0x0  }
0x5d: {  	s17 =	sld [smem:$0x7ED];
	s2 =	simm.s32 @p0 $0x1;
	p0 =	seq.s32 s15, s23  }
0x5e: {  	s1 =	smul.u32 $0xC3800, s13;
	[smem:$0x7E6] =	sst s2;
	s2 =	simm.s32 @!p0 $0x0  }
0x5f: {  	[dreg:$0x10] =	wrdreg s3;
	s2 =	simm.s32 @p0 $0x1;
	p0 =	seq.s32 s10, s15  }
0x60: {  	s1 =	sadd.s32 s26, s1;
	[smem:$0x7E7] =	sst s2;
	s2 =	simm.s32 @!p0 $0x0  }
0x61: {  	s26 =	sld [smem:$0x7F0];
	s2 =	simm.s32 @p0 $0x1;
	p0 =	seq.s32 s16, s10  }
0x62: {  	[smem:$0x7E8] =	sst s2;
	s2 =	simm.s32 @!p0 $0x0  }
0x63: {  	s2 =	simm.s32 @p0 $0x1;
	p0 =	seq.s32 s19, s16;
	s16 =	sld [smem:$0x7EC]  }
0x64: {  	[smem:$0x7E9] =	sst s2;
	s2 =	simm.s32 @!p0 $0x0  }
0x65: {  	s2 =	simm.s32 @p0 $0x1;
	p0 =	seq.s32 s24, s19;
	s19 =	sld [smem:$0x7EE]  }
0x66: {  	p6 =	seq.s32 s28, s24;
	s24 =	sld [smem:$0x7EF]  }
0x67: {  	p1 =	seq.s32 s9, s31;
	p4 =	seq.s32 s7, s0;
	[smem:$0x7EA] =	sst s2  }
0x68: {  	s2 =	simm.s32 @!p0 $0x0;
	s0 =	sshrl.u32 s16, $0x3;
	s16 =	sshrl.u32 s11, $0x3  }
0x69: {  	s11 =	sld [smem:$0x7F9];
	s2 =	simm.s32 @p0 $0x1;
	p0 =	seq.s32 s31, s28  }
0x6a: {  	s31 =	sshrl.u32 s21, $0x3;
	s21 =	sshll.u32 s13, $0x11;
	s13 =	sld [smem:$0x7FA]  }
0x6b: {  	s9 =	sshrl.u32 s20, $0x3;
	s20 =	sshll.u32 s7, $0x12;
	[smem:$0x7EB] =	sst s2  }
0x6c: {  	s6 =	sshrl.u32 s29, $0x3;
	s28 =	simm.s32 $0x0;
	s2 =	rddreg [dreg:$0x0]  }
0x6d: {  	s29 =	simm.s32 $0x1C700;
	s3 =	sshrl.u32 s19, $0x3;
	[smem:$0x7FF] =	sst s28  }
0x6e: {  	s19 =	sshrl.u32 s8, $0x3;
	s8 =	sld [smem:$0x7F6];
	s0 =	sadd.s32 s2, s0  }
0x6f: {  	s23 =	sadd.s32 s2, s3;
	s3 =	sadd.s32 s2, s31;
	[dreg:$0x11] =	wrdreg s0  }
0x70: {  	s10 =	sadd.s32 s2, s9;
	s0 =	sshrl.u32 s17, $0x3;
	[dreg:$0x13] =	wrdreg s23  }
0x71: {  	[dreg:$0x16] =	wrdreg s3;
	s17 =	sand.u32 $0x380, s5;
	s0 =	sadd.s32 s2, s0  }
0x72: {  	s1 =	sor.u32 s17, s1;
	[dreg:$0x12] =	wrdreg s0;
	s0 =	sshrl.u32 s24, $0x3  }
0x73: {  	[dreg:$0x19] =	wrdreg s10;
	s1 =	sshrl.u32 s1, $0x3;
	s0 =	sadd.s32 s2, s0  }
0x74: {  	s15 =	sshrl.u32 s12, $0x3;
	s23 =	sadd.s32 s2, s1;
	[dreg:$0x14] =	wrdreg s0  }
0x75: {  	s31 =	sadd.s32 $0x1600, s25;
	s0 =	sshrl.u32 s26, $0x3;
	[dreg:$0x1d] =	wrdreg s23  }
0x76: {  	s12 =	sshrl.u32 s11, $0x3;
	s26 =	sld [smem:$0x7F1];
	s0 =	sadd.s32 s2, s0  }
0x77: {  	s9 =	sshrl.u32 s8, $0x3;
	s24 =	sor.u32 s20, s21;
	[dreg:$0x15] =	wrdreg s0  }
0x78: {  	s1 =	sadd.s32 $0x3600, s25;
	s0 =	sadd.s32 s2, s4;
	s4 =	sld [smem:$0x7F2]  }
0x79: {  	s25 =	sshrl.u32 s30, $0x3;
	s30 =	simm.s32 $0x0;
	[dreg:$0x17] =	wrdreg s0  }
0x7a: {  	s23 =	sshrl.u32 s22, $0x3;
	s0 =	sadd.s32 s2, s6;
	s6 =	sld [smem:$0x7F3]  }
0x7b: {  	[dreg:$0x18] =	wrdreg s0;
	s0 =	sadd.s32 s2, s15;
	s15 =	sshrl.u32 s13, $0x3  }
0x7c: {  	s13 =	sadd.s32 s31, s23;
	[dreg:$0x1a] =	wrdreg s0;
	s0 =	sadd.s32 s2, s16  }
0x7d: {  	s3 =	sshrl.u32 s4, $0x3;
	s4 =	sadd.s32 s9, s1;
	s16 =	sld [smem:$0x7FB]  }
0x7e: {  	s8 =	sadd.s32 s15, s1;
	[dreg:$0x1b] =	wrdreg s0;
	s0 =	sadd.s32 s2, s19  }
0x7f: {  	s2 =	sshrl.u32 s26, $0x3;
	s7 =	sadd.s32 s31, s3;
	s19 =	sld [smem:$0x7FC]  }
0x80: {  	s3 =	sadd.s32 s3, s1;
	s26 =	sshrl.u32 s18, $0x3;
	[dreg:$0x1c] =	wrdreg s0  }
0x81: {  	s18 =	sadd.s32 s25, s1;
	s0 =	sor.u32 s17, s24;
	[smem:$0x7F4] =	sst s7  }
0x82: {  	s5 =	sadd.s32 s31, s2;
	s2 =	sadd.s32 s2, s1;
	[smem:$0x7F5] =	sst s3  }
0x83: {  	s3 =	sadd.s32 s31, s9;
	s7 =	sadd.s32 s31, s15;
	[dreg:$0x1e] =	wrdreg s5  }
0x84: {  	s24 =	sshrl.u32 s14, $0x3;
	s14 =	sadd.s32 s23, s1;
	[dreg:$0x1f] =	wrdreg s2  }
0x85: {  	s2 =	sshrl.u32 s6, $0x3;
	s5 =	sadd.s32 s31, s12;
	s17 =	sshrl.u32 s16, $0x3  }
0x86: {  	s15 =	sadd.s32 s31, s24;
	s0 =	sshrl.u32 s0, $0x3;
	s10 =	sadd.s32 s31, s2  }
0x87: {  	s2 =	sadd.s32 s2, s1;
	s20 =	sshrl.u32 s19, $0x3;
	[smem:$0x7F7] =	sst s10  }
0x88: {  	s9 =	sadd.s32 s31, s17;
	s19 =	sadd.s32 s31, s26;
	[smem:$0x7F8] =	sst s2  }
0x89: {  	s21 =	sadd.s32 s31, s0;
	s10 =	sadd.s32 s17, s1;
	_ =	strace $0x80000047  }
0x8a: {  	s11 =	sadd.s32 s31, s20;
	s17 =	sadd.s32 s31, s25;
	s31 =	sld [smem:$0x7FD]  }
0x8b: {  	s6 =	sadd.s32 s12, s1;
	s16 =	sadd.s32 s24, s1;
	s24 =	simm.s32 $0x80  }
0x8c: {  	s22 =	sadd.s32 s0, s1;
	s12 =	sadd.s32 s20, s1;
	s20 =	sadd.s32 s26, s1  }
0x8d: {  	s25 =	simm.s32 $0x400;
	s26 =	simm.s32 $0x1;
	s23 =	smax.u32 s31, $0x1  }
.LBB2_1:
0x8e: {  	s0 =	rddreg [dreg:$0x4];
	s1 =	simm.s32 $0x18700  }
0x8f: {  	[tilespmem:s1], [sflag:$0x1] =	stream.strided.gather [hbm4b:s0+s24], $0x4000, s25, s24, $0x38;
	[tilespmem:$0x1E700] =	vst v63  }
0x90: {  	_ =	swait.ge [sflag:s26], $0x4000  }
0x91: {  	[sflag:s26] =	ssyncset.done $0x0  }
0x92: {  	s2 =	rddreg [dreg:$0x11];
	[sflag:s26] =	ssyncadd.s32 $0xFFFFC000  }
0x93: {  	[tilespmem:s28], [sflag:$0x1] =	stream.strided.gather [hbm4b:s2+s24], $0x18700, s25, s24, $0x38;
	[tilespmem:$0x1E700] =	vst v63  }
0x94: {  	_ =	swait.ge [sflag:s26], $0x18700  }
0x95: {  	[sflag:s26] =	ssyncset.done $0x0  }
0x96: {  	s0 =	simm.s32 $0x0;
	[sflag:s26] =	ssyncadd.s32 $0xFFFE7900  }
0x97: {  	v0 =	vld [tilespmem:s0+$0x18700];
	_ =	sdelay $0x7  }
0x98: {  	s31 =	simm.s32 $0x10;
	s1 =	simm.s32 $0x80;
	v0 =	vld.idx.msk [tilespmem:v0+s28+$0x0], $0xffff  }
.LBB2_2:
0x99: {  	p5 =	sne.s32 s1, $0x7FC0;
	v1 =	vld [tilespmem:s31+$0x18700];
	_ =	sdelay $0x3  }
.Ltmp0:
0x9a: {  	(pc) =	sbr.rel @p5 .LBB2_2-.Ltmp0, $2  }
0x9b: {  	[tilespmem:s0+$0x1C700] =	vst v0;
	s0 =	smov.u32 s31;
	_ =	sdelay $0x2  }
0x9c: {  	s31 =	sshra.s32 s1, $0x2;
	s1 =	sadd.s32 $0x40, s1;
	v0 =	vld.idx.msk [tilespmem:v1+s28+$0x0], $0xffff  }
0x9d: {  	v1 =	vld [tilespmem:s31+$0x18700];
	_ =	sdelay $0x6  }
0x9e: {  	[tilespmem:s0+$0x1C700] =	vst v0  }
0x9f: {  	v0 =	vld.idx.msk [tilespmem:v1+s28+$0x0], $0xffff;
	_ =	sdelay $0x4  }
0xa0: {  	s2 =	rddreg [dreg:$0x1e];
	[tilespmem:s31+$0x1C700] =	vst v0;
	s31 =	simm.s32 $0x1C700  }
0xa1: {  	[hbm4b:s2+s24] =	stream.strided.scatter [tilespmem:s31], [sflag:$0x1], $0x2000, s25, s24, $0x38;
	[tilespmem:$0x1E700] =	vst v63  }
0xa2: {  	_ =	swait.ge [sflag:s26], $0x2000  }
0xa3: {  	s1 =	simm.s32 $0x0;
	[sflag:s26] =	ssyncset.done $0x0  }
0xa4: {  	s0 =	sand.u32 $0x1FF0, s1;
	[sflag:s26] =	ssyncadd.s32 $0xFFFFE000  }
0xa5: {  	v63 =	vld [tilespmem:s0+$0x1A700];
	_ =	sdelay $0x7  }
0xa6: {  	v0 =	vld.idx.msk [tilespmem:v63+s28+$0x0], $0xffff;
	_ =	sdelay $0x3  }
0xa7: {  	s2 =	simm.s32 $0x10  }
0xa8: {  	s1 =	sand.u32 $0x1FF0, s2;
	s0 =	simm.s32 $0x20;
	[tilespmem:s31+$0x0] =	vst v0  }
.LBB2_4:
0xa9: {  	p5 =	sne.s32 s0, $0x1FF0;
	v0 =	vld [tilespmem:s1+$0x1A700];
	_ =	sdelay $0x7  }
0xaa: {  	v0 =	vld.idx.msk [tilespmem:v0+s28+$0x0], $0xffff;
	_ =	sdelay $0x1  }
.Ltmp1:
0xab: {  	(pc) =	sbr.rel @p5 .LBB2_4-.Ltmp1, $3  }
0xac: {  	_ =	sdelay $0x1  }
0xad: {  	s31 =	sadd.s32 $0x10, s31  }
0xae: {  	s1 =	sand.u32 $0x1FF0, s0;
	s0 =	sadd.s32 $0x10, s0;
	[tilespmem:s31+$0x0] =	vst v0  }
0xaf: {  	v0 =	vld [tilespmem:s1+$0x1A700];
	_ =	sdelay $0x7  }
0xb0: {  	v0 =	vld.idx.msk [tilespmem:v0+s28+$0x0], $0xffff;
	_ =	sdelay $0x3  }
0xb1: {  	s0 =	sadd.s32 $0x10, s31  }
0xb2: {  	s1 =	rddreg [dreg:$0x1f];
	[tilespmem:s0+$0x0] =	vst v0  }
0xb3: {  	[hbm4b:s1+s24] =	stream.strided.scatter [tilespmem:s29], [sflag:$0x1], $0x2000, s25, s24, $0x38;
	[tilespmem:$0x1E700] =	vst v63  }
0xb4: {  	_ =	swait.ge [sflag:s26], $0x2000  }
0xb5: {  	s2 =	sld [smem:$0x7E6];
	_ =	sdelay $0x1  }
0xb6: {  	[sflag:s26] =	ssyncset.done $0x0  }
0xb7: {  	[sflag:s26] =	ssyncadd.s32 $0xFFFFE000;
	p5 =	seq.s32 s2, $0x1;
	s2 =	rddreg [dreg:$0x5]  }
0xb8: {  	s0 =	simm.s32 @!p5 $0x80;
	s1 =	simm.s32 @!p5 $0x400;
	s31 =	simm.s32 @!p5 $0x18700  }
0xb9: {  	[tilespmem:s31], [sflag:$0x1] =	stream.strided.gather @!p5 [hbm4b:s2+s0], $0x4000, s1, s0, $0x38;
	[tilespmem:$0x1E700] =	vst v63  }
0xba: {  	s0 =	simm.s32 @!p5 $0x1  }
0xbb: {  	_ =	swait.ge @!p5 [sflag:s0], $0x4000  }
0xbc: {  	[sflag:s0] =	ssyncset.done @!p5 $0x0  }
0xbd: {  	s1 =	simm.s32 $0x0;
	s2 =	rddreg [dreg:$0x12];
	[sflag:s0] =	ssyncadd.s32 @!p5 $0xFFFFC000  }
0xbe: {  	[tilespmem:s1], [sflag:$0x1] =	stream.strided.gather [hbm4b:s2+s24], $0x18700, s25, s24, $0x38;
	[tilespmem:$0x1E700] =	vst v63  }
0xbf: {  	_ =	swait.ge [sflag:s26], $0x18700  }
0xc0: {  	[sflag:s26] =	ssyncset.done $0x0  }
0xc1: {  	s0 =	simm.s32 $0x0;
	[sflag:s26] =	ssyncadd.s32 $0xFFFE7900  }
0xc2: {  	v0 =	vld [tilespmem:s0+$0x18700];
	_ =	sdelay $0x7  }
0xc3: {  	s31 =	simm.s32 $0x10;
	s1 =	simm.s32 $0x80;
	v0 =	vld.idx.msk [tilespmem:v0+s28+$0x0], $0xffff  }
.LBB2_6:
0xc4: {  	p5 =	sne.s32 s1, $0x7FC0;
	v1 =	vld [tilespmem:s31+$0x18700];
	_ =	sdelay $0x3  }
.Ltmp2:
0xc5: {  	(pc) =	sbr.rel @p5 .LBB2_6-.Ltmp2, $2  }
0xc6: {  	[tilespmem:s0+$0x1C700] =	vst v0;
	s0 =	smov.u32 s31;
	_ =	sdelay $0x2  }
0xc7: {  	s31 =	sshra.s32 s1, $0x2;
	s1 =	sadd.s32 $0x40, s1;
	v0 =	vld.idx.msk [tilespmem:v1+s28+$0x0], $0xffff  }
0xc8: {  	v1 =	vld [tilespmem:s31+$0x18700];
	_ =	sdelay $0x6  }
0xc9: {  	[tilespmem:s0+$0x1C700] =	vst v0  }
0xca: {  	v0 =	vld.idx.msk [tilespmem:v1+s28+$0x0], $0xffff;
	_ =	sdelay $0x2  }
0xcb: {  	s2 =	sld [smem:$0x7F4];
	_ =	sdelay $0x1  }
0xcc: {  	[tilespmem:s31+$0x1C700] =	vst v0;
	s31 =	simm.s32 $0x1C700  }
0xcd: {  	[hbm4b:s2+s24] =	stream.strided.scatter [tilespmem:s31], [sflag:$0x1], $0x2000, s25, s24, $0x38;
	[tilespmem:$0x1E700] =	vst v63  }
0xce: {  	_ =	swait.ge [sflag:s26], $0x2000  }
0xcf: {  	s1 =	simm.s32 $0x0;
	[sflag:s26] =	ssyncset.done $0x0  }
0xd0: {  	s0 =	sand.u32 $0x1FF0, s1;
	[sflag:s26] =	ssyncadd.s32 $0xFFFFE000  }
0xd1: {  	v63 =	vld [tilespmem:s0+$0x1A700];
	_ =	sdelay $0x7  }
0xd2: {  	v0 =	vld.idx.msk [tilespmem:v63+s28+$0x0], $0xffff;
	_ =	sdelay $0x3  }
0xd3: {  	s2 =	simm.s32 $0x10  }
0xd4: {  	s1 =	sand.u32 $0x1FF0, s2;
	s0 =	simm.s32 $0x20;
	[tilespmem:s31+$0x0] =	vst v0  }
.LBB2_8:
0xd5: {  	p5 =	sne.s32 s0, $0x1FF0;
	v0 =	vld [tilespmem:s1+$0x1A700];
	_ =	sdelay $0x7  }
0xd6: {  	v0 =	vld.idx.msk [tilespmem:v0+s28+$0x0], $0xffff;
	_ =	sdelay $0x1  }
.Ltmp3:
0xd7: {  	(pc) =	sbr.rel @p5 .LBB2_8-.Ltmp3, $3  }
0xd8: {  	_ =	sdelay $0x1  }
0xd9: {  	s31 =	sadd.s32 $0x10, s31  }
0xda: {  	s1 =	sand.u32 $0x1FF0, s0;
	s0 =	sadd.s32 $0x10, s0;
	[tilespmem:s31+$0x0] =	vst v0  }
0xdb: {  	v0 =	vld [tilespmem:s1+$0x1A700];
	_ =	sdelay $0x7  }
0xdc: {  	v0 =	vld.idx.msk [tilespmem:v0+s28+$0x0], $0xffff;
	_ =	sdelay $0x2  }
0xdd: {  	s1 =	sld [smem:$0x7F5]  }
0xde: {  	s0 =	sadd.s32 $0x10, s31  }
0xdf: {  	[tilespmem:s0+$0x0] =	vst v0  }
0xe0: {  	[hbm4b:s1+s24] =	stream.strided.scatter [tilespmem:s29], [sflag:$0x1], $0x2000, s25, s24, $0x38;
	[tilespmem:$0x1E700] =	vst v63  }
0xe1: {  	_ =	swait.ge [sflag:s26], $0x2000  }
0xe2: {  	s2 =	sld [smem:$0x7E7];
	_ =	sdelay $0x1  }
0xe3: {  	[sflag:s26] =	ssyncset.done $0x0  }
0xe4: {  	[sflag:s26] =	ssyncadd.s32 $0xFFFFE000;
	p5 =	seq.s32 s2, $0x1;
	s2 =	rddreg [dreg:$0x6]  }
0xe5: {  	s0 =	simm.s32 @!p5 $0x80;
	s1 =	simm.s32 @!p5 $0x400;
	s31 =	simm.s32 @!p5 $0x18700  }
0xe6: {  	[tilespmem:s31], [sflag:$0x1] =	stream.strided.gather @!p5 [hbm4b:s2+s0], $0x4000, s1, s0, $0x38;
	[tilespmem:$0x1E700] =	vst v63  }
0xe7: {  	s0 =	simm.s32 @!p5 $0x1  }
0xe8: {  	_ =	swait.ge @!p5 [sflag:s0], $0x4000  }
0xe9: {  	[sflag:s0] =	ssyncset.done @!p5 $0x0  }
0xea: {  	s1 =	simm.s32 $0x0;
	s2 =	rddreg [dreg:$0x13];
	[sflag:s0] =	ssyncadd.s32 @!p5 $0xFFFFC000  }
0xeb: {  	[tilespmem:s1], [sflag:$0x1] =	stream.strided.gather [hbm4b:s2+s24], $0x18700, s25, s24, $0x38;
	[tilespmem:$0x1E700] =	vst v63  }
0xec: {  	_ =	swait.ge [sflag:s26], $0x18700  }
0xed: {  	[sflag:s26] =	ssyncset.done $0x0  }
0xee: {  	s0 =	simm.s32 $0x0;
	[sflag:s26] =	ssyncadd.s32 $0xFFFE7900  }
0xef: {  	v0 =	vld [tilespmem:s0+$0x18700];
	_ =	sdelay $0x7  }
0xf0: {  	s31 =	simm.s32 $0x10;
	s1 =	simm.s32 $0x80;
	v0 =	vld.idx.msk [tilespmem:v0+s28+$0x0], $0xffff  }
.LBB2_10:
0xf1: {  	p5 =	sne.s32 s1, $0x7FC0;
	v1 =	vld [tilespmem:s31+$0x18700];
	_ =	sdelay $0x3  }
.Ltmp4:
0xf2: {  	(pc) =	sbr.rel @p5 .LBB2_10-.Ltmp4, $2  }
0xf3: {  	[tilespmem:s0+$0x1C700] =	vst v0;
	s0 =	smov.u32 s31;
	_ =	sdelay $0x2  }
0xf4: {  	s31 =	sshra.s32 s1, $0x2;
	s1 =	sadd.s32 $0x40, s1;
	v0 =	vld.idx.msk [tilespmem:v1+s28+$0x0], $0xffff  }
0xf5: {  	v1 =	vld [tilespmem:s31+$0x18700];
	_ =	sdelay $0x6  }
0xf6: {  	[tilespmem:s0+$0x1C700] =	vst v0  }
0xf7: {  	v0 =	vld.idx.msk [tilespmem:v1+s28+$0x0], $0xffff;
	_ =	sdelay $0x2  }
0xf8: {  	s2 =	sld [smem:$0x7F7];
	_ =	sdelay $0x1  }
0xf9: {  	[tilespmem:s31+$0x1C700] =	vst v0;
	s31 =	simm.s32 $0x1C700  }
0xfa: {  	[hbm4b:s2+s24] =	stream.strided.scatter [tilespmem:s31], [sflag:$0x1], $0x2000, s25, s24, $0x38;
	[tilespmem:$0x1E700] =	vst v63  }
0xfb: {  	_ =	swait.ge [sflag:s26], $0x2000  }
0xfc: {  	s1 =	simm.s32 $0x0;
	[sflag:s26] =	ssyncset.done $0x0  }
0xfd: {  	s0 =	sand.u32 $0x1FF0, s1;
	[sflag:s26] =	ssyncadd.s32 $0xFFFFE000  }
0xfe: {  	v63 =	vld [tilespmem:s0+$0x1A700];
	_ =	sdelay $0x7  }
0xff: {  	v0 =	vld.idx.msk [tilespmem:v63+s28+$0x0], $0xffff;
	_ =	sdelay $0x3  }
0x100: {  	s2 =	simm.s32 $0x10  }
0x101: {  	s1 =	sand.u32 $0x1FF0, s2;
	s0 =	simm.s32 $0x20;
	[tilespmem:s31+$0x0] =	vst v0  }
.LBB2_12:
0x102: {  	p5 =	sne.s32 s0, $0x1FF0;
	v0 =	vld [tilespmem:s1+$0x1A700];
	_ =	sdelay $0x7  }
0x103: {  	v0 =	vld.idx.msk [tilespmem:v0+s28+$0x0], $0xffff;
	_ =	sdelay $0x1  }
.Ltmp5:
0x104: {  	(pc) =	sbr.rel @p5 .LBB2_12-.Ltmp5, $3  }
0x105: {  	_ =	sdelay $0x1  }
0x106: {  	s31 =	sadd.s32 $0x10, s31  }
0x107: {  	s1 =	sand.u32 $0x1FF0, s0;
	s0 =	sadd.s32 $0x10, s0;
	[tilespmem:s31+$0x0] =	vst v0  }
0x108: {  	v0 =	vld [tilespmem:s1+$0x1A700];
	_ =	sdelay $0x7  }
0x109: {  	v0 =	vld.idx.msk [tilespmem:v0+s28+$0x0], $0xffff;
	_ =	sdelay $0x2  }
0x10a: {  	s1 =	sld [smem:$0x7F8]  }
0x10b: {  	s0 =	sadd.s32 $0x10, s31  }
0x10c: {  	[tilespmem:s0+$0x0] =	vst v0  }
0x10d: {  	[hbm4b:s1+s24] =	stream.strided.scatter [tilespmem:s29], [sflag:$0x1], $0x2000, s25, s24, $0x38;
	[tilespmem:$0x1E700] =	vst v63  }
0x10e: {  	_ =	swait.ge [sflag:s26], $0x2000  }
0x10f: {  	s2 =	sld [smem:$0x7E8];
	_ =	sdelay $0x1  }
0x110: {  	[sflag:s26] =	ssyncset.done $0x0  }
0x111: {  	[sflag:s26] =	ssyncadd.s32 $0xFFFFE000;
	p5 =	seq.s32 s2, $0x1;
	s2 =	rddreg [dreg:$0x7]  }
0x112: {  	s0 =	simm.s32 @!p5 $0x80;
	s1 =	simm.s32 @!p5 $0x400;
	s31 =	simm.s32 @!p5 $0x18700  }
0x113: {  	[tilespmem:s31], [sflag:$0x1] =	stream.strided.gather @!p5 [hbm4b:s2+s0], $0x4000, s1, s0, $0x38;
	[tilespmem:$0x1E700] =	vst v63  }
0x114: {  	s0 =	simm.s32 @!p5 $0x1  }
0x115: {  	_ =	swait.ge @!p5 [sflag:s0], $0x4000  }
0x116: {  	[sflag:s0] =	ssyncset.done @!p5 $0x0  }
0x117: {  	s1 =	simm.s32 $0x0;
	s2 =	rddreg [dreg:$0x14];
	[sflag:s0] =	ssyncadd.s32 @!p5 $0xFFFFC000  }
0x118: {  	[tilespmem:s1], [sflag:$0x1] =	stream.strided.gather [hbm4b:s2+s24], $0x18700, s25, s24, $0x38;
	[tilespmem:$0x1E700] =	vst v63  }
0x119: {  	_ =	swait.ge [sflag:s26], $0x18700  }
0x11a: {  	[sflag:s26] =	ssyncset.done $0x0  }
0x11b: {  	s0 =	simm.s32 $0x0;
	[sflag:s26] =	ssyncadd.s32 $0xFFFE7900  }
0x11c: {  	v0 =	vld [tilespmem:s0+$0x18700];
	_ =	sdelay $0x7  }
0x11d: {  	s31 =	simm.s32 $0x10;
	s1 =	simm.s32 $0x80;
	v0 =	vld.idx.msk [tilespmem:v0+s28+$0x0], $0xffff  }
.LBB2_14:
0x11e: {  	p5 =	sne.s32 s1, $0x7FC0;
	v1 =	vld [tilespmem:s31+$0x18700];
	_ =	sdelay $0x3  }
.Ltmp6:
0x11f: {  	(pc) =	sbr.rel @p5 .LBB2_14-.Ltmp6, $2  }
0x120: {  	[tilespmem:s0+$0x1C700] =	vst v0;
	s0 =	smov.u32 s31;
	_ =	sdelay $0x2  }
0x121: {  	s31 =	sshra.s32 s1, $0x2;
	s1 =	sadd.s32 $0x40, s1;
	v0 =	vld.idx.msk [tilespmem:v1+s28+$0x0], $0xffff  }
0x122: {  	v1 =	vld [tilespmem:s31+$0x18700];
	_ =	sdelay $0x6  }
0x123: {  	[tilespmem:s0+$0x1C700] =	vst v0  }
0x124: {  	v0 =	vld.idx.msk [tilespmem:v1+s28+$0x0], $0xffff;
	_ =	sdelay $0x4  }
0x125: {  	[tilespmem:s31+$0x1C700] =	vst v0;
	s31 =	simm.s32 $0x1C700  }
0x126: {  	[hbm4b:s3+s24] =	stream.strided.scatter [tilespmem:s31], [sflag:$0x1], $0x2000, s25, s24, $0x38;
	[tilespmem:$0x1E700] =	vst v63  }
0x127: {  	_ =	swait.ge [sflag:s26], $0x2000  }
0x128: {  	s1 =	simm.s32 $0x0;
	[sflag:s26] =	ssyncset.done $0x0  }
0x129: {  	s0 =	sand.u32 $0x1FF0, s1;
	[sflag:s26] =	ssyncadd.s32 $0xFFFFE000  }
0x12a: {  	v63 =	vld [tilespmem:s0+$0x1A700];
	_ =	sdelay $0x7  }
0x12b: {  	v0 =	vld.idx.msk [tilespmem:v63+s28+$0x0], $0xffff;
	_ =	sdelay $0x3  }
0x12c: {  	s2 =	simm.s32 $0x10  }
0x12d: {  	s1 =	sand.u32 $0x1FF0, s2;
	s0 =	simm.s32 $0x20;
	[tilespmem:s31+$0x0] =	vst v0  }
.LBB2_16:
0x12e: {  	p5 =	sne.s32 s0, $0x1FF0;
	v0 =	vld [tilespmem:s1+$0x1A700];
	_ =	sdelay $0x7  }
0x12f: {  	v0 =	vld.idx.msk [tilespmem:v0+s28+$0x0], $0xffff;
	_ =	sdelay $0x1  }
.Ltmp7:
0x130: {  	(pc) =	sbr.rel @p5 .LBB2_16-.Ltmp7, $3  }
0x131: {  	_ =	sdelay $0x1  }
0x132: {  	s31 =	sadd.s32 $0x10, s31  }
0x133: {  	s1 =	sand.u32 $0x1FF0, s0;
	s0 =	sadd.s32 $0x10, s0;
	[tilespmem:s31+$0x0] =	vst v0  }
0x134: {  	v0 =	vld [tilespmem:s1+$0x1A700];
	_ =	sdelay $0x7  }
0x135: {  	v0 =	vld.idx.msk [tilespmem:v0+s28+$0x0], $0xffff;
	_ =	sdelay $0x3  }
0x136: {  	s0 =	sadd.s32 $0x10, s31  }
0x137: {  	[tilespmem:s0+$0x0] =	vst v0  }
0x138: {  	[hbm4b:s4+s24] =	stream.strided.scatter [tilespmem:s29], [sflag:$0x1], $0x2000, s25, s24, $0x38;
	[tilespmem:$0x1E700] =	vst v63  }
0x139: {  	_ =	swait.ge [sflag:s26], $0x2000  }
0x13a: {  	s2 =	sld [smem:$0x7E9];
	_ =	sdelay $0x1  }
0x13b: {  	[sflag:s26] =	ssyncset.done $0x0  }
0x13c: {  	[sflag:s26] =	ssyncadd.s32 $0xFFFFE000;
	p5 =	seq.s32 s2, $0x1;
	s2 =	rddreg [dreg:$0x8]  }
0x13d: {  	s0 =	simm.s32 @!p5 $0x80;
	s1 =	simm.s32 @!p5 $0x400;
	s31 =	simm.s32 @!p5 $0x18700  }
0x13e: {  	[tilespmem:s31], [sflag:$0x1] =	stream.strided.gather @!p5 [hbm4b:s2+s0], $0x4000, s1, s0, $0x38;
	[tilespmem:$0x1E700] =	vst v63  }
0x13f: {  	s0 =	simm.s32 @!p5 $0x1  }
0x140: {  	_ =	swait.ge @!p5 [sflag:s0], $0x4000  }
0x141: {  	[sflag:s0] =	ssyncset.done @!p5 $0x0  }
0x142: {  	s1 =	simm.s32 $0x0;
	s2 =	rddreg [dreg:$0x15];
	[sflag:s0] =	ssyncadd.s32 @!p5 $0xFFFFC000  }
0x143: {  	[tilespmem:s1], [sflag:$0x1] =	stream.strided.gather [hbm4b:s2+s24], $0x18700, s25, s24, $0x38;
	[tilespmem:$0x1E700] =	vst v63  }
0x144: {  	_ =	swait.ge [sflag:s26], $0x18700  }
0x145: {  	[sflag:s26] =	ssyncset.done $0x0  }
0x146: {  	s0 =	simm.s32 $0x0;
	[sflag:s26] =	ssyncadd.s32 $0xFFFE7900  }
0x147: {  	v0 =	vld [tilespmem:s0+$0x18700];
	_ =	sdelay $0x7  }
0x148: {  	s31 =	simm.s32 $0x10;
	s1 =	simm.s32 $0x80;
	v0 =	vld.idx.msk [tilespmem:v0+s28+$0x0], $0xffff  }
.LBB2_18:
0x149: {  	p5 =	sne.s32 s1, $0x7FC0;
	v1 =	vld [tilespmem:s31+$0x18700];
	_ =	sdelay $0x3  }
.Ltmp8:
0x14a: {  	(pc) =	sbr.rel @p5 .LBB2_18-.Ltmp8, $2  }
0x14b: {  	[tilespmem:s0+$0x1C700] =	vst v0;
	s0 =	smov.u32 s31;
	_ =	sdelay $0x2  }
0x14c: {  	s31 =	sshra.s32 s1, $0x2;
	s1 =	sadd.s32 $0x40, s1;
	v0 =	vld.idx.msk [tilespmem:v1+s28+$0x0], $0xffff  }
0x14d: {  	v1 =	vld [tilespmem:s31+$0x18700];
	_ =	sdelay $0x6  }
0x14e: {  	[tilespmem:s0+$0x1C700] =	vst v0  }
0x14f: {  	v0 =	vld.idx.msk [tilespmem:v1+s28+$0x0], $0xffff;
	_ =	sdelay $0x4  }
0x150: {  	[tilespmem:s31+$0x1C700] =	vst v0;
	s31 =	simm.s32 $0x1C700  }
0x151: {  	[hbm4b:s5+s24] =	stream.strided.scatter [tilespmem:s31], [sflag:$0x1], $0x2000, s25, s24, $0x38;
	[tilespmem:$0x1E700] =	vst v63  }
0x152: {  	_ =	swait.ge [sflag:s26], $0x2000  }
0x153: {  	s1 =	simm.s32 $0x0;
	[sflag:s26] =	ssyncset.done $0x0  }
0x154: {  	s0 =	sand.u32 $0x1FF0, s1;
	[sflag:s26] =	ssyncadd.s32 $0xFFFFE000  }
0x155: {  	v63 =	vld [tilespmem:s0+$0x1A700];
	_ =	sdelay $0x7  }
0x156: {  	v0 =	vld.idx.msk [tilespmem:v63+s28+$0x0], $0xffff;
	_ =	sdelay $0x3  }
0x157: {  	s2 =	simm.s32 $0x10  }
0x158: {  	s1 =	sand.u32 $0x1FF0, s2;
	s0 =	simm.s32 $0x20;
	[tilespmem:s31+$0x0] =	vst v0  }
.LBB2_20:
0x159: {  	p5 =	sne.s32 s0, $0x1FF0;
	v0 =	vld [tilespmem:s1+$0x1A700];
	_ =	sdelay $0x7  }
0x15a: {  	v0 =	vld.idx.msk [tilespmem:v0+s28+$0x0], $0xffff;
	_ =	sdelay $0x1  }
.Ltmp9:
0x15b: {  	(pc) =	sbr.rel @p5 .LBB2_20-.Ltmp9, $3  }
0x15c: {  	_ =	sdelay $0x1  }
0x15d: {  	s31 =	sadd.s32 $0x10, s31  }
0x15e: {  	s1 =	sand.u32 $0x1FF0, s0;
	s0 =	sadd.s32 $0x10, s0;
	[tilespmem:s31+$0x0] =	vst v0  }
0x15f: {  	v0 =	vld [tilespmem:s1+$0x1A700];
	_ =	sdelay $0x7  }
0x160: {  	v0 =	vld.idx.msk [tilespmem:v0+s28+$0x0], $0xffff;
	_ =	sdelay $0x3  }
0x161: {  	s0 =	sadd.s32 $0x10, s31  }
0x162: {  	[tilespmem:s0+$0x0] =	vst v0  }
0x163: {  	[hbm4b:s6+s24] =	stream.strided.scatter [tilespmem:s29], [sflag:$0x1], $0x2000, s25, s24, $0x38;
	[tilespmem:$0x1E700] =	vst v63  }
0x164: {  	_ =	swait.ge [sflag:s26], $0x2000  }
0x165: {  	s2 =	sld [smem:$0x7EA];
	_ =	sdelay $0x1  }
0x166: {  	[sflag:s26] =	ssyncset.done $0x0  }
0x167: {  	[sflag:s26] =	ssyncadd.s32 $0xFFFFE000;
	p5 =	seq.s32 s2, $0x1;
	s2 =	rddreg [dreg:$0x9]  }
0x168: {  	s0 =	simm.s32 @!p5 $0x80;
	s1 =	simm.s32 @!p5 $0x400;
	s31 =	simm.s32 @!p5 $0x18700  }
0x169: {  	[tilespmem:s31], [sflag:$0x1] =	stream.strided.gather @!p5 [hbm4b:s2+s0], $0x4000, s1, s0, $0x38;
	[tilespmem:$0x1E700] =	vst v63  }
0x16a: {  	s0 =	simm.s32 @!p5 $0x1  }
0x16b: {  	_ =	swait.ge @!p5 [sflag:s0], $0x4000  }
0x16c: {  	[sflag:s0] =	ssyncset.done @!p5 $0x0  }
0x16d: {  	s1 =	simm.s32 $0x0;
	s2 =	rddreg [dreg:$0x16];
	[sflag:s0] =	ssyncadd.s32 @!p5 $0xFFFFC000  }
0x16e: {  	[tilespmem:s1], [sflag:$0x1] =	stream.strided.gather [hbm4b:s2+s24], $0x18700, s25, s24, $0x38;
	[tilespmem:$0x1E700] =	vst v63  }
0x16f: {  	_ =	swait.ge [sflag:s26], $0x18700  }
0x170: {  	[sflag:s26] =	ssyncset.done $0x0  }
0x171: {  	s0 =	simm.s32 $0x0;
	[sflag:s26] =	ssyncadd.s32 $0xFFFE7900  }
0x172: {  	v0 =	vld [tilespmem:s0+$0x18700];
	_ =	sdelay $0x7  }
0x173: {  	s31 =	simm.s32 $0x10;
	s1 =	simm.s32 $0x80;
	v0 =	vld.idx.msk [tilespmem:v0+s28+$0x0], $0xffff  }
.LBB2_22:
0x174: {  	p5 =	sne.s32 s1, $0x7FC0;
	v1 =	vld [tilespmem:s31+$0x18700];
	_ =	sdelay $0x3  }
.Ltmp10:
0x175: {  	(pc) =	sbr.rel @p5 .LBB2_22-.Ltmp10, $2  }
0x176: {  	[tilespmem:s0+$0x1C700] =	vst v0;
	s0 =	smov.u32 s31;
	_ =	sdelay $0x2  }
0x177: {  	s31 =	sshra.s32 s1, $0x2;
	s1 =	sadd.s32 $0x40, s1;
	v0 =	vld.idx.msk [tilespmem:v1+s28+$0x0], $0xffff  }
0x178: {  	v1 =	vld [tilespmem:s31+$0x18700];
	_ =	sdelay $0x6  }
0x179: {  	[tilespmem:s0+$0x1C700] =	vst v0  }
0x17a: {  	v0 =	vld.idx.msk [tilespmem:v1+s28+$0x0], $0xffff;
	_ =	sdelay $0x4  }
0x17b: {  	[tilespmem:s31+$0x1C700] =	vst v0;
	s31 =	simm.s32 $0x1C700  }
0x17c: {  	[hbm4b:s7+s24] =	stream.strided.scatter [tilespmem:s31], [sflag:$0x1], $0x2000, s25, s24, $0x38;
	[tilespmem:$0x1E700] =	vst v63  }
0x17d: {  	_ =	swait.ge [sflag:s26], $0x2000  }
0x17e: {  	s1 =	simm.s32 $0x0;
	[sflag:s26] =	ssyncset.done $0x0  }
0x17f: {  	s0 =	sand.u32 $0x1FF0, s1;
	[sflag:s26] =	ssyncadd.s32 $0xFFFFE000  }
0x180: {  	v63 =	vld [tilespmem:s0+$0x1A700];
	_ =	sdelay $0x7  }
0x181: {  	v0 =	vld.idx.msk [tilespmem:v63+s28+$0x0], $0xffff;
	_ =	sdelay $0x3  }
0x182: {  	s2 =	simm.s32 $0x10  }
0x183: {  	s1 =	sand.u32 $0x1FF0, s2;
	s0 =	simm.s32 $0x20;
	[tilespmem:s31+$0x0] =	vst v0  }
.LBB2_24:
0x184: {  	p5 =	sne.s32 s0, $0x1FF0;
	v0 =	vld [tilespmem:s1+$0x1A700];
	_ =	sdelay $0x7  }
0x185: {  	v0 =	vld.idx.msk [tilespmem:v0+s28+$0x0], $0xffff;
	_ =	sdelay $0x1  }
.Ltmp11:
0x186: {  	(pc) =	sbr.rel @p5 .LBB2_24-.Ltmp11, $3  }
0x187: {  	_ =	sdelay $0x1  }
0x188: {  	s31 =	sadd.s32 $0x10, s31  }
0x189: {  	s1 =	sand.u32 $0x1FF0, s0;
	s0 =	sadd.s32 $0x10, s0;
	[tilespmem:s31+$0x0] =	vst v0  }
0x18a: {  	v0 =	vld [tilespmem:s1+$0x1A700];
	_ =	sdelay $0x7  }
0x18b: {  	v0 =	vld.idx.msk [tilespmem:v0+s28+$0x0], $0xffff;
	_ =	sdelay $0x3  }
0x18c: {  	s0 =	sadd.s32 $0x10, s31  }
0x18d: {  	[tilespmem:s0+$0x0] =	vst v0  }
0x18e: {  	[hbm4b:s8+s24] =	stream.strided.scatter [tilespmem:s29], [sflag:$0x1], $0x2000, s25, s24, $0x38;
	[tilespmem:$0x1E700] =	vst v63  }
0x18f: {  	_ =	swait.ge [sflag:s26], $0x2000  }
0x190: {  	s2 =	sld [smem:$0x7EB];
	_ =	sdelay $0x1  }
0x191: {  	[sflag:s26] =	ssyncset.done $0x0  }
0x192: {  	[sflag:s26] =	ssyncadd.s32 $0xFFFFE000;
	p5 =	seq.s32 s2, $0x1;
	s2 =	rddreg [dreg:$0xa]  }
0x193: {  	s0 =	simm.s32 @!p5 $0x80;
	s1 =	simm.s32 @!p5 $0x400;
	s31 =	simm.s32 @!p5 $0x18700  }
0x194: {  	[tilespmem:s31], [sflag:$0x1] =	stream.strided.gather @!p5 [hbm4b:s2+s0], $0x4000, s1, s0, $0x38;
	[tilespmem:$0x1E700] =	vst v63  }
0x195: {  	s0 =	simm.s32 @!p5 $0x1  }
0x196: {  	_ =	swait.ge @!p5 [sflag:s0], $0x4000  }
0x197: {  	[sflag:s0] =	ssyncset.done @!p5 $0x0  }
0x198: {  	s1 =	simm.s32 $0x0;
	s2 =	rddreg [dreg:$0x17];
	[sflag:s0] =	ssyncadd.s32 @!p5 $0xFFFFC000  }
0x199: {  	[tilespmem:s1], [sflag:$0x1] =	stream.strided.gather [hbm4b:s2+s24], $0x18700, s25, s24, $0x38;
	[tilespmem:$0x1E700] =	vst v63  }
0x19a: {  	_ =	swait.ge [sflag:s26], $0x18700  }
0x19b: {  	[sflag:s26] =	ssyncset.done $0x0  }
0x19c: {  	s0 =	simm.s32 $0x0;
	[sflag:s26] =	ssyncadd.s32 $0xFFFE7900  }
0x19d: {  	v0 =	vld [tilespmem:s0+$0x18700];
	_ =	sdelay $0x7  }
0x19e: {  	s31 =	simm.s32 $0x10;
	s1 =	simm.s32 $0x80;
	v0 =	vld.idx.msk [tilespmem:v0+s28+$0x0], $0xffff  }
.LBB2_26:
0x19f: {  	p5 =	sne.s32 s1, $0x7FC0;
	v1 =	vld [tilespmem:s31+$0x18700];
	_ =	sdelay $0x3  }
.Ltmp12:
0x1a0: {  	(pc) =	sbr.rel @p5 .LBB2_26-.Ltmp12, $2  }
0x1a1: {  	[tilespmem:s0+$0x1C700] =	vst v0;
	s0 =	smov.u32 s31;
	_ =	sdelay $0x2  }
0x1a2: {  	s31 =	sshra.s32 s1, $0x2;
	s1 =	sadd.s32 $0x40, s1;
	v0 =	vld.idx.msk [tilespmem:v1+s28+$0x0], $0xffff  }
0x1a3: {  	v1 =	vld [tilespmem:s31+$0x18700];
	_ =	sdelay $0x6  }
0x1a4: {  	[tilespmem:s0+$0x1C700] =	vst v0  }
0x1a5: {  	v0 =	vld.idx.msk [tilespmem:v1+s28+$0x0], $0xffff;
	_ =	sdelay $0x4  }
0x1a6: {  	[tilespmem:s31+$0x1C700] =	vst v0;
	s31 =	simm.s32 $0x1C700  }
0x1a7: {  	[hbm4b:s9+s24] =	stream.strided.scatter [tilespmem:s31], [sflag:$0x1], $0x2000, s25, s24, $0x38;
	[tilespmem:$0x1E700] =	vst v63  }
0x1a8: {  	_ =	swait.ge [sflag:s26], $0x2000  }
0x1a9: {  	s1 =	simm.s32 $0x0;
	[sflag:s26] =	ssyncset.done $0x0  }
0x1aa: {  	s0 =	sand.u32 $0x1FF0, s1;
	[sflag:s26] =	ssyncadd.s32 $0xFFFFE000  }
0x1ab: {  	v63 =	vld [tilespmem:s0+$0x1A700];
	_ =	sdelay $0x7  }
0x1ac: {  	v0 =	vld.idx.msk [tilespmem:v63+s28+$0x0], $0xffff;
	_ =	sdelay $0x3  }
0x1ad: {  	s2 =	simm.s32 $0x10  }
0x1ae: {  	s1 =	sand.u32 $0x1FF0, s2;
	s0 =	simm.s32 $0x20;
	[tilespmem:s31+$0x0] =	vst v0  }
.LBB2_28:
0x1af: {  	p5 =	sne.s32 s0, $0x1FF0;
	v0 =	vld [tilespmem:s1+$0x1A700];
	_ =	sdelay $0x7  }
0x1b0: {  	v0 =	vld.idx.msk [tilespmem:v0+s28+$0x0], $0xffff;
	_ =	sdelay $0x1  }
.Ltmp13:
0x1b1: {  	(pc) =	sbr.rel @p5 .LBB2_28-.Ltmp13, $3  }
0x1b2: {  	_ =	sdelay $0x1  }
0x1b3: {  	s31 =	sadd.s32 $0x10, s31  }
0x1b4: {  	s1 =	sand.u32 $0x1FF0, s0;
	s0 =	sadd.s32 $0x10, s0;
	[tilespmem:s31+$0x0] =	vst v0  }
0x1b5: {  	v0 =	vld [tilespmem:s1+$0x1A700];
	_ =	sdelay $0x7  }
0x1b6: {  	v0 =	vld.idx.msk [tilespmem:v0+s28+$0x0], $0xffff;
	_ =	sdelay $0x3  }
0x1b7: {  	s0 =	sadd.s32 $0x10, s31  }
0x1b8: {  	[tilespmem:s0+$0x0] =	vst v0  }
0x1b9: {  	[hbm4b:s10+s24] =	stream.strided.scatter [tilespmem:s29], [sflag:$0x1], $0x2000, s25, s24, $0x38;
	[tilespmem:$0x1E700] =	vst v63  }
0x1ba: {  	_ =	swait.ge [sflag:s26], $0x2000  }
0x1bb: {  	s1 =	simm.s32 @!p6 $0x400;
	s31 =	simm.s32 @!p6 $0x18700;
	[sflag:s26] =	ssyncset.done $0x0  }
0x1bc: {  	s0 =	simm.s32 @!p6 $0x80;
	s2 =	rddreg [dreg:$0xb];
	[sflag:s26] =	ssyncadd.s32 $0xFFFFE000  }
0x1bd: {  	[tilespmem:s31], [sflag:$0x1] =	stream.strided.gather @!p6 [hbm4b:s2+s0], $0x4000, s1, s0, $0x38;
	[tilespmem:$0x1E700] =	vst v63  }
0x1be: {  	s0 =	simm.s32 @!p6 $0x1  }
0x1bf: {  	_ =	swait.ge @!p6 [sflag:s0], $0x4000  }
0x1c0: {  	[sflag:s0] =	ssyncset.done @!p6 $0x0  }
0x1c1: {  	s1 =	simm.s32 $0x0;
	s2 =	rddreg [dreg:$0x18];
	[sflag:s0] =	ssyncadd.s32 @!p6 $0xFFFFC000  }
0x1c2: {  	[tilespmem:s1], [sflag:$0x1] =	stream.strided.gather [hbm4b:s2+s24], $0x18700, s25, s24, $0x38;
	[tilespmem:$0x1E700] =	vst v63  }
0x1c3: {  	_ =	swait.ge [sflag:s26], $0x18700  }
0x1c4: {  	[sflag:s26] =	ssyncset.done $0x0  }
0x1c5: {  	s0 =	simm.s32 $0x0;
	[sflag:s26] =	ssyncadd.s32 $0xFFFE7900  }
0x1c6: {  	v0 =	vld [tilespmem:s0+$0x18700];
	_ =	sdelay $0x7  }
0x1c7: {  	s31 =	simm.s32 $0x10;
	s1 =	simm.s32 $0x80;
	v0 =	vld.idx.msk [tilespmem:v0+s28+$0x0], $0xffff  }
.LBB2_30:
0x1c8: {  	p5 =	sne.s32 s1, $0x7FC0;
	v1 =	vld [tilespmem:s31+$0x18700];
	_ =	sdelay $0x3  }
.Ltmp14:
0x1c9: {  	(pc) =	sbr.rel @p5 .LBB2_30-.Ltmp14, $2  }
0x1ca: {  	[tilespmem:s0+$0x1C700] =	vst v0;
	s0 =	smov.u32 s31;
	_ =	sdelay $0x2  }
0x1cb: {  	s31 =	sshra.s32 s1, $0x2;
	s1 =	sadd.s32 $0x40, s1;
	v0 =	vld.idx.msk [tilespmem:v1+s28+$0x0], $0xffff  }
0x1cc: {  	v1 =	vld [tilespmem:s31+$0x18700];
	_ =	sdelay $0x6  }
0x1cd: {  	[tilespmem:s0+$0x1C700] =	vst v0  }
0x1ce: {  	v0 =	vld.idx.msk [tilespmem:v1+s28+$0x0], $0xffff;
	_ =	sdelay $0x4  }
0x1cf: {  	[tilespmem:s31+$0x1C700] =	vst v0;
	s31 =	simm.s32 $0x1C700  }
0x1d0: {  	[hbm4b:s11+s24] =	stream.strided.scatter [tilespmem:s31], [sflag:$0x1], $0x2000, s25, s24, $0x38;
	[tilespmem:$0x1E700] =	vst v63  }
0x1d1: {  	_ =	swait.ge [sflag:s26], $0x2000  }
0x1d2: {  	s1 =	simm.s32 $0x0;
	[sflag:s26] =	ssyncset.done $0x0  }
0x1d3: {  	s0 =	sand.u32 $0x1FF0, s1;
	[sflag:s26] =	ssyncadd.s32 $0xFFFFE000  }
0x1d4: {  	v63 =	vld [tilespmem:s0+$0x1A700];
	_ =	sdelay $0x7  }
0x1d5: {  	v0 =	vld.idx.msk [tilespmem:v63+s28+$0x0], $0xffff;
	_ =	sdelay $0x3  }
0x1d6: {  	s2 =	simm.s32 $0x10  }
0x1d7: {  	s1 =	sand.u32 $0x1FF0, s2;
	s0 =	simm.s32 $0x20;
	[tilespmem:s31+$0x0] =	vst v0  }
.LBB2_32:
0x1d8: {  	p5 =	sne.s32 s0, $0x1FF0;
	v0 =	vld [tilespmem:s1+$0x1A700];
	_ =	sdelay $0x7  }
0x1d9: {  	v0 =	vld.idx.msk [tilespmem:v0+s28+$0x0], $0xffff;
	_ =	sdelay $0x1  }
.Ltmp15:
0x1da: {  	(pc) =	sbr.rel @p5 .LBB2_32-.Ltmp15, $3  }
0x1db: {  	_ =	sdelay $0x1  }
0x1dc: {  	s31 =	sadd.s32 $0x10, s31  }
0x1dd: {  	s1 =	sand.u32 $0x1FF0, s0;
	s0 =	sadd.s32 $0x10, s0;
	[tilespmem:s31+$0x0] =	vst v0  }
0x1de: {  	v0 =	vld [tilespmem:s1+$0x1A700];
	_ =	sdelay $0x7  }
0x1df: {  	v0 =	vld.idx.msk [tilespmem:v0+s28+$0x0], $0xffff;
	_ =	sdelay $0x3  }
0x1e0: {  	s0 =	sadd.s32 $0x10, s31  }
0x1e1: {  	[tilespmem:s0+$0x0] =	vst v0  }
0x1e2: {  	[hbm4b:s12+s24] =	stream.strided.scatter [tilespmem:s29], [sflag:$0x1], $0x2000, s25, s24, $0x38;
	[tilespmem:$0x1E700] =	vst v63  }
0x1e3: {  	_ =	swait.ge [sflag:s26], $0x2000  }
0x1e4: {  	s1 =	simm.s32 @!p0 $0x400;
	s31 =	simm.s32 @!p0 $0x18700;
	[sflag:s26] =	ssyncset.done $0x0  }
0x1e5: {  	s0 =	simm.s32 @!p0 $0x80;
	s2 =	rddreg [dreg:$0xc];
	[sflag:s26] =	ssyncadd.s32 $0xFFFFE000  }
0x1e6: {  	[tilespmem:s31], [sflag:$0x1] =	stream.strided.gather @!p0 [hbm4b:s2+s0], $0x4000, s1, s0, $0x38;
	[tilespmem:$0x1E700] =	vst v63  }
0x1e7: {  	s0 =	simm.s32 @!p0 $0x1  }
0x1e8: {  	_ =	swait.ge @!p0 [sflag:s0], $0x4000  }
0x1e9: {  	[sflag:s0] =	ssyncset.done @!p0 $0x0  }
0x1ea: {  	s1 =	simm.s32 $0x0;
	s2 =	rddreg [dreg:$0x19];
	[sflag:s0] =	ssyncadd.s32 @!p0 $0xFFFFC000  }
0x1eb: {  	[tilespmem:s1], [sflag:$0x1] =	stream.strided.gather [hbm4b:s2+s24], $0x18700, s25, s24, $0x38;
	[tilespmem:$0x1E700] =	vst v63  }
0x1ec: {  	_ =	swait.ge [sflag:s26], $0x18700  }
0x1ed: {  	[sflag:s26] =	ssyncset.done $0x0  }
0x1ee: {  	s0 =	simm.s32 $0x0;
	[sflag:s26] =	ssyncadd.s32 $0xFFFE7900  }
0x1ef: {  	v0 =	vld [tilespmem:s0+$0x18700];
	_ =	sdelay $0x7  }
0x1f0: {  	s31 =	simm.s32 $0x10;
	s1 =	simm.s32 $0x80;
	v0 =	vld.idx.msk [tilespmem:v0+s28+$0x0], $0xffff  }
.LBB2_34:
0x1f1: {  	p5 =	sne.s32 s1, $0x7FC0;
	v1 =	vld [tilespmem:s31+$0x18700];
	_ =	sdelay $0x3  }
.Ltmp16:
0x1f2: {  	(pc) =	sbr.rel @p5 .LBB2_34-.Ltmp16, $2  }
0x1f3: {  	[tilespmem:s0+$0x1C700] =	vst v0;
	s0 =	smov.u32 s31;
	_ =	sdelay $0x2  }
0x1f4: {  	s31 =	sshra.s32 s1, $0x2;
	s1 =	sadd.s32 $0x40, s1;
	v0 =	vld.idx.msk [tilespmem:v1+s28+$0x0], $0xffff  }
0x1f5: {  	v1 =	vld [tilespmem:s31+$0x18700];
	_ =	sdelay $0x6  }
0x1f6: {  	[tilespmem:s0+$0x1C700] =	vst v0  }
0x1f7: {  	v0 =	vld.idx.msk [tilespmem:v1+s28+$0x0], $0xffff;
	_ =	sdelay $0x4  }
0x1f8: {  	[tilespmem:s31+$0x1C700] =	vst v0;
	s31 =	simm.s32 $0x1C700  }
0x1f9: {  	[hbm4b:s13+s24] =	stream.strided.scatter [tilespmem:s31], [sflag:$0x1], $0x2000, s25, s24, $0x38;
	[tilespmem:$0x1E700] =	vst v63  }
0x1fa: {  	_ =	swait.ge [sflag:s26], $0x2000  }
0x1fb: {  	s1 =	simm.s32 $0x0;
	[sflag:s26] =	ssyncset.done $0x0  }
0x1fc: {  	s0 =	sand.u32 $0x1FF0, s1;
	[sflag:s26] =	ssyncadd.s32 $0xFFFFE000  }
0x1fd: {  	v63 =	vld [tilespmem:s0+$0x1A700];
	_ =	sdelay $0x7  }
0x1fe: {  	v0 =	vld.idx.msk [tilespmem:v63+s28+$0x0], $0xffff;
	_ =	sdelay $0x3  }
0x1ff: {  	s2 =	simm.s32 $0x10  }
0x200: {  	s1 =	sand.u32 $0x1FF0, s2;
	s0 =	simm.s32 $0x20;
	[tilespmem:s31+$0x0] =	vst v0  }
.LBB2_36:
0x201: {  	p5 =	sne.s32 s0, $0x1FF0;
	v0 =	vld [tilespmem:s1+$0x1A700];
	_ =	sdelay $0x7  }
0x202: {  	v0 =	vld.idx.msk [tilespmem:v0+s28+$0x0], $0xffff;
	_ =	sdelay $0x1  }
.Ltmp17:
0x203: {  	(pc) =	sbr.rel @p5 .LBB2_36-.Ltmp17, $3  }
0x204: {  	_ =	sdelay $0x1  }
0x205: {  	s31 =	sadd.s32 $0x10, s31  }
0x206: {  	s1 =	sand.u32 $0x1FF0, s0;
	s0 =	sadd.s32 $0x10, s0;
	[tilespmem:s31+$0x0] =	vst v0  }
0x207: {  	v0 =	vld [tilespmem:s1+$0x1A700];
	_ =	sdelay $0x7  }
0x208: {  	v0 =	vld.idx.msk [tilespmem:v0+s28+$0x0], $0xffff;
	_ =	sdelay $0x3  }
0x209: {  	s0 =	sadd.s32 $0x10, s31  }
0x20a: {  	[tilespmem:s0+$0x0] =	vst v0  }
0x20b: {  	[hbm4b:s14+s24] =	stream.strided.scatter [tilespmem:s29], [sflag:$0x1], $0x2000, s25, s24, $0x38;
	[tilespmem:$0x1E700] =	vst v63  }
0x20c: {  	_ =	swait.ge [sflag:s26], $0x2000  }
0x20d: {  	s1 =	simm.s32 @!p1 $0x400;
	s31 =	simm.s32 @!p1 $0x18700;
	[sflag:s26] =	ssyncset.done $0x0  }
0x20e: {  	s0 =	simm.s32 @!p1 $0x80;
	s2 =	rddreg [dreg:$0xd];
	[sflag:s26] =	ssyncadd.s32 $0xFFFFE000  }
0x20f: {  	[tilespmem:s31], [sflag:$0x1] =	stream.strided.gather @!p1 [hbm4b:s2+s0], $0x4000, s1, s0, $0x38;
	[tilespmem:$0x1E700] =	vst v63  }
0x210: {  	s0 =	simm.s32 @!p1 $0x1  }
0x211: {  	_ =	swait.ge @!p1 [sflag:s0], $0x4000  }
0x212: {  	[sflag:s0] =	ssyncset.done @!p1 $0x0  }
0x213: {  	s1 =	simm.s32 $0x0;
	s2 =	rddreg [dreg:$0x1a];
	[sflag:s0] =	ssyncadd.s32 @!p1 $0xFFFFC000  }
0x214: {  	[tilespmem:s1], [sflag:$0x1] =	stream.strided.gather [hbm4b:s2+s24], $0x18700, s25, s24, $0x38;
	[tilespmem:$0x1E700] =	vst v63  }
0x215: {  	_ =	swait.ge [sflag:s26], $0x18700  }
0x216: {  	[sflag:s26] =	ssyncset.done $0x0  }
0x217: {  	s0 =	simm.s32 $0x0;
	[sflag:s26] =	ssyncadd.s32 $0xFFFE7900  }
0x218: {  	v0 =	vld [tilespmem:s0+$0x18700];
	_ =	sdelay $0x7  }
0x219: {  	s31 =	simm.s32 $0x10;
	s1 =	simm.s32 $0x80;
	v0 =	vld.idx.msk [tilespmem:v0+s28+$0x0], $0xffff  }
.LBB2_38:
0x21a: {  	p5 =	sne.s32 s1, $0x7FC0;
	v1 =	vld [tilespmem:s31+$0x18700];
	_ =	sdelay $0x3  }
.Ltmp18:
0x21b: {  	(pc) =	sbr.rel @p5 .LBB2_38-.Ltmp18, $2  }
0x21c: {  	[tilespmem:s0+$0x1C700] =	vst v0;
	s0 =	smov.u32 s31;
	_ =	sdelay $0x2  }
0x21d: {  	s31 =	sshra.s32 s1, $0x2;
	s1 =	sadd.s32 $0x40, s1;
	v0 =	vld.idx.msk [tilespmem:v1+s28+$0x0], $0xffff  }
0x21e: {  	v1 =	vld [tilespmem:s31+$0x18700];
	_ =	sdelay $0x6  }
0x21f: {  	[tilespmem:s0+$0x1C700] =	vst v0  }
0x220: {  	v0 =	vld.idx.msk [tilespmem:v1+s28+$0x0], $0xffff;
	_ =	sdelay $0x4  }
0x221: {  	[tilespmem:s31+$0x1C700] =	vst v0;
	s31 =	simm.s32 $0x1C700  }
0x222: {  	[hbm4b:s15+s24] =	stream.strided.scatter [tilespmem:s31], [sflag:$0x1], $0x2000, s25, s24, $0x38;
	[tilespmem:$0x1E700] =	vst v63  }
0x223: {  	_ =	swait.ge [sflag:s26], $0x2000  }
0x224: {  	s1 =	simm.s32 $0x0;
	[sflag:s26] =	ssyncset.done $0x0  }
0x225: {  	s0 =	sand.u32 $0x1FF0, s1;
	[sflag:s26] =	ssyncadd.s32 $0xFFFFE000  }
0x226: {  	v63 =	vld [tilespmem:s0+$0x1A700];
	_ =	sdelay $0x7  }
0x227: {  	v0 =	vld.idx.msk [tilespmem:v63+s28+$0x0], $0xffff;
	_ =	sdelay $0x3  }
0x228: {  	s2 =	simm.s32 $0x10  }
0x229: {  	s1 =	sand.u32 $0x1FF0, s2;
	s0 =	simm.s32 $0x20;
	[tilespmem:s31+$0x0] =	vst v0  }
.LBB2_40:
0x22a: {  	p5 =	sne.s32 s0, $0x1FF0;
	v0 =	vld [tilespmem:s1+$0x1A700];
	_ =	sdelay $0x7  }
0x22b: {  	v0 =	vld.idx.msk [tilespmem:v0+s28+$0x0], $0xffff;
	_ =	sdelay $0x1  }
.Ltmp19:
0x22c: {  	(pc) =	sbr.rel @p5 .LBB2_40-.Ltmp19, $3  }
0x22d: {  	_ =	sdelay $0x1  }
0x22e: {  	s31 =	sadd.s32 $0x10, s31  }
0x22f: {  	s1 =	sand.u32 $0x1FF0, s0;
	s0 =	sadd.s32 $0x10, s0;
	[tilespmem:s31+$0x0] =	vst v0  }
0x230: {  	v0 =	vld [tilespmem:s1+$0x1A700];
	_ =	sdelay $0x7  }
0x231: {  	v0 =	vld.idx.msk [tilespmem:v0+s28+$0x0], $0xffff;
	_ =	sdelay $0x3  }
0x232: {  	s0 =	sadd.s32 $0x10, s31  }
0x233: {  	[tilespmem:s0+$0x0] =	vst v0  }
0x234: {  	[hbm4b:s16+s24] =	stream.strided.scatter [tilespmem:s29], [sflag:$0x1], $0x2000, s25, s24, $0x38;
	[tilespmem:$0x1E700] =	vst v63  }
0x235: {  	_ =	swait.ge [sflag:s26], $0x2000  }
0x236: {  	s1 =	simm.s32 @!p2 $0x400;
	s31 =	simm.s32 @!p2 $0x18700;
	[sflag:s26] =	ssyncset.done $0x0  }
0x237: {  	s0 =	simm.s32 @!p2 $0x80;
	s2 =	rddreg [dreg:$0xe];
	[sflag:s26] =	ssyncadd.s32 $0xFFFFE000  }
0x238: {  	[tilespmem:s31], [sflag:$0x1] =	stream.strided.gather @!p2 [hbm4b:s2+s0], $0x4000, s1, s0, $0x38;
	[tilespmem:$0x1E700] =	vst v63  }
0x239: {  	s0 =	simm.s32 @!p2 $0x1  }
0x23a: {  	_ =	swait.ge @!p2 [sflag:s0], $0x4000  }
0x23b: {  	[sflag:s0] =	ssyncset.done @!p2 $0x0  }
0x23c: {  	s1 =	simm.s32 $0x0;
	s2 =	rddreg [dreg:$0x1b];
	[sflag:s0] =	ssyncadd.s32 @!p2 $0xFFFFC000  }
0x23d: {  	[tilespmem:s1], [sflag:$0x1] =	stream.strided.gather [hbm4b:s2+s24], $0x18700, s25, s24, $0x38;
	[tilespmem:$0x1E700] =	vst v63  }
0x23e: {  	_ =	swait.ge [sflag:s26], $0x18700  }
0x23f: {  	[sflag:s26] =	ssyncset.done $0x0  }
0x240: {  	s0 =	simm.s32 $0x0;
	[sflag:s26] =	ssyncadd.s32 $0xFFFE7900  }
0x241: {  	v0 =	vld [tilespmem:s0+$0x18700];
	_ =	sdelay $0x7  }
0x242: {  	s31 =	simm.s32 $0x10;
	s1 =	simm.s32 $0x80;
	v0 =	vld.idx.msk [tilespmem:v0+s28+$0x0], $0xffff  }
.LBB2_42:
0x243: {  	p5 =	sne.s32 s1, $0x7FC0;
	v1 =	vld [tilespmem:s31+$0x18700];
	_ =	sdelay $0x3  }
.Ltmp20:
0x244: {  	(pc) =	sbr.rel @p5 .LBB2_42-.Ltmp20, $2  }
0x245: {  	[tilespmem:s0+$0x1C700] =	vst v0;
	s0 =	smov.u32 s31;
	_ =	sdelay $0x2  }
0x246: {  	s31 =	sshra.s32 s1, $0x2;
	s1 =	sadd.s32 $0x40, s1;
	v0 =	vld.idx.msk [tilespmem:v1+s28+$0x0], $0xffff  }
0x247: {  	v1 =	vld [tilespmem:s31+$0x18700];
	_ =	sdelay $0x6  }
0x248: {  	[tilespmem:s0+$0x1C700] =	vst v0  }
0x249: {  	v0 =	vld.idx.msk [tilespmem:v1+s28+$0x0], $0xffff;
	_ =	sdelay $0x4  }
0x24a: {  	[tilespmem:s31+$0x1C700] =	vst v0;
	s31 =	simm.s32 $0x1C700  }
0x24b: {  	[hbm4b:s17+s24] =	stream.strided.scatter [tilespmem:s31], [sflag:$0x1], $0x2000, s25, s24, $0x38;
	[tilespmem:$0x1E700] =	vst v63  }
0x24c: {  	_ =	swait.ge [sflag:s26], $0x2000  }
0x24d: {  	s1 =	simm.s32 $0x0;
	[sflag:s26] =	ssyncset.done $0x0  }
0x24e: {  	s0 =	sand.u32 $0x1FF0, s1;
	[sflag:s26] =	ssyncadd.s32 $0xFFFFE000  }
0x24f: {  	v63 =	vld [tilespmem:s0+$0x1A700];
	_ =	sdelay $0x7  }
0x250: {  	v0 =	vld.idx.msk [tilespmem:v63+s28+$0x0], $0xffff;
	_ =	sdelay $0x3  }
0x251: {  	s2 =	simm.s32 $0x10  }
0x252: {  	s1 =	sand.u32 $0x1FF0, s2;
	s0 =	simm.s32 $0x20;
	[tilespmem:s31+$0x0] =	vst v0  }
.LBB2_44:
0x253: {  	p5 =	sne.s32 s0, $0x1FF0;
	v0 =	vld [tilespmem:s1+$0x1A700];
	_ =	sdelay $0x7  }
0x254: {  	v0 =	vld.idx.msk [tilespmem:v0+s28+$0x0], $0xffff;
	_ =	sdelay $0x1  }
.Ltmp21:
0x255: {  	(pc) =	sbr.rel @p5 .LBB2_44-.Ltmp21, $3  }
0x256: {  	_ =	sdelay $0x1  }
0x257: {  	s31 =	sadd.s32 $0x10, s31  }
0x258: {  	s1 =	sand.u32 $0x1FF0, s0;
	s0 =	sadd.s32 $0x10, s0;
	[tilespmem:s31+$0x0] =	vst v0  }
0x259: {  	v0 =	vld [tilespmem:s1+$0x1A700];
	_ =	sdelay $0x7  }
0x25a: {  	v0 =	vld.idx.msk [tilespmem:v0+s28+$0x0], $0xffff;
	_ =	sdelay $0x3  }
0x25b: {  	s0 =	sadd.s32 $0x10, s31  }
0x25c: {  	[tilespmem:s0+$0x0] =	vst v0  }
0x25d: {  	[hbm4b:s18+s24] =	stream.strided.scatter [tilespmem:s29], [sflag:$0x1], $0x2000, s25, s24, $0x38;
	[tilespmem:$0x1E700] =	vst v63  }
0x25e: {  	_ =	swait.ge [sflag:s26], $0x2000  }
0x25f: {  	s1 =	simm.s32 @!p3 $0x400;
	s31 =	simm.s32 @!p3 $0x18700;
	[sflag:s26] =	ssyncset.done $0x0  }
0x260: {  	s0 =	simm.s32 @!p3 $0x80;
	s2 =	rddreg [dreg:$0xf];
	[sflag:s26] =	ssyncadd.s32 $0xFFFFE000  }
0x261: {  	[tilespmem:s31], [sflag:$0x1] =	stream.strided.gather @!p3 [hbm4b:s2+s0], $0x4000, s1, s0, $0x38;
	[tilespmem:$0x1E700] =	vst v63  }
0x262: {  	s0 =	simm.s32 @!p3 $0x1  }
0x263: {  	_ =	swait.ge @!p3 [sflag:s0], $0x4000  }
0x264: {  	[sflag:s0] =	ssyncset.done @!p3 $0x0  }
0x265: {  	s1 =	simm.s32 $0x0;
	s2 =	rddreg [dreg:$0x1c];
	[sflag:s0] =	ssyncadd.s32 @!p3 $0xFFFFC000  }
0x266: {  	[tilespmem:s1], [sflag:$0x1] =	stream.strided.gather [hbm4b:s2+s24], $0x18700, s25, s24, $0x38;
	[tilespmem:$0x1E700] =	vst v63  }
0x267: {  	_ =	swait.ge [sflag:s26], $0x18700  }
0x268: {  	[sflag:s26] =	ssyncset.done $0x0  }
0x269: {  	s0 =	simm.s32 $0x0;
	[sflag:s26] =	ssyncadd.s32 $0xFFFE7900  }
0x26a: {  	v0 =	vld [tilespmem:s0+$0x18700];
	_ =	sdelay $0x7  }
0x26b: {  	s31 =	simm.s32 $0x10;
	s1 =	simm.s32 $0x80;
	v0 =	vld.idx.msk [tilespmem:v0+s28+$0x0], $0xffff  }
.LBB2_46:
0x26c: {  	p5 =	sne.s32 s1, $0x7FC0;
	v1 =	vld [tilespmem:s31+$0x18700];
	_ =	sdelay $0x3  }
.Ltmp22:
0x26d: {  	(pc) =	sbr.rel @p5 .LBB2_46-.Ltmp22, $2  }
0x26e: {  	[tilespmem:s0+$0x1C700] =	vst v0;
	s0 =	smov.u32 s31;
	_ =	sdelay $0x2  }
0x26f: {  	s31 =	sshra.s32 s1, $0x2;
	s1 =	sadd.s32 $0x40, s1;
	v0 =	vld.idx.msk [tilespmem:v1+s28+$0x0], $0xffff  }
0x270: {  	v1 =	vld [tilespmem:s31+$0x18700];
	_ =	sdelay $0x6  }
0x271: {  	[tilespmem:s0+$0x1C700] =	vst v0  }
0x272: {  	v0 =	vld.idx.msk [tilespmem:v1+s28+$0x0], $0xffff;
	_ =	sdelay $0x4  }
0x273: {  	[tilespmem:s31+$0x1C700] =	vst v0;
	s31 =	simm.s32 $0x1C700  }
0x274: {  	[hbm4b:s19+s24] =	stream.strided.scatter [tilespmem:s31], [sflag:$0x1], $0x2000, s25, s24, $0x38;
	[tilespmem:$0x1E700] =	vst v63  }
0x275: {  	_ =	swait.ge [sflag:s26], $0x2000  }
0x276: {  	s1 =	simm.s32 $0x0;
	[sflag:s26] =	ssyncset.done $0x0  }
0x277: {  	s0 =	sand.u32 $0x1FF0, s1;
	[sflag:s26] =	ssyncadd.s32 $0xFFFFE000  }
0x278: {  	v63 =	vld [tilespmem:s0+$0x1A700];
	_ =	sdelay $0x7  }
0x279: {  	v0 =	vld.idx.msk [tilespmem:v63+s28+$0x0], $0xffff;
	_ =	sdelay $0x3  }
0x27a: {  	s2 =	simm.s32 $0x10  }
0x27b: {  	s1 =	sand.u32 $0x1FF0, s2;
	s0 =	simm.s32 $0x20;
	[tilespmem:s31+$0x0] =	vst v0  }
.LBB2_48:
0x27c: {  	p5 =	sne.s32 s0, $0x1FF0;
	v0 =	vld [tilespmem:s1+$0x1A700];
	_ =	sdelay $0x7  }
0x27d: {  	v0 =	vld.idx.msk [tilespmem:v0+s28+$0x0], $0xffff;
	_ =	sdelay $0x1  }
.Ltmp23:
0x27e: {  	(pc) =	sbr.rel @p5 .LBB2_48-.Ltmp23, $3  }
0x27f: {  	_ =	sdelay $0x1  }
0x280: {  	s31 =	sadd.s32 $0x10, s31  }
0x281: {  	s1 =	sand.u32 $0x1FF0, s0;
	s0 =	sadd.s32 $0x10, s0;
	[tilespmem:s31+$0x0] =	vst v0  }
0x282: {  	v0 =	vld [tilespmem:s1+$0x1A700];
	_ =	sdelay $0x7  }
0x283: {  	v0 =	vld.idx.msk [tilespmem:v0+s28+$0x0], $0xffff;
	_ =	sdelay $0x3  }
0x284: {  	s0 =	sadd.s32 $0x10, s31  }
0x285: {  	[tilespmem:s0+$0x0] =	vst v0  }
0x286: {  	[hbm4b:s20+s24] =	stream.strided.scatter [tilespmem:s29], [sflag:$0x1], $0x2000, s25, s24, $0x38;
	[tilespmem:$0x1E700] =	vst v63  }
0x287: {  	_ =	swait.ge [sflag:s26], $0x2000  }
0x288: {  	s1 =	simm.s32 @!p4 $0x400;
	s31 =	simm.s32 @!p4 $0x18700;
	[sflag:s26] =	ssyncset.done $0x0  }
0x289: {  	s0 =	simm.s32 @!p4 $0x80;
	s2 =	rddreg [dreg:$0x10];
	[sflag:s26] =	ssyncadd.s32 $0xFFFFE000  }
0x28a: {  	[tilespmem:s31], [sflag:$0x1] =	stream.strided.gather @!p4 [hbm4b:s2+s0], $0x4000, s1, s0, $0x38;
	[tilespmem:$0x1E700] =	vst v63  }
0x28b: {  	s0 =	simm.s32 @!p4 $0x1  }
0x28c: {  	_ =	swait.ge @!p4 [sflag:s0], $0x4000  }
0x28d: {  	[sflag:s0] =	ssyncset.done @!p4 $0x0  }
0x28e: {  	s1 =	simm.s32 $0x0;
	s2 =	rddreg [dreg:$0x1d];
	[sflag:s0] =	ssyncadd.s32 @!p4 $0xFFFFC000  }
0x28f: {  	[tilespmem:s1], [sflag:$0x1] =	stream.strided.gather [hbm4b:s2+s24], $0x18700, s25, s24, $0x38;
	[tilespmem:$0x1E700] =	vst v63  }
0x290: {  	_ =	swait.ge [sflag:s26], $0x18700  }
0x291: {  	[sflag:s26] =	ssyncset.done $0x0  }
0x292: {  	s0 =	simm.s32 $0x0;
	[sflag:s26] =	ssyncadd.s32 $0xFFFE7900  }
0x293: {  	v0 =	vld [tilespmem:s0+$0x18700];
	_ =	sdelay $0x7  }
0x294: {  	s31 =	simm.s32 $0x10;
	s1 =	simm.s32 $0x80;
	v0 =	vld.idx.msk [tilespmem:v0+s28+$0x0], $0xffff  }
.LBB2_50:
0x295: {  	p5 =	sne.s32 s1, $0x7FC0;
	v1 =	vld [tilespmem:s31+$0x18700];
	_ =	sdelay $0x3  }
.Ltmp24:
0x296: {  	(pc) =	sbr.rel @p5 .LBB2_50-.Ltmp24, $2  }
0x297: {  	[tilespmem:s0+$0x1C700] =	vst v0;
	s0 =	smov.u32 s31;
	_ =	sdelay $0x2  }
0x298: {  	s31 =	sshra.s32 s1, $0x2;
	s1 =	sadd.s32 $0x40, s1;
	v0 =	vld.idx.msk [tilespmem:v1+s28+$0x0], $0xffff  }
0x299: {  	v1 =	vld [tilespmem:s31+$0x18700];
	_ =	sdelay $0x6  }
0x29a: {  	[tilespmem:s0+$0x1C700] =	vst v0  }
0x29b: {  	v0 =	vld.idx.msk [tilespmem:v1+s28+$0x0], $0xffff;
	_ =	sdelay $0x4  }
0x29c: {  	[tilespmem:s31+$0x1C700] =	vst v0;
	s31 =	simm.s32 $0x1C700  }
0x29d: {  	[hbm4b:s21+s24] =	stream.strided.scatter [tilespmem:s31], [sflag:$0x1], $0x2000, s25, s24, $0x38;
	[tilespmem:$0x1E700] =	vst v63  }
0x29e: {  	_ =	swait.ge [sflag:s26], $0x2000  }
0x29f: {  	s1 =	simm.s32 $0x0;
	[sflag:s26] =	ssyncset.done $0x0  }
0x2a0: {  	s0 =	sand.u32 $0x1FF0, s1;
	[sflag:s26] =	ssyncadd.s32 $0xFFFFE000  }
0x2a1: {  	v63 =	vld [tilespmem:s0+$0x1A700];
	_ =	sdelay $0x7  }
0x2a2: {  	v0 =	vld.idx.msk [tilespmem:v63+s28+$0x0], $0xffff;
	_ =	sdelay $0x3  }
0x2a3: {  	s2 =	simm.s32 $0x10  }
0x2a4: {  	s1 =	sand.u32 $0x1FF0, s2;
	s0 =	simm.s32 $0x20;
	[tilespmem:s31+$0x0] =	vst v0  }
.LBB2_52:
0x2a5: {  	p5 =	sne.s32 s0, $0x1FF0;
	v0 =	vld [tilespmem:s1+$0x1A700];
	_ =	sdelay $0x7  }
0x2a6: {  	v0 =	vld.idx.msk [tilespmem:v0+s28+$0x0], $0xffff;
	_ =	sdelay $0x1  }
.Ltmp25:
0x2a7: {  	(pc) =	sbr.rel @p5 .LBB2_52-.Ltmp25, $3  }
0x2a8: {  	_ =	sdelay $0x1  }
0x2a9: {  	s31 =	sadd.s32 $0x10, s31  }
0x2aa: {  	s1 =	sand.u32 $0x1FF0, s0;
	s0 =	sadd.s32 $0x10, s0;
	[tilespmem:s31+$0x0] =	vst v0  }
0x2ab: {  	v0 =	vld [tilespmem:s1+$0x1A700];
	_ =	sdelay $0x7  }
0x2ac: {  	v0 =	vld.idx.msk [tilespmem:v0+s28+$0x0], $0xffff;
	_ =	sdelay $0x2  }
0x2ad: {  	s30 =	sadd.s32 $0x1, s30  }
0x2ae: {  	s0 =	sadd.s32 $0x10, s31;
	p5 =	sne.s32 s30, s23  }
.Ltmp26:
0x2af: {  	[tilespmem:s0+$0x0] =	vst v0;
	(pc) =	sbr.rel @p5 .LBB2_1-.Ltmp26, $4  }
0x2b0: {  	[hbm4b:s22+s24] =	stream.strided.scatter [tilespmem:s29], [sflag:$0x1], $0x2000, s25, s24, $0x38;
	[tilespmem:$0x1E700] =	vst v63  }
0x2b1: {  	_ =	swait.ge [sflag:s26], $0x2000  }
0x2b2: {  	[sflag:s26] =	ssyncset.done $0x0  }
0x2b3: {  	[sflag:s26] =	ssyncadd.s32 $0xFFFFE000  }
0x2b4: {  	_ =	sfence.sel $0x180000  }
0x2b5: {  	[bflag:$0x0] =	sbarrier.arrive $0xFFFF  }
0x2b6: {  	_ =	strace $0x90000047  }
0x2b7: {  	s0 =	stileid.u32;
	[bflag:$0x2] =	sbarrier.arrive $0xFFFF  }
0x2b8: {  	p0 =	sne.s32 s0, $0x0;
	s0 =	rddreg [dreg:$0x3]  }
0x2b9: {  	s0 =	sadd.s32 @!p0 $0x100000, s0  }
0x2ba: {  	[sflag:s0] =	ssyncadd.tile.s32 @!p0 $0x1;
	_ =	shalt  }
.Lfunc_end2:
_tile_overlayer_lowered:
.L_overlay_start_2:
0x2bb: {  	(tag) =	ssettag $0x2  }
0x2bc: {  	s0 =	rddreg [dreg:$0x0];
	s2 =	stileid.u32  }
0x2bd: {  	s1 =	rddreg [dreg:$0x1];
	p0 =	sne.s32 s2, $0x0  }
0x2be: {  	s3 =	rddreg [dreg:$0x2];
	[bflag:$0x3] =	sbarrier.arrive $0xFFFF;
	s2 =	simm.s32 @!p0 $0x1C01  }
0x2bf: {  	[timem:s3], [sflag:s2] =	dma.local @!p0 [hbm:s0], s1  }
0x2c0: {  	s0 =	simm.s32 @!p0 $0x1  }
0x2c1: {  	_ =	swait.ge @!p0 [sflag:s0], s1  }
0x2c2: {  	s1 =	ssub.s32 @!p0 $0x0, s1;
	[sflag:s0] =	ssyncset.done @!p0 $0x0  }
0x2c3: {  	[sflag:s0] =	ssyncadd.s32 @!p0 s1  }
0x2c4: {  	[bflag:$0x3] =	sbarrier.arrive $0xFFFF  }
0x2c5: {  	_ =	shalt  }

</sc_bundles>
